<compile_context>
chip_gen: v7x
topology: tpu7x:2x2x1
jax: 0.10.2.dev20260603
libtpu: 0.0.44.dev20260713+nightly
codegen_flags: <defaults>
</compile_context>

<pallas_src>
import functools

import jax
import jax.numpy as jnp
from jax import lax
from jax.experimental import pallas as pl
from jax.experimental.pallas import tpu as pltpu
from jax.experimental.pallas import tpu_sc as plsc

N = 10000
E = 320000
D = 128
G = 64

NC = 2
NS = 16
NW = NC * NS
K = 128
NBUF = 3
STEPS = (E + NW * K - 1) // (NW * K)
EPAD = NW * K * STEPS
ROWS_PER_TILE = 632
ACC_ROWS = NS * ROWS_PER_TILE
OUT_PER_TILE = ROWS_PER_TILE
RB = 10
BN = N // RB


def _fill(ref, rows, width, value):
    v = jnp.full((16,), value, jnp.float32)

    @pl.loop(0, rows)
    def _(i):
        for j in range(width // 16):
            ref[i, pl.ds(j * 16, 16)] = v


def _zero_acc_slice(zbuf, acc_sh, s, rows_per_tile, zrows):
    base = s * rows_per_tile
    off = 0
    while off < rows_per_tile:
        ch = min(zrows, rows_per_tile - off)
        pltpu.sync_copy(zbuf.at[pl.ds(0, ch)], acc_sh.at[pl.ds(base + off, ch)])
        off += ch


def _agg_body(g_hbm, idx_hbm, out_hbm,
              idx_v, rows, acc_sh, sem_rows, sem_idx):
    c = lax.axis_index("c")
    s = lax.axis_index("s")
    w = s * NC + c
    _fill(rows, K, D, 0.0)
    _zero_acc_slice(rows, acc_sh, s, ROWS_PER_TILE, K)
    plsc.subcore_barrier()

    for p in range(NBUF):
        pltpu.sync_copy(idx_hbm.at[w, p], idx_v.at[p])
    pltpu.async_copy(g_hbm.at[idx_v.at[0, 0]], rows.at[pl.ds(0, K)],
                     sem_rows.at[0])
    pltpu.async_copy(g_hbm.at[idx_v.at[1, 0]], rows.at[pl.ds(K, K)],
                     sem_rows.at[1])

    @pl.loop(0, STEPS)
    def _(j):
        ph = lax.rem(j, NBUF)
        gph = lax.rem(j + 2, NBUF)
        pltpu.make_async_copy(g_hbm.at[idx_v.at[ph, 0]],
                              rows.at[pl.ds(ph * K, K)],
                              sem_rows.at[ph]).wait()

        @pl.when(j + 2 < STEPS)
        def _():
            @pl.when(j >= 1)
            def _():
                pltpu.make_async_copy(idx_hbm.at[w, j + 2], idx_v.at[gph],
                                      sem_idx.at[gph]).wait()
            pltpu.async_copy(g_hbm.at[idx_v.at[gph, 0]],
                             rows.at[pl.ds(gph * K, K)], sem_rows.at[gph],
                             priority=1)

        pltpu.sync_copy(rows.at[pl.ds(ph * K, K)],
                        acc_sh.at[idx_v.at[ph, 1]], add=True)

        @pl.when(j + 3 < STEPS)
        def _():
            pltpu.async_copy(idx_hbm.at[w, j + 3], idx_v.at[ph],
                             sem_idx.at[ph])

    plsc.subcore_barrier()
    ob = s * OUT_PER_TILE
    pltpu.sync_copy(acc_sh.at[pl.ds(ob, OUT_PER_TILE)],
                    out_hbm.at[c, pl.ds(ob, OUT_PER_TILE)])


@functools.cache
def _agg_call():
    return pl.kernel(
        _agg_body,
        out_type=jax.ShapeDtypeStruct((NC, ACC_ROWS, D), jnp.float32),
        mesh=plsc.VectorSubcoreMesh(core_axis_name="c", subcore_axis_name="s"),
        scratch_types=[
            pltpu.VMEM((NBUF, 2, K), jnp.int32),
            pltpu.VMEM((NBUF * K, D), jnp.float32),
            pltpu.VMEM_SHARED((ACC_ROWS, D), jnp.float32),
            pltpu.SemaphoreType.DMA((NBUF,)),
            pltpu.SemaphoreType.DMA((NBUF,)),
        ],
    )


def _deg_body(dst_hbm, out_hbm, dst_v, ones_v, acc_sh):
    c = lax.axis_index("c")
    s = lax.axis_index("s")
    w = s * NC + c
    pltpu.sync_copy(dst_hbm.at[w], dst_v)
    _fill(ones_v, K, D, 0.0)
    _zero_acc_slice(ones_v, acc_sh, s, ROWS_PER_TILE, K)
    plsc.subcore_barrier()
    _fill(ones_v, K, D, 1.0)

    @pl.loop(0, STEPS)
    def _(j):
        pltpu.sync_copy(ones_v, acc_sh.at[dst_v.at[j]], add=True)

    plsc.subcore_barrier()
    ob = s * OUT_PER_TILE
    pltpu.sync_copy(acc_sh.at[pl.ds(ob, OUT_PER_TILE)],
                    out_hbm.at[c, pl.ds(ob, OUT_PER_TILE)])


@functools.cache
def _deg_call():
    return pl.kernel(
        _deg_body,
        out_type=jax.ShapeDtypeStruct((NC, ACC_ROWS, D), jnp.float32),
        mesh=plsc.VectorSubcoreMesh(core_axis_name="c", subcore_axis_name="s"),
        scratch_types=[
            pltpu.VMEM((STEPS, K), jnp.int32),
            pltpu.VMEM((K, D), jnp.float32),
            pltpu.VMEM_SHARED((ACC_ROWS, D), jnp.float32),
        ],
    )


def _k1_body(x_ref, w_ref, d0_ref, d1_ref, g_ref, dinv_ref, cs_ref):
    i = pl.program_id(0)
    x = x_ref[...]

    @pl.when(i == 0)
    def _():
        cs_ref[...] = jnp.zeros_like(cs_ref)

    cs_ref[...] += jnp.sum(x, axis=0, keepdims=True)
    dinv = lax.rsqrt(d0_ref[...] + d1_ref[...] + 1.0)
    dinv_ref[...] = dinv
    g_ref[...] = dinv * jnp.dot(x, w_ref[...],
                                preferred_element_type=jnp.float32)


def _kmid_body(a0_ref, a1_ref, gp_ref, dv_ref, b_ref, w_ref, out_ref):
    dinv = dv_ref[...]
    h = jnp.maximum(
        dinv * (a0_ref[...] + a1_ref[...] + gp_ref[...]) + b_ref[...], 0.0)
    out_ref[...] = dinv * jnp.dot(h, w_ref[...],
                                  preferred_element_type=jnp.float32)


def _k4_body(a0_ref, a1_ref, gp_ref, dv_ref, b_ref, batch_ref, cs_ref,
             pooled_ref, hc_ref, cnt_ref):
    i = pl.program_id(0)
    dinv = dv_ref[...]
    h = jnp.maximum(
        dinv * (a0_ref[...] + a1_ref[...] + gp_ref[...]) + b_ref[...], 0.0)
    seg = batch_ref[...]
    onehot = (seg == lax.broadcasted_iota(jnp.int32, (BN, G), 1)
              ).astype(jnp.float32)
    psum = lax.dot_general(onehot, h, (((0,), (0,)), ((), ())),
                           preferred_element_type=jnp.float32)
    ones_col = jnp.ones((BN, 1), jnp.float32)
    csum = lax.dot_general(onehot, ones_col, (((0,), (0,)), ((), ())),
                           preferred_element_type=jnp.float32)

    @pl.when(i == 0)
    def _():
        pooled_ref[...] = jnp.zeros_like(pooled_ref)
        cnt_ref[...] = jnp.zeros_like(cnt_ref)

    pooled_ref[...] += psum
    cnt_ref[...] += csum

    @pl.when(i == RB - 1)
    def _():
        pooled_ref[...] = pooled_ref[...] / jnp.maximum(cnt_ref[...], 1.0)
        cs = cs_ref[...]
        hc_ref[...] = cs / jnp.sum(cs)


_row_spec = pl.BlockSpec((BN, D), lambda i: (i, 0))
_col_spec = pl.BlockSpec((BN, 1), lambda i: (i, 0))
_w_spec = pl.BlockSpec((D, D), lambda i: (0, 0))
_vec_spec = pl.BlockSpec((1, D), lambda i: (0, 0))

_k1_call = pl.pallas_call(
    _k1_body,
    grid=(RB,),
    in_specs=[_row_spec, _w_spec, _col_spec, _col_spec],
    out_specs=[_row_spec, _col_spec, _vec_spec],
    out_shape=[
        jax.ShapeDtypeStruct((N, D), jnp.float32),
        jax.ShapeDtypeStruct((N, 1), jnp.float32),
        jax.ShapeDtypeStruct((1, D), jnp.float32),
    ],
)

_kmid_call = pl.pallas_call(
    _kmid_body,
    grid=(RB,),
    in_specs=[_row_spec, _row_spec, _row_spec, _col_spec, _vec_spec, _w_spec],
    out_specs=_row_spec,
    out_shape=jax.ShapeDtypeStruct((N, D), jnp.float32),
)

_k4_call = pl.pallas_call(
    _k4_body,
    grid=(RB,),
    in_specs=[_row_spec, _row_spec, _row_spec, _col_spec, _vec_spec,
              _col_spec, _vec_spec],
    out_specs=[pl.BlockSpec((G, D), lambda i: (0, 0)),
               pl.BlockSpec((1, D), lambda i: (0, 0))],
    out_shape=[
        jax.ShapeDtypeStruct((G, D), jnp.float32),
        jax.ShapeDtypeStruct((1, D), jnp.float32),
    ],
    scratch_shapes=[pltpu.VMEM((G, 1), jnp.float32)],
)


def kernel(x, edge_index, batch, W1, b1, W2, b2, W3, b3):
    src = edge_index[0]
    dst = edge_index[1]
    pad = EPAD - E
    srcp = jnp.concatenate(
        [src, jnp.zeros((pad,), jnp.int32)]).reshape(NW, STEPS, K)
    dstp = jnp.concatenate(
        [dst, jnp.full((pad,), N, jnp.int32)]).reshape(NW, STEPS, K)
    idxp = jnp.stack([srcp, dstp], axis=2)

    deg_p = _deg_call()(dstp)
    dp0 = deg_p[0, :N, 0:1]
    dp1 = deg_p[1, :N, 0:1]

    g1, dinv, colsum = _k1_call(x, W1, dp0, dp1)
    a1 = _agg_call()(g1, idxp)
    g2 = _kmid_call(a1[0, :N], a1[1, :N], g1, dinv, b1.reshape(1, D), W2)
    a2 = _agg_call()(g2, idxp)
    g3 = _kmid_call(a2[0, :N], a2[1, :N], g2, dinv, b2.reshape(1, D), W3)
    a3 = _agg_call()(g3, idxp)
    pooled, hc = _k4_call(a3[0, :N], a3[1, :N], g3, dinv, b3.reshape(1, D),
                          batch.reshape(N, 1), colsum)
    return (pooled, hc.reshape(D))

# --- scband reference (transcript-rebuilt; emitter-appended) ---
"""Pipeline reference for scband-convolution-module-18305150615818 (READ-ONLY COPY).

The authoritative reference and input builder live on the scoring server;
editing this copy changes nothing except your own understanding.
"""

import jax, jax.numpy as jnp
import numpy as np

N = 10000
E = 320000
D = 128
G = 64  # number of graphs in the batch


def setup_inputs(seed: int = 0) -> dict:
    key = jax.random.key(seed)
    ks = jax.random.split(key, 10)
    x = jax.random.normal(ks[0], (N, D), dtype=jnp.float32)
    edge_index = jax.random.randint(ks[1], (2, E), 0, N, dtype=jnp.int32)
    batch = jnp.sort(jax.random.randint(ks[2], (N,), 0, G, dtype=jnp.int32))
    # GCNConv parameters: 3 layers (conv1 + 2 in ModuleList), all D->D
    W1 = jax.random.normal(ks[3], (D, D), dtype=jnp.float32) * 0.05
    b1 = jnp.zeros((D,), dtype=jnp.float32)
    W2 = jax.random.normal(ks[4], (D, D), dtype=jnp.float32) * 0.05
    b2 = jnp.zeros((D,), dtype=jnp.float32)
    W3 = jax.random.normal(ks[5], (D, D), dtype=jnp.float32) * 0.05
    b3 = jnp.zeros((D,), dtype=jnp.float32)
    return {"x": x, "edge_index": edge_index, "batch": batch,
            "W1": W1, "b1": b1, "W2": W2, "b2": b2, "W3": W3, "b3": b3}


def _gcn_conv(h, edge_index, W, b):
    # PyG GCNConv: h' = D^{-1/2} (A + I) D^{-1/2} (h @ W) + b
    h = h @ W
    src = edge_index[0]
    dst = edge_index[1]
    loop = jnp.arange(N, dtype=src.dtype)
    s = jnp.concatenate([src, loop])
    d = jnp.concatenate([dst, loop])
    ones = jnp.ones(s.shape[0], dtype=h.dtype)
    deg = jnp.zeros((N,), dtype=h.dtype).at[d].add(ones)
    dinv = jnp.where(deg > 0, jax.lax.rsqrt(deg), 0.0)
    norm = dinv[s] * dinv[d]
    msg = h[s] * norm[:, None]
    out = jnp.zeros_like(h).at[d].add(msg)
    return out + b


def reference(x, edge_index, batch, W1, b1, W2, b2, W3, b3):
    # handcrafted features: per-dim fraction of total feature mass
    col_sum = x.sum(axis=0)
    handcrafted = col_sum / col_sum.sum()
    h = jax.nn.relu(_gcn_conv(x, edge_index, W1, b1))
    h = jax.nn.relu(_gcn_conv(h, edge_index, W2, b2))
    h = jax.nn.relu(_gcn_conv(h, edge_index, W3, b3))
    # global_mean_pool over batch assignment
    seg = jax.ops.segment_sum(h, batch, num_segments=G)
    cnt = jax.ops.segment_sum(jnp.ones((N,), dtype=h.dtype), batch, num_segments=G)
    pooled = seg / jnp.maximum(cnt, 1.0)[:, None]
    return (pooled, handcrafted)

if __name__ == "__main__":
    import jax
    _d = setup_inputs()
    print(jax.jit(kernel)(*tuple(_d.values())))

</pallas_src>

<mosaic_0001>
#map = affine_map<(d0, d1) -> (0, 0)>
#map1 = affine_map<(d0, d1) -> (0, 0, 0, 0)>
#map2 = affine_map<(d0, d1) -> (0, 0, 0)>
module attributes {stable_mosaic.version = 14 : i64} {
  func.func @_agg_body(%arg0: i32, %arg1: i32, %arg2: memref<10000x128xf32, #tpu.memory_space<hbm>>, %arg3: memref<32x79x2x128xi32, #tpu.memory_space<hbm>>, %arg4: memref<2x10112x128xf32, #tpu.memory_space<hbm>>, %arg5: memref<3x2x128xi32, #tpu.memory_space<vmem>>, %arg6: memref<384x128xf32, #tpu.memory_space<vmem>>, %arg7: memref<10112x128xf32, #tpu.memory_space<vmem_shared>>, %arg8: memref<3x!tpu.dma_semaphore, #tpu.memory_space<semaphore_mem>>, %arg9: memref<3x!tpu.dma_semaphore, #tpu.memory_space<semaphore_mem>>) attributes {dimension_semantics = [#tpu.dimension_semantics<core_parallel>, #tpu.dimension_semantics<subcore_parallel>], iteration_bounds = array<i64: 2, 16>, scalar_prefetch = 0 : i64, scratch_operands = 5 : i64, tpu.core_type = #tpu.core_type<sc_vector_subcore>, window_params = [{transform_indices = #map}, {transform_indices = #map1}, {transform_indices = #map2}]} {
    %mul3A = arith.constant 2 : i32
    %mul3A_0 = arith.muli %arg1, %mul3A : i32
    %add3A = arith.addi %mul3A_0, %arg0 : i32
    %broadcast_in_dim3A = arith.constant 0.000000e+00 : f32
    %broadcast_in_dim3A_1 = vector.broadcast %broadcast_in_dim3A : f32 to vector<16xf32>
    %scan3A = arith.constant 0 : i32
    %scan3A_2 = arith.constant 128 : i32
    %scan3A_3 = arith.addi %scan3A, %scan3A_2 : i32
    %scan3A_4 = arith.constant 1 : i32
    scf.for %scan3A_58 = %scan3A to %scan3A_3 step %scan3A_4  : i32 {
      %mul3A_59 = arith.constant 1 : i32
      %mul3A_60 = arith.muli %scan3A_58, %mul3A_59 : i32
      %add3A_61 = arith.constant 0 : i32
      %add3A_62 = arith.addi %add3A_61, %mul3A_60 : i32
      %swap3A = arith.index_cast %add3A_62 : i32 to index
      %swap3A_63 = arith.constant 0 : index
      %swap3A_64 = tpu.vector_load %arg6[%swap3A, %swap3A_63] {strides = array<i32>} : memref<384x128xf32, #tpu.memory_space<vmem>>, vector<1x16xf32>,
      %swap3A_65 = vector.shape_cast %swap3A_64 : vector<1x16xf32> to vector<16xf32>
      %swap3A_66 = vector.shape_cast %broadcast_in_dim3A_1 : vector<16xf32> to vector<1x16xf32>
      tpu.vector_store %arg6[%swap3A, %swap3A_63], %swap3A_66 {strides = array<i32>} : memref<384x128xf32, #tpu.memory_space<vmem>>, vector<1x16xf32>,
      %swap3A_67 = arith.index_cast %add3A_62 : i32 to index
      %swap3A_68 = arith.constant 16 : index
      %swap3A_69 = tpu.vector_load %arg6[%swap3A_67, %swap3A_68] {strides = array<i32>} : memref<384x128xf32, #tpu.memory_space<vmem>>, vector<1x16xf32>,
      %swap3A_70 = vector.shape_cast %swap3A_69 : vector<1x16xf32> to vector<16xf32>
      %swap3A_71 = vector.shape_cast %broadcast_in_dim3A_1 : vector<16xf32> to vector<1x16xf32>
      tpu.vector_store %arg6[%swap3A_67, %swap3A_68], %swap3A_71 {strides = array<i32>} : memref<384x128xf32, #tpu.memory_space<vmem>>, vector<1x16xf32>,
      %swap3A_72 = arith.index_cast %add3A_62 : i32 to index
      %swap3A_73 = arith.constant 32 : index
      %swap3A_74 = tpu.vector_load %arg6[%swap3A_72, %swap3A_73] {strides = array<i32>} : memref<384x128xf32, #tpu.memory_space<vmem>>, vector<1x16xf32>,
      %swap3A_75 = vector.shape_cast %swap3A_74 : vector<1x16xf32> to vector<16xf32>
      %swap3A_76 = vector.shape_cast %broadcast_in_dim3A_1 : vector<16xf32> to vector<1x16xf32>
      tpu.vector_store %arg6[%swap3A_72, %swap3A_73], %swap3A_76 {strides = array<i32>} : memref<384x128xf32, #tpu.memory_space<vmem>>, vector<1x16xf32>,
      %swap3A_77 = arith.index_cast %add3A_62 : i32 to index
      %swap3A_78 = arith.constant 48 : index
      %swap3A_79 = tpu.vector_load %arg6[%swap3A_77, %swap3A_78] {strides = array<i32>} : memref<384x128xf32, #tpu.memory_space<vmem>>, vector<1x16xf32>,
      %swap3A_80 = vector.shape_cast %swap3A_79 : vector<1x16xf32> to vector<16xf32>
      %swap3A_81 = vector.shape_cast %broadcast_in_dim3A_1 : vector<16xf32> to vector<1x16xf32>
      tpu.vector_store %arg6[%swap3A_77, %swap3A_78], %swap3A_81 {strides = array<i32>} : memref<384x128xf32, #tpu.memory_space<vmem>>, vector<1x16xf32>,
      %swap3A_82 = arith.index_cast %add3A_62 : i32 to index
      %swap3A_83 = arith.constant 64 : index
      %swap3A_84 = tpu.vector_load %arg6[%swap3A_82, %swap3A_83] {strides = array<i32>} : memref<384x128xf32, #tpu.memory_space<vmem>>, vector<1x16xf32>,
      %swap3A_85 = vector.shape_cast %swap3A_84 : vector<1x16xf32> to vector<16xf32>
      %swap3A_86 = vector.shape_cast %broadcast_in_dim3A_1 : vector<16xf32> to vector<1x16xf32>
      tpu.vector_store %arg6[%swap3A_82, %swap3A_83], %swap3A_86 {strides = array<i32>} : memref<384x128xf32, #tpu.memory_space<vmem>>, vector<1x16xf32>,
      %swap3A_87 = arith.index_cast %add3A_62 : i32 to index
      %swap3A_88 = arith.constant 80 : index
      %swap3A_89 = tpu.vector_load %arg6[%swap3A_87, %swap3A_88] {strides = array<i32>} : memref<384x128xf32, #tpu.memory_space<vmem>>, vector<1x16xf32>,
      %swap3A_90 = vector.shape_cast %swap3A_89 : vector<1x16xf32> to vector<16xf32>
      %swap3A_91 = vector.shape_cast %broadcast_in_dim3A_1 : vector<16xf32> to vector<1x16xf32>
      tpu.vector_store %arg6[%swap3A_87, %swap3A_88], %swap3A_91 {strides = array<i32>} : memref<384x128xf32, #tpu.memory_space<vmem>>, vector<1x16xf32>,
      %swap3A_92 = arith.index_cast %add3A_62 : i32 to index
      %swap3A_93 = arith.constant 96 : index
      %swap3A_94 = tpu.vector_load %arg6[%swap3A_92, %swap3A_93] {strides = array<i32>} : memref<384x128xf32, #tpu.memory_space<vmem>>, vector<1x16xf32>,
      %swap3A_95 = vector.shape_cast %swap3A_94 : vector<1x16xf32> to vector<16xf32>
      %swap3A_96 = vector.shape_cast %broadcast_in_dim3A_1 : vector<16xf32> to vector<1x16xf32>
      tpu.vector_store %arg6[%swap3A_92, %swap3A_93], %swap3A_96 {strides = array<i32>} : memref<384x128xf32, #tpu.memory_space<vmem>>, vector<1x16xf32>,
      %swap3A_97 = arith.index_cast %add3A_62 : i32 to index
      %swap3A_98 = arith.constant 112 : index
      %swap3A_99 = tpu.vector_load %arg6[%swap3A_97, %swap3A_98] {strides = array<i32>} : memref<384x128xf32, #tpu.memory_space<vmem>>, vector<1x16xf32>,
      %swap3A_100 = vector.shape_cast %swap3A_99 : vector<1x16xf32> to vector<16xf32>
      %swap3A_101 = vector.shape_cast %broadcast_in_dim3A_1 : vector<16xf32> to vector<1x16xf32>
      tpu.vector_store %arg6[%swap3A_97, %swap3A_98], %swap3A_101 {strides = array<i32>} : memref<384x128xf32, #tpu.memory_space<vmem>>, vector<1x16xf32>,
    }
    %scan3A_5 = arith.constant 128 : i32
    %mul3A_6 = arith.constant 632 : i32
    %mul3A_7 = arith.muli %arg1, %mul3A_6 : i32
    %add3A_8 = arith.constant 0 : i32
    %add3A_9 = arith.addi %mul3A_7, %add3A_8 : i32
    "tpu.region"() ({
      %run_scoped3A_58 = tpu.sem_alloc : memref<!tpu.dma_semaphore, #tpu.memory_space<semaphore_mem>>
      %dma_start3A_59 = arith.constant 0 : i32
      %dma_start3A_60 = arith.constant 0 : i32
      %dma_start3A_61 = tpu.memref_slice %arg6[%dma_start3A_59, %dma_start3A_60] : memref<384x128xf32, #tpu.memory_space<vmem>> -> memref<128x128xf32, #tpu.memory_space<vmem>>
      %dma_start3A_62 = arith.constant 0 : i32
      %dma_start3A_63 = tpu.memref_slice %arg7[%add3A_9, %dma_start3A_62] : memref<10112x128xf32, #tpu.memory_space<vmem_shared>> -> memref<128x128xf32, #tpu.memory_space<vmem_shared>>
      %dma_start3A_64 = arith.constant 0 : i32
      %dma_start3A_65 = tpu.memref_slice %arg7[%add3A_9, %dma_start3A_64] : memref<10112x128xf32, #tpu.memory_space<vmem_shared>> -> memref<128x128xf32, #tpu.memory_space<vmem_shared>>
      %dma_start3A_66 = arith.constant 0 : i32
      %dma_start3A_67 = arith.constant 0 : i32
      %dma_start3A_68 = tpu.memref_slice %arg6[%dma_start3A_66, %dma_start3A_67] : memref<384x128xf32, #tpu.memory_space<vmem>> -> memref<128x128xf32, #tpu.memory_space<vmem>>
      tpu.enqueue_dma source(%dma_start3A_68 : memref<128x128xf32, #tpu.memory_space<vmem>>) target(%dma_start3A_65 : memref<128x128xf32, #tpu.memory_space<vmem_shared>>) target_semaphore(%run_scoped3A_58 : memref<!tpu.dma_semaphore, #tpu.memory_space<semaphore_mem>>)
      %dma_wait3A = arith.constant 0 : i32
      %dma_wait3A_69 = arith.constant 0 : i32
      %dma_wait3A_70 = tpu.memref_slice %arg6[%dma_wait3A, %dma_wait3A_69] : memref<384x128xf32, #tpu.memory_space<vmem>> -> memref<128x128xf32, #tpu.memory_space<vmem>>
      %dma_wait3A_71 = arith.constant 0 : i32
      %dma_wait3A_72 = tpu.memref_slice %arg7[%add3A_9, %dma_wait3A_71] : memref<10112x128xf32, #tpu.memory_space<vmem_shared>> -> memref<128x128xf32, #tpu.memory_space<vmem_shared>>
      %dma_wait3A_73 = arith.constant 0 : i32
      %dma_wait3A_74 = tpu.memref_slice %arg7[%add3A_9, %dma_wait3A_73] : memref<10112x128xf32, #tpu.memory_space<vmem_shared>> -> memref<128x128xf32, #tpu.memory_space<vmem_shared>>
      %dma_wait3A_75 = arith.constant 0 : i32
      %dma_wait3A_76 = arith.constant 0 : i32
      %dma_wait3A_77 = tpu.memref_slice %arg6[%dma_wait3A_75, %dma_wait3A_76] : memref<384x128xf32, #tpu.memory_space<vmem>> -> memref<128x128xf32, #tpu.memory_space<vmem>>
      tpu.wait_dma2 semaphore(%run_scoped3A_58 : memref<!tpu.dma_semaphore, #tpu.memory_space<semaphore_mem>>) src(%dma_wait3A_77 : memref<128x128xf32, #tpu.memory_space<vmem>>) dst(%dma_wait3A_74 : memref<128x128xf32, #tpu.memory_space<vmem_shared>>)
      tpu.yield
    }) : () -> ()
    %add3A_10 = arith.constant 128 : i32
    %add3A_11 = arith.addi %mul3A_7, %add3A_10 : i32
    "tpu.region"() ({
      %run_scoped3A_58 = tpu.sem_alloc : memref<!tpu.dma_semaphore, #tpu.memory_space<semaphore_mem>>
      %dma_start3A_59 = arith.constant 0 : i32
      %dma_start3A_60 = arith.constant 0 : i32
      %dma_start3A_61 = tpu.memref_slice %arg6[%dma_start3A_59, %dma_start3A_60] : memref<384x128xf32, #tpu.memory_space<vmem>> -> memref<128x128xf32, #tpu.memory_space<vmem>>
      %dma_start3A_62 = arith.constant 0 : i32
      %dma_start3A_63 = tpu.memref_slice %arg7[%add3A_11, %dma_start3A_62] : memref<10112x128xf32, #tpu.memory_space<vmem_shared>> -> memref<128x128xf32, #tpu.memory_space<vmem_shared>>
      %dma_start3A_64 = arith.constant 0 : i32
      %dma_start3A_65 = tpu.memref_slice %arg7[%add3A_11, %dma_start3A_64] : memref<10112x128xf32, #tpu.memory_space<vmem_shared>> -> memref<128x128xf32, #tpu.memory_space<vmem_shared>>
      %dma_start3A_66 = arith.constant 0 : i32
      %dma_start3A_67 = arith.constant 0 : i32
      %dma_start3A_68 = tpu.memref_slice %arg6[%dma_start3A_66, %dma_start3A_67] : memref<384x128xf32, #tpu.memory_space<vmem>> -> memref<128x128xf32, #tpu.memory_space<vmem>>
      tpu.enqueue_dma source(%dma_start3A_68 : memref<128x128xf32, #tpu.memory_space<vmem>>) target(%dma_start3A_65 : memref<128x128xf32, #tpu.memory_space<vmem_shared>>) target_semaphore(%run_scoped3A_58 : memref<!tpu.dma_semaphore, #tpu.memory_space<semaphore_mem>>)
      %dma_wait3A = arith.constant 0 : i32
      %dma_wait3A_69 = arith.constant 0 : i32
      %dma_wait3A_70 = tpu.memref_slice %arg6[%dma_wait3A, %dma_wait3A_69] : memref<384x128xf32, #tpu.memory_space<vmem>> -> memref<128x128xf32, #tpu.memory_space<vmem>>
      %dma_wait3A_71 = arith.constant 0 : i32
      %dma_wait3A_72 = tpu.memref_slice %arg7[%add3A_11, %dma_wait3A_71] : memref<10112x128xf32, #tpu.memory_space<vmem_shared>> -> memref<128x128xf32, #tpu.memory_space<vmem_shared>>
      %dma_wait3A_73 = arith.constant 0 : i32
      %dma_wait3A_74 = tpu.memref_slice %arg7[%add3A_11, %dma_wait3A_73] : memref<10112x128xf32, #tpu.memory_space<vmem_shared>> -> memref<128x128xf32, #tpu.memory_space<vmem_shared>>
      %dma_wait3A_75 = arith.constant 0 : i32
      %dma_wait3A_76 = arith.constant 0 : i32
      %dma_wait3A_77 = tpu.memref_slice %arg6[%dma_wait3A_75, %dma_wait3A_76] : memref<384x128xf32, #tpu.memory_space<vmem>> -> memref<128x128xf32, #tpu.memory_space<vmem>>
      tpu.wait_dma2 semaphore(%run_scoped3A_58 : memref<!tpu.dma_semaphore, #tpu.memory_space<semaphore_mem>>) src(%dma_wait3A_77 : memref<128x128xf32, #tpu.memory_space<vmem>>) dst(%dma_wait3A_74 : memref<128x128xf32, #tpu.memory_space<vmem_shared>>)
      tpu.yield
    }) : () -> ()
    %add3A_12 = arith.constant 256 : i32
    %add3A_13 = arith.addi %mul3A_7, %add3A_12 : i32
    "tpu.region"() ({
      %run_scoped3A_58 = tpu.sem_alloc : memref<!tpu.dma_semaphore, #tpu.memory_space<semaphore_mem>>
      %dma_start3A_59 = arith.constant 0 : i32
      %dma_start3A_60 = arith.constant 0 : i32
      %dma_start3A_61 = tpu.memref_slice %arg6[%dma_start3A_59, %dma_start3A_60] : memref<384x128xf32, #tpu.memory_space<vmem>> -> memref<128x128xf32, #tpu.memory_space<vmem>>
      %dma_start3A_62 = arith.constant 0 : i32
      %dma_start3A_63 = tpu.memref_slice %arg7[%add3A_13, %dma_start3A_62] : memref<10112x128xf32, #tpu.memory_space<vmem_shared>> -> memref<128x128xf32, #tpu.memory_space<vmem_shared>>
      %dma_start3A_64 = arith.constant 0 : i32
      %dma_start3A_65 = tpu.memref_slice %arg7[%add3A_13, %dma_start3A_64] : memref<10112x128xf32, #tpu.memory_space<vmem_shared>> -> memref<128x128xf32, #tpu.memory_space<vmem_shared>>
      %dma_start3A_66 = arith.constant 0 : i32
      %dma_start3A_67 = arith.constant 0 : i32
      %dma_start3A_68 = tpu.memref_slice %arg6[%dma_start3A_66, %dma_start3A_67] : memref<384x128xf32, #tpu.memory_space<vmem>> -> memref<128x128xf32, #tpu.memory_space<vmem>>
      tpu.enqueue_dma source(%dma_start3A_68 : memref<128x128xf32, #tpu.memory_space<vmem>>) target(%dma_start3A_65 : memref<128x128xf32, #tpu.memory_space<vmem_shared>>) target_semaphore(%run_scoped3A_58 : memref<!tpu.dma_semaphore, #tpu.memory_space<semaphore_mem>>)
      %dma_wait3A = arith.constant 0 : i32
      %dma_wait3A_69 = arith.constant 0 : i32
      %dma_wait3A_70 = tpu.memref_slice %arg6[%dma_wait3A, %dma_wait3A_69] : memref<384x128xf32, #tpu.memory_space<vmem>> -> memref<128x128xf32, #tpu.memory_space<vmem>>
      %dma_wait3A_71 = arith.constant 0 : i32
      %dma_wait3A_72 = tpu.memref_slice %arg7[%add3A_13, %dma_wait3A_71] : memref<10112x128xf32, #tpu.memory_space<vmem_shared>> -> memref<128x128xf32, #tpu.memory_space<vmem_shared>>
      %dma_wait3A_73 = arith.constant 0 : i32
      %dma_wait3A_74 = tpu.memref_slice %arg7[%add3A_13, %dma_wait3A_73] : memref<10112x128xf32, #tpu.memory_space<vmem_shared>> -> memref<128x128xf32, #tpu.memory_space<vmem_shared>>
      %dma_wait3A_75 = arith.constant 0 : i32
      %dma_wait3A_76 = arith.constant 0 : i32
      %dma_wait3A_77 = tpu.memref_slice %arg6[%dma_wait3A_75, %dma_wait3A_76] : memref<384x128xf32, #tpu.memory_space<vmem>> -> memref<128x128xf32, #tpu.memory_space<vmem>>
      tpu.wait_dma2 semaphore(%run_scoped3A_58 : memref<!tpu.dma_semaphore, #tpu.memory_space<semaphore_mem>>) src(%dma_wait3A_77 : memref<128x128xf32, #tpu.memory_space<vmem>>) dst(%dma_wait3A_74 : memref<128x128xf32, #tpu.memory_space<vmem_shared>>)
      tpu.yield
    }) : () -> ()
    %add3A_14 = arith.constant 384 : i32
    %add3A_15 = arith.addi %mul3A_7, %add3A_14 : i32
    "tpu.region"() ({
      %run_scoped3A_58 = tpu.sem_alloc : memref<!tpu.dma_semaphore, #tpu.memory_space<semaphore_mem>>
      %dma_start3A_59 = arith.constant 0 : i32
      %dma_start3A_60 = arith.constant 0 : i32
      %dma_start3A_61 = tpu.memref_slice %arg6[%dma_start3A_59, %dma_start3A_60] : memref<384x128xf32, #tpu.memory_space<vmem>> -> memref<128x128xf32, #tpu.memory_space<vmem>>
      %dma_start3A_62 = arith.constant 0 : i32
      %dma_start3A_63 = tpu.memref_slice %arg7[%add3A_15, %dma_start3A_62] : memref<10112x128xf32, #tpu.memory_space<vmem_shared>> -> memref<128x128xf32, #tpu.memory_space<vmem_shared>>
      %dma_start3A_64 = arith.constant 0 : i32
      %dma_start3A_65 = tpu.memref_slice %arg7[%add3A_15, %dma_start3A_64] : memref<10112x128xf32, #tpu.memory_space<vmem_shared>> -> memref<128x128xf32, #tpu.memory_space<vmem_shared>>
      %dma_start3A_66 = arith.constant 0 : i32
      %dma_start3A_67 = arith.constant 0 : i32
      %dma_start3A_68 = tpu.memref_slice %arg6[%dma_start3A_66, %dma_start3A_67] : memref<384x128xf32, #tpu.memory_space<vmem>> -> memref<128x128xf32, #tpu.memory_space<vmem>>
      tpu.enqueue_dma source(%dma_start3A_68 : memref<128x128xf32, #tpu.memory_space<vmem>>) target(%dma_start3A_65 : memref<128x128xf32, #tpu.memory_space<vmem_shared>>) target_semaphore(%run_scoped3A_58 : memref<!tpu.dma_semaphore, #tpu.memory_space<semaphore_mem>>)
      %dma_wait3A = arith.constant 0 : i32
      %dma_wait3A_69 = arith.constant 0 : i32
      %dma_wait3A_70 = tpu.memref_slice %arg6[%dma_wait3A, %dma_wait3A_69] : memref<384x128xf32, #tpu.memory_space<vmem>> -> memref<128x128xf32, #tpu.memory_space<vmem>>
      %dma_wait3A_71 = arith.constant 0 : i32
      %dma_wait3A_72 = tpu.memref_slice %arg7[%add3A_15, %dma_wait3A_71] : memref<10112x128xf32, #tpu.memory_space<vmem_shared>> -> memref<128x128xf32, #tpu.memory_space<vmem_shared>>
      %dma_wait3A_73 = arith.constant 0 : i32
      %dma_wait3A_74 = tpu.memref_slice %arg7[%add3A_15, %dma_wait3A_73] : memref<10112x128xf32, #tpu.memory_space<vmem_shared>> -> memref<128x128xf32, #tpu.memory_space<vmem_shared>>
      %dma_wait3A_75 = arith.constant 0 : i32
      %dma_wait3A_76 = arith.constant 0 : i32
      %dma_wait3A_77 = tpu.memref_slice %arg6[%dma_wait3A_75, %dma_wait3A_76] : memref<384x128xf32, #tpu.memory_space<vmem>> -> memref<128x128xf32, #tpu.memory_space<vmem>>
      tpu.wait_dma2 semaphore(%run_scoped3A_58 : memref<!tpu.dma_semaphore, #tpu.memory_space<semaphore_mem>>) src(%dma_wait3A_77 : memref<128x128xf32, #tpu.memory_space<vmem>>) dst(%dma_wait3A_74 : memref<128x128xf32, #tpu.memory_space<vmem_shared>>)
      tpu.yield
    }) : () -> ()
    %add3A_16 = arith.constant 512 : i32
    %add3A_17 = arith.addi %mul3A_7, %add3A_16 : i32
    "tpu.region"() ({
      %run_scoped3A_58 = tpu.sem_alloc : memref<!tpu.dma_semaphore, #tpu.memory_space<semaphore_mem>>
      %dma_start3A_59 = arith.constant 0 : i32
      %dma_start3A_60 = arith.constant 0 : i32
      %dma_start3A_61 = tpu.memref_slice %arg6[%dma_start3A_59, %dma_start3A_60] : memref<384x128xf32, #tpu.memory_space<vmem>> -> memref<120x128xf32, #tpu.memory_space<vmem>>
      %dma_start3A_62 = arith.constant 0 : i32
      %dma_start3A_63 = tpu.memref_slice %arg7[%add3A_17, %dma_start3A_62] : memref<10112x128xf32, #tpu.memory_space<vmem_shared>> -> memref<120x128xf32, #tpu.memory_space<vmem_shared>>
      %dma_start3A_64 = arith.constant 0 : i32
      %dma_start3A_65 = tpu.memref_slice %arg7[%add3A_17, %dma_start3A_64] : memref<10112x128xf32, #tpu.memory_space<vmem_shared>> -> memref<120x128xf32, #tpu.memory_space<vmem_shared>>
      %dma_start3A_66 = arith.constant 0 : i32
      %dma_start3A_67 = arith.constant 0 : i32
      %dma_start3A_68 = tpu.memref_slice %arg6[%dma_start3A_66, %dma_start3A_67] : memref<384x128xf32, #tpu.memory_space<vmem>> -> memref<120x128xf32, #tpu.memory_space<vmem>>
      tpu.enqueue_dma source(%dma_start3A_68 : memref<120x128xf32, #tpu.memory_space<vmem>>) target(%dma_start3A_65 : memref<120x128xf32, #tpu.memory_space<vmem_shared>>) target_semaphore(%run_scoped3A_58 : memref<!tpu.dma_semaphore, #tpu.memory_space<semaphore_mem>>)
      %dma_wait3A = arith.constant 0 : i32
      %dma_wait3A_69 = arith.constant 0 : i32
      %dma_wait3A_70 = tpu.memref_slice %arg6[%dma_wait3A, %dma_wait3A_69] : memref<384x128xf32, #tpu.memory_space<vmem>> -> memref<120x128xf32, #tpu.memory_space<vmem>>
      %dma_wait3A_71 = arith.constant 0 : i32
      %dma_wait3A_72 = tpu.memref_slice %arg7[%add3A_17, %dma_wait3A_71] : memref<10112x128xf32, #tpu.memory_space<vmem_shared>> -> memref<120x128xf32, #tpu.memory_space<vmem_shared>>
      %dma_wait3A_73 = arith.constant 0 : i32
      %dma_wait3A_74 = tpu.memref_slice %arg7[%add3A_17, %dma_wait3A_73] : memref<10112x128xf32, #tpu.memory_space<vmem_shared>> -> memref<120x128xf32, #tpu.memory_space<vmem_shared>>
      %dma_wait3A_75 = arith.constant 0 : i32
      %dma_wait3A_76 = arith.constant 0 : i32
      %dma_wait3A_77 = tpu.memref_slice %arg6[%dma_wait3A_75, %dma_wait3A_76] : memref<384x128xf32, #tpu.memory_space<vmem>> -> memref<120x128xf32, #tpu.memory_space<vmem>>
      tpu.wait_dma2 semaphore(%run_scoped3A_58 : memref<!tpu.dma_semaphore, #tpu.memory_space<semaphore_mem>>) src(%dma_wait3A_77 : memref<120x128xf32, #tpu.memory_space<vmem>>) dst(%dma_wait3A_74 : memref<120x128xf32, #tpu.memory_space<vmem_shared>>)
      tpu.yield
    }) : () -> ()
    %barrier3A = arith.constant 0 : index
    tpu.barrier barrier_id(%barrier3A)
    %run_scoped3A = arith.constant 0 : i32
    %run_scoped3A_18 = arith.constant 0 : i32
    "tpu.region"() ({
      %run_scoped3A_58 = tpu.sem_alloc : memref<!tpu.dma_semaphore, #tpu.memory_space<semaphore_mem>>
      %dma_start3A_59 = arith.constant 0 : i32
      %dma_start3A_60 = arith.constant 0 : i32
      %dma_start3A_61 = tpu.memref_slice %arg5[%run_scoped3A_18, %dma_start3A_59, %dma_start3A_60] : memref<3x2x128xi32, #tpu.memory_space<vmem>> -> memref<1x2x128xi32, #tpu.memory_space<vmem>>
      %dma_start3A_62 = tpu.memref_squeeze %dma_start3A_61 : memref<1x2x128xi32, #tpu.memory_space<vmem>> -> memref<2x128xi32, #tpu.memory_space<vmem>>
      %dma_start3A_63 = arith.constant 0 : i32
      %dma_start3A_64 = arith.constant 0 : i32
      %dma_start3A_65 = tpu.memref_slice %arg3[%add3A, %run_scoped3A, %dma_start3A_63, %dma_start3A_64] : memref<32x79x2x128xi32, #tpu.memory_space<hbm>> -> memref<1x1x2x128xi32, #tpu.memory_space<hbm>>
      %dma_start3A_66 = tpu.memref_squeeze %dma_start3A_65 : memref<1x1x2x128xi32, #tpu.memory_space<hbm>> -> memref<2x128xi32, #tpu.memory_space<hbm>>
      %dma_start3A_67 = arith.constant 0 : i32
      %dma_start3A_68 = arith.constant 0 : i32
      %dma_start3A_69 = tpu.memref_slice %arg5[%run_scoped3A_18, %dma_start3A_67, %dma_start3A_68] : memref<3x2x128xi32, #tpu.memory_space<vmem>> -> memref<1x2x128xi32, #tpu.memory_space<vmem>>
      %dma_start3A_70 = tpu.memref_squeeze %dma_start3A_69 : memref<1x2x128xi32, #tpu.memory_space<vmem>> -> memref<2x128xi32, #tpu.memory_space<vmem>>
      %dma_start3A_71 = arith.constant 0 : i32
      %dma_start3A_72 = arith.constant 0 : i32
      %dma_start3A_73 = tpu.memref_slice %arg3[%add3A, %run_scoped3A, %dma_start3A_71, %dma_start3A_72] : memref<32x79x2x128xi32, #tpu.memory_space<hbm>> -> memref<1x1x2x128xi32, #tpu.memory_space<hbm>>
      %dma_start3A_74 = tpu.memref_squeeze %dma_start3A_73 : memref<1x1x2x128xi32, #tpu.memory_space<hbm>> -> memref<2x128xi32, #tpu.memory_space<hbm>>
      tpu.enqueue_dma source(%dma_start3A_74 : memref<2x128xi32, #tpu.memory_space<hbm>>) target(%dma_start3A_70 : memref<2x128xi32, #tpu.memory_space<vmem>>) target_semaphore(%run_scoped3A_58 : memref<!tpu.dma_semaphore, #tpu.memory_space<semaphore_mem>>)
      %dma_wait3A = arith.constant 0 : i32
      %dma_wait3A_75 = arith.constant 0 : i32
      %dma_wait3A_76 = tpu.memref_slice %arg5[%run_scoped3A_18, %dma_wait3A, %dma_wait3A_75] : memref<3x2x128xi32, #tpu.memory_space<vmem>> -> memref<1x2x128xi32, #tpu.memory_space<vmem>>
      %dma_wait3A_77 = tpu.memref_squeeze %dma_wait3A_76 : memref<1x2x128xi32, #tpu.memory_space<vmem>> -> memref<2x128xi32, #tpu.memory_space<vmem>>
      %dma_wait3A_78 = arith.constant 0 : i32
      %dma_wait3A_79 = arith.constant 0 : i32
      %dma_wait3A_80 = tpu.memref_slice %arg3[%add3A, %run_scoped3A, %dma_wait3A_78, %dma_wait3A_79] : memref<32x79x2x128xi32, #tpu.memory_space<hbm>> -> memref<1x1x2x128xi32, #tpu.memory_space<hbm>>
      %dma_wait3A_81 = tpu.memref_squeeze %dma_wait3A_80 : memref<1x1x2x128xi32, #tpu.memory_space<hbm>> -> memref<2x128xi32, #tpu.memory_space<hbm>>
      %dma_wait3A_82 = arith.constant 0 : i32
      %dma_wait3A_83 = arith.constant 0 : i32
      %dma_wait3A_84 = tpu.memref_slice %arg5[%run_scoped3A_18, %dma_wait3A_82, %dma_wait3A_83] : memref<3x2x128xi32, #tpu.memory_space<vmem>> -> memref<1x2x128xi32, #tpu.memory_space<vmem>>
      %dma_wait3A_85 = tpu.memref_squeeze %dma_wait3A_84 : memref<1x2x128xi32, #tpu.memory_space<vmem>> -> memref<2x128xi32, #tpu.memory_space<vmem>>
      %dma_wait3A_86 = arith.constant 0 : i32
      %dma_wait3A_87 = arith.constant 0 : i32
      %dma_wait3A_88 = tpu.memref_slice %arg3[%add3A, %run_scoped3A, %dma_wait3A_86, %dma_wait3A_87] : memref<32x79x2x128xi32, #tpu.memory_space<hbm>> -> memref<1x1x2x128xi32, #tpu.memory_space<hbm>>
      %dma_wait3A_89 = tpu.memref_squeeze %dma_wait3A_88 : memref<1x1x2x128xi32, #tpu.memory_space<hbm>> -> memref<2x128xi32, #tpu.memory_space<hbm>>
      tpu.wait_dma2 semaphore(%run_scoped3A_58 : memref<!tpu.dma_semaphore, #tpu.memory_space<semaphore_mem>>) src(%dma_wait3A_89 : memref<2x128xi32, #tpu.memory_space<hbm>>) dst(%dma_wait3A_85 : memref<2x128xi32, #tpu.memory_space<vmem>>)
      tpu.yield
    }) : () -> ()
    %run_scoped3A_19 = arith.constant 1 : i32
    %run_scoped3A_20 = arith.constant 1 : i32
    "tpu.region"() ({
      %run_scoped3A_58 = tpu.sem_alloc : memref<!tpu.dma_semaphore, #tpu.memory_space<semaphore_mem>>
      %dma_start3A_59 = arith.constant 0 : i32
      %dma_start3A_60 = arith.constant 0 : i32
      %dma_start3A_61 = tpu.memref_slice %arg5[%run_scoped3A_20, %dma_start3A_59, %dma_start3A_60] : memref<3x2x128xi32, #tpu.memory_space<vmem>> -> memref<1x2x128xi32, #tpu.memory_space<vmem>>
      %dma_start3A_62 = tpu.memref_squeeze %dma_start3A_61 : memref<1x2x128xi32, #tpu.memory_space<vmem>> -> memref<2x128xi32, #tpu.memory_space<vmem>>
      %dma_start3A_63 = arith.constant 0 : i32
      %dma_start3A_64 = arith.constant 0 : i32
      %dma_start3A_65 = tpu.memref_slice %arg3[%add3A, %run_scoped3A_19, %dma_start3A_63, %dma_start3A_64] : memref<32x79x2x128xi32, #tpu.memory_space<hbm>> -> memref<1x1x2x128xi32, #tpu.memory_space<hbm>>
      %dma_start3A_66 = tpu.memref_squeeze %dma_start3A_65 : memref<1x1x2x128xi32, #tpu.memory_space<hbm>> -> memref<2x128xi32, #tpu.memory_space<hbm>>
      %dma_start3A_67 = arith.constant 0 : i32
      %dma_start3A_68 = arith.constant 0 : i32
      %dma_start3A_69 = tpu.memref_slice %arg5[%run_scoped3A_20, %dma_start3A_67, %dma_start3A_68] : memref<3x2x128xi32, #tpu.memory_space<vmem>> -> memref<1x2x128xi32, #tpu.memory_space<vmem>>
      %dma_start3A_70 = tpu.memref_squeeze %dma_start3A_69 : memref<1x2x128xi32, #tpu.memory_space<vmem>> -> memref<2x128xi32, #tpu.memory_space<vmem>>
      %dma_start3A_71 = arith.constant 0 : i32
      %dma_start3A_72 = arith.constant 0 : i32
      %dma_start3A_73 = tpu.memref_slice %arg3[%add3A, %run_scoped3A_19, %dma_start3A_71, %dma_start3A_72] : memref<32x79x2x128xi32, #tpu.memory_space<hbm>> -> memref<1x1x2x128xi32, #tpu.memory_space<hbm>>
      %dma_start3A_74 = tpu.memref_squeeze %dma_start3A_73 : memref<1x1x2x128xi32, #tpu.memory_space<hbm>> -> memref<2x128xi32, #tpu.memory_space<hbm>>
      tpu.enqueue_dma source(%dma_start3A_74 : memref<2x128xi32, #tpu.memory_space<hbm>>) target(%dma_start3A_70 : memref<2x128xi32, #tpu.memory_space<vmem>>) target_semaphore(%run_scoped3A_58 : memref<!tpu.dma_semaphore, #tpu.memory_space<semaphore_mem>>)
      %dma_wait3A = arith.constant 0 : i32
      %dma_wait3A_75 = arith.constant 0 : i32
      %dma_wait3A_76 = tpu.memref_slice %arg5[%run_scoped3A_20, %dma_wait3A, %dma_wait3A_75] : memref<3x2x128xi32, #tpu.memory_space<vmem>> -> memref<1x2x128xi32, #tpu.memory_space<vmem>>
      %dma_wait3A_77 = tpu.memref_squeeze %dma_wait3A_76 : memref<1x2x128xi32, #tpu.memory_space<vmem>> -> memref<2x128xi32, #tpu.memory_space<vmem>>
      %dma_wait3A_78 = arith.constant 0 : i32
      %dma_wait3A_79 = arith.constant 0 : i32
      %dma_wait3A_80 = tpu.memref_slice %arg3[%add3A, %run_scoped3A_19, %dma_wait3A_78, %dma_wait3A_79] : memref<32x79x2x128xi32, #tpu.memory_space<hbm>> -> memref<1x1x2x128xi32, #tpu.memory_space<hbm>>
      %dma_wait3A_81 = tpu.memref_squeeze %dma_wait3A_80 : memref<1x1x2x128xi32, #tpu.memory_space<hbm>> -> memref<2x128xi32, #tpu.memory_space<hbm>>
      %dma_wait3A_82 = arith.constant 0 : i32
      %dma_wait3A_83 = arith.constant 0 : i32
      %dma_wait3A_84 = tpu.memref_slice %arg5[%run_scoped3A_20, %dma_wait3A_82, %dma_wait3A_83] : memref<3x2x128xi32, #tpu.memory_space<vmem>> -> memref<1x2x128xi32, #tpu.memory_space<vmem>>
      %dma_wait3A_85 = tpu.memref_squeeze %dma_wait3A_84 : memref<1x2x128xi32, #tpu.memory_space<vmem>> -> memref<2x128xi32, #tpu.memory_space<vmem>>
      %dma_wait3A_86 = arith.constant 0 : i32
      %dma_wait3A_87 = arith.constant 0 : i32
      %dma_wait3A_88 = tpu.memref_slice %arg3[%add3A, %run_scoped3A_19, %dma_wait3A_86, %dma_wait3A_87] : memref<32x79x2x128xi32, #tpu.memory_space<hbm>> -> memref<1x1x2x128xi32, #tpu.memory_space<hbm>>
      %dma_wait3A_89 = tpu.memref_squeeze %dma_wait3A_88 : memref<1x1x2x128xi32, #tpu.memory_space<hbm>> -> memref<2x128xi32, #tpu.memory_space<hbm>>
      tpu.wait_dma2 semaphore(%run_scoped3A_58 : memref<!tpu.dma_semaphore, #tpu.memory_space<semaphore_mem>>) src(%dma_wait3A_89 : memref<2x128xi32, #tpu.memory_space<hbm>>) dst(%dma_wait3A_85 : memref<2x128xi32, #tpu.memory_space<vmem>>)
      tpu.yield
    }) : () -> ()
    %run_scoped3A_21 = arith.constant 2 : i32
    %run_scoped3A_22 = arith.constant 2 : i32
    "tpu.region"() ({
      %run_scoped3A_58 = tpu.sem_alloc : memref<!tpu.dma_semaphore, #tpu.memory_space<semaphore_mem>>
      %dma_start3A_59 = arith.constant 0 : i32
      %dma_start3A_60 = arith.constant 0 : i32
      %dma_start3A_61 = tpu.memref_slice %arg5[%run_scoped3A_22, %dma_start3A_59, %dma_start3A_60] : memref<3x2x128xi32, #tpu.memory_space<vmem>> -> memref<1x2x128xi32, #tpu.memory_space<vmem>>
      %dma_start3A_62 = tpu.memref_squeeze %dma_start3A_61 : memref<1x2x128xi32, #tpu.memory_space<vmem>> -> memref<2x128xi32, #tpu.memory_space<vmem>>
      %dma_start3A_63 = arith.constant 0 : i32
      %dma_start3A_64 = arith.constant 0 : i32
      %dma_start3A_65 = tpu.memref_slice %arg3[%add3A, %run_scoped3A_21, %dma_start3A_63, %dma_start3A_64] : memref<32x79x2x128xi32, #tpu.memory_space<hbm>> -> memref<1x1x2x128xi32, #tpu.memory_space<hbm>>
      %dma_start3A_66 = tpu.memref_squeeze %dma_start3A_65 : memref<1x1x2x128xi32, #tpu.memory_space<hbm>> -> memref<2x128xi32, #tpu.memory_space<hbm>>
      %dma_start3A_67 = arith.constant 0 : i32
      %dma_start3A_68 = arith.constant 0 : i32
      %dma_start3A_69 = tpu.memref_slice %arg5[%run_scoped3A_22, %dma_start3A_67, %dma_start3A_68] : memref<3x2x128xi32, #tpu.memory_space<vmem>> -> memref<1x2x128xi32, #tpu.memory_space<vmem>>
      %dma_start3A_70 = tpu.memref_squeeze %dma_start3A_69 : memref<1x2x128xi32, #tpu.memory_space<vmem>> -> memref<2x128xi32, #tpu.memory_space<vmem>>
      %dma_start3A_71 = arith.constant 0 : i32
      %dma_start3A_72 = arith.constant 0 : i32
      %dma_start3A_73 = tpu.memref_slice %arg3[%add3A, %run_scoped3A_21, %dma_start3A_71, %dma_start3A_72] : memref<32x79x2x128xi32, #tpu.memory_space<hbm>> -> memref<1x1x2x128xi32, #tpu.memory_space<hbm>>
      %dma_start3A_74 = tpu.memref_squeeze %dma_start3A_73 : memref<1x1x2x128xi32, #tpu.memory_space<hbm>> -> memref<2x128xi32, #tpu.memory_space<hbm>>
      tpu.enqueue_dma source(%dma_start3A_74 : memref<2x128xi32, #tpu.memory_space<hbm>>) target(%dma_start3A_70 : memref<2x128xi32, #tpu.memory_space<vmem>>) target_semaphore(%run_scoped3A_58 : memref<!tpu.dma_semaphore, #tpu.memory_space<semaphore_mem>>)
      %dma_wait3A = arith.constant 0 : i32
      %dma_wait3A_75 = arith.constant 0 : i32
      %dma_wait3A_76 = tpu.memref_slice %arg5[%run_scoped3A_22, %dma_wait3A, %dma_wait3A_75] : memref<3x2x128xi32, #tpu.memory_space<vmem>> -> memref<1x2x128xi32, #tpu.memory_space<vmem>>
      %dma_wait3A_77 = tpu.memref_squeeze %dma_wait3A_76 : memref<1x2x128xi32, #tpu.memory_space<vmem>> -> memref<2x128xi32, #tpu.memory_space<vmem>>
      %dma_wait3A_78 = arith.constant 0 : i32
      %dma_wait3A_79 = arith.constant 0 : i32
      %dma_wait3A_80 = tpu.memref_slice %arg3[%add3A, %run_scoped3A_21, %dma_wait3A_78, %dma_wait3A_79] : memref<32x79x2x128xi32, #tpu.memory_space<hbm>> -> memref<1x1x2x128xi32, #tpu.memory_space<hbm>>
      %dma_wait3A_81 = tpu.memref_squeeze %dma_wait3A_80 : memref<1x1x2x128xi32, #tpu.memory_space<hbm>> -> memref<2x128xi32, #tpu.memory_space<hbm>>
      %dma_wait3A_82 = arith.constant 0 : i32
      %dma_wait3A_83 = arith.constant 0 : i32
      %dma_wait3A_84 = tpu.memref_slice %arg5[%run_scoped3A_22, %dma_wait3A_82, %dma_wait3A_83] : memref<3x2x128xi32, #tpu.memory_space<vmem>> -> memref<1x2x128xi32, #tpu.memory_space<vmem>>
      %dma_wait3A_85 = tpu.memref_squeeze %dma_wait3A_84 : memref<1x2x128xi32, #tpu.memory_space<vmem>> -> memref<2x128xi32, #tpu.memory_space<vmem>>
      %dma_wait3A_86 = arith.constant 0 : i32
      %dma_wait3A_87 = arith.constant 0 : i32
      %dma_wait3A_88 = tpu.memref_slice %arg3[%add3A, %run_scoped3A_21, %dma_wait3A_86, %dma_wait3A_87] : memref<32x79x2x128xi32, #tpu.memory_space<hbm>> -> memref<1x1x2x128xi32, #tpu.memory_space<hbm>>
      %dma_wait3A_89 = tpu.memref_squeeze %dma_wait3A_88 : memref<1x1x2x128xi32, #tpu.memory_space<hbm>> -> memref<2x128xi32, #tpu.memory_space<hbm>>
      tpu.wait_dma2 semaphore(%run_scoped3A_58 : memref<!tpu.dma_semaphore, #tpu.memory_space<semaphore_mem>>) src(%dma_wait3A_89 : memref<2x128xi32, #tpu.memory_space<hbm>>) dst(%dma_wait3A_85 : memref<2x128xi32, #tpu.memory_space<vmem>>)
      tpu.yield
    }) : () -> ()
    %dma_start3A = arith.constant 0 : i32
    %dma_start3A_23 = arith.constant 0 : i32
    %dma_start3A_24 = arith.constant 0 : i32
    %dma_start3A_25 = arith.constant 0 : i32
    %dma_start3A_26 = arith.constant 0 : i32
    %dma_start3A_27 = tpu.memref_slice %arg6[%dma_start3A_25, %dma_start3A_26] : memref<384x128xf32, #tpu.memory_space<vmem>> -> memref<128x128xf32, #tpu.memory_space<vmem>>
    %dma_start3A_28 = arith.constant 0 : i32
    %dma_start3A_29 = tpu.memref_slice %arg5[%dma_start3A, %dma_start3A_23, %dma_start3A_28] : memref<3x2x128xi32, #tpu.memory_space<vmem>> -> memref<1x1x128xi32, #tpu.memory_space<vmem>>
    %dma_start3A_30 = tpu.memref_squeeze %dma_start3A_29 : memref<1x1x128xi32, #tpu.memory_space<vmem>> -> memref<128xi32, #tpu.memory_space<vmem>>
    %dma_start3A_31 = arith.constant 0 : i32
    %dma_start3A_32 = arith.constant 0 : i32
    %dma_start3A_33 = tpu.memref_slice %arg2[%dma_start3A_31, %dma_start3A_32] : memref<10000x128xf32, #tpu.memory_space<hbm>> -> memref<10000x128xf32, #tpu.memory_space<hbm>>
    %dma_start3A_34 = tpu.memref_slice %arg8[%dma_start3A_24] : memref<3x!tpu.dma_semaphore, #tpu.memory_space<semaphore_mem>> -> memref<1x!tpu.dma_semaphore, #tpu.memory_space<semaphore_mem>>
    %dma_start3A_35 = tpu.memref_squeeze %dma_start3A_34 : memref<1x!tpu.dma_semaphore, #tpu.memory_space<semaphore_mem>> -> memref<!tpu.dma_semaphore, #tpu.memory_space<semaphore_mem>>
    tpu.enqueue_indirect_dma source(%dma_start3A_33 : memref<10000x128xf32, #tpu.memory_space<hbm>>) target(%dma_start3A_27 : memref<128x128xf32, #tpu.memory_space<vmem>>) offsets(%dma_start3A_30 : memref<128xi32, #tpu.memory_space<vmem>>) semaphore(%dma_start3A_35 : memref<!tpu.dma_semaphore, #tpu.memory_space<semaphore_mem>>)
    %dma_start3A_36 = arith.constant 1 : i32
    %dma_start3A_37 = arith.constant 0 : i32
    %dma_start3A_38 = arith.constant 1 : i32
    %dma_start3A_39 = arith.constant 128 : i32
    %dma_start3A_40 = arith.constant 0 : i32
    %dma_start3A_41 = tpu.memref_slice %arg6[%dma_start3A_39, %dma_start3A_40] : memref<384x128xf32, #tpu.memory_space<vmem>> -> memref<128x128xf32, #tpu.memory_space<vmem>>
    %dma_start3A_42 = arith.constant 0 : i32
    %dma_start3A_43 = tpu.memref_slice %arg5[%dma_start3A_36, %dma_start3A_37, %dma_start3A_42] : memref<3x2x128xi32, #tpu.memory_space<vmem>> -> memref<1x1x128xi32, #tpu.memory_space<vmem>>
    %dma_start3A_44 = tpu.memref_squeeze %dma_start3A_43 : memref<1x1x128xi32, #tpu.memory_space<vmem>> -> memref<128xi32, #tpu.memory_space<vmem>>
    %dma_start3A_45 = arith.constant 0 : i32
    %dma_start3A_46 = arith.constant 0 : i32
    %dma_start3A_47 = tpu.memref_slice %arg2[%dma_start3A_45, %dma_start3A_46] : memref<10000x128xf32, #tpu.memory_space<hbm>> -> memref<10000x128xf32, #tpu.memory_space<hbm>>
    %dma_start3A_48 = tpu.memref_slice %arg8[%dma_start3A_38] : memref<3x!tpu.dma_semaphore, #tpu.memory_space<semaphore_mem>> -> memref<1x!tpu.dma_semaphore, #tpu.memory_space<semaphore_mem>>
    %dma_start3A_49 = tpu.memref_squeeze %dma_start3A_48 : memref<1x!tpu.dma_semaphore, #tpu.memory_space<semaphore_mem>> -> memref<!tpu.dma_semaphore, #tpu.memory_space<semaphore_mem>>
    tpu.enqueue_indirect_dma source(%dma_start3A_47 : memref<10000x128xf32, #tpu.memory_space<hbm>>) target(%dma_start3A_41 : memref<128x128xf32, #tpu.memory_space<vmem>>) offsets(%dma_start3A_44 : memref<128xi32, #tpu.memory_space<vmem>>) semaphore(%dma_start3A_49 : memref<!tpu.dma_semaphore, #tpu.memory_space<semaphore_mem>>)
    %scan3A_50 = arith.constant 0 : i32
    %scan3A_51 = arith.constant 79 : i32
    %scan3A_52 = arith.addi %scan3A_50, %scan3A_51 : i32
    %scan3A_53 = arith.constant 1 : i32
    scf.for %scan3A_58 = %scan3A_50 to %scan3A_52 step %scan3A_53  : i32 {
      %mul3A_59 = arith.constant 1 : i32
      %mul3A_60 = arith.muli %scan3A_58, %mul3A_59 : i32
      %add3A_61 = arith.constant 0 : i32
      %add3A_62 = arith.addi %add3A_61, %mul3A_60 : i32
      %rem3A = arith.constant 3 : i32
      %rem3A_63 = arith.remsi %add3A_62, %rem3A : i32
      %add3A_64 = arith.constant 2 : i32
      %add3A_65 = arith.addi %add3A_62, %add3A_64 : i32
      %rem3A_66 = arith.constant 3 : i32
      %rem3A_67 = arith.remsi %add3A_65, %rem3A_66 : i32
      %mul3A_68 = arith.constant 128 : i32
      %mul3A_69 = arith.muli %rem3A_63, %mul3A_68 : i32
      %dma_wait3A = arith.constant 0 : i32
      %dma_wait3A_70 = arith.constant 0 : i32
      %dma_wait3A_71 = tpu.memref_slice %arg6[%mul3A_69, %dma_wait3A_70] : memref<384x128xf32, #tpu.memory_space<vmem>> -> memref<128x128xf32, #tpu.memory_space<vmem>>
      %dma_wait3A_72 = arith.constant 0 : i32
      %dma_wait3A_73 = tpu.memref_slice %arg5[%rem3A_63, %dma_wait3A, %dma_wait3A_72] : memref<3x2x128xi32, #tpu.memory_space<vmem>> -> memref<1x1x128xi32, #tpu.memory_space<vmem>>
      %dma_wait3A_74 = tpu.memref_squeeze %dma_wait3A_73 : memref<1x1x128xi32, #tpu.memory_space<vmem>> -> memref<128xi32, #tpu.memory_space<vmem>>
      %dma_wait3A_75 = arith.constant 0 : i32
      %dma_wait3A_76 = arith.constant 0 : i32
      %dma_wait3A_77 = tpu.memref_slice %arg2[%dma_wait3A_75, %dma_wait3A_76] : memref<10000x128xf32, #tpu.memory_space<hbm>> -> memref<10000x128xf32, #tpu.memory_space<hbm>>
      %dma_wait3A_78 = tpu.memref_slice %arg8[%rem3A_63] : memref<3x!tpu.dma_semaphore, #tpu.memory_space<semaphore_mem>> -> memref<1x!tpu.dma_semaphore, #tpu.memory_space<semaphore_mem>>
      %dma_wait3A_79 = tpu.memref_squeeze %dma_wait3A_78 : memref<1x!tpu.dma_semaphore, #tpu.memory_space<semaphore_mem>> -> memref<!tpu.dma_semaphore, #tpu.memory_space<semaphore_mem>>
      tpu.wait_indirect_dma semaphore(%dma_wait3A_79 : memref<!tpu.dma_semaphore, #tpu.memory_space<semaphore_mem>>) src(%dma_wait3A_77 : memref<10000x128xf32, #tpu.memory_space<hbm>>) dst(%dma_wait3A_71 : memref<128x128xf32, #tpu.memory_space<vmem>>)
      %add3A_80 = arith.constant 2 : i32
      %add3A_81 = arith.addi %add3A_62, %add3A_80 : i32
      %lt3A = arith.constant 79 : i32
      %lt3A_82 = arith.cmpi slt, %add3A_81, %lt3A : i32
      %convert_element_type3A = arith.extui %lt3A_82 : i1 to i32
      %cond3A = arith.constant 0 : i32
      %cond3A_83 = arith.cmpi ne, %convert_element_type3A, %cond3A : i32
      scf.if %cond3A_83 {
        %ge3A = arith.constant 1 : i32
        %ge3A_94 = arith.cmpi sge, %add3A_62, %ge3A : i32
        %convert_element_type3A_95 = arith.extui %ge3A_94 : i1 to i32
        %cond3A_96 = arith.constant 0 : i32
        %cond3A_97 = arith.cmpi ne, %convert_element_type3A_95, %cond3A_96 : i32
        scf.if %cond3A_97 {
          %add3A_111 = arith.constant 2 : i32
          %add3A_112 = arith.addi %add3A_62, %add3A_111 : i32
          %dma_wait3A_113 = arith.constant 0 : i32
          %dma_wait3A_114 = arith.constant 0 : i32
          %dma_wait3A_115 = tpu.memref_slice %arg5[%rem3A_67, %dma_wait3A_113, %dma_wait3A_114] : memref<3x2x128xi32, #tpu.memory_space<vmem>> -> memref<1x2x128xi32, #tpu.memory_space<vmem>>
          %dma_wait3A_116 = tpu.memref_squeeze %dma_wait3A_115 : memref<1x2x128xi32, #tpu.memory_space<vmem>> -> memref<2x128xi32, #tpu.memory_space<vmem>>
          %dma_wait3A_117 = arith.constant 0 : i32
          %dma_wait3A_118 = arith.constant 0 : i32
          %dma_wait3A_119 = tpu.memref_slice %arg3[%add3A, %add3A_112, %dma_wait3A_117, %dma_wait3A_118] : memref<32x79x2x128xi32, #tpu.memory_space<hbm>> -> memref<1x1x2x128xi32, #tpu.memory_space<hbm>>
          %dma_wait3A_120 = tpu.memref_squeeze %dma_wait3A_119 : memref<1x1x2x128xi32, #tpu.memory_space<hbm>> -> memref<2x128xi32, #tpu.memory_space<hbm>>
          %dma_wait3A_121 = tpu.memref_slice %arg9[%rem3A_67] : memref<3x!tpu.dma_semaphore, #tpu.memory_space<semaphore_mem>> -> memref<1x!tpu.dma_semaphore, #tpu.memory_space<semaphore_mem>>
          %dma_wait3A_122 = tpu.memref_squeeze %dma_wait3A_121 : memref<1x!tpu.dma_semaphore, #tpu.memory_space<semaphore_mem>> -> memref<!tpu.dma_semaphore, #tpu.memory_space<semaphore_mem>>
          %dma_wait3A_123 = arith.constant 0 : i32
          %dma_wait3A_124 = arith.constant 0 : i32
          %dma_wait3A_125 = tpu.memref_slice %arg5[%rem3A_67, %dma_wait3A_123, %dma_wait3A_124] : memref<3x2x128xi32, #tpu.memory_space<vmem>> -> memref<1x2x128xi32, #tpu.memory_space<vmem>>
          %dma_wait3A_126 = tpu.memref_squeeze %dma_wait3A_125 : memref<1x2x128xi32, #tpu.memory_space<vmem>> -> memref<2x128xi32, #tpu.memory_space<vmem>>
          %dma_wait3A_127 = arith.constant 0 : i32
          %dma_wait3A_128 = arith.constant 0 : i32
          %dma_wait3A_129 = tpu.memref_slice %arg3[%add3A, %add3A_112, %dma_wait3A_127, %dma_wait3A_128] : memref<32x79x2x128xi32, #tpu.memory_space<hbm>> -> memref<1x1x2x128xi32, #tpu.memory_space<hbm>>
          %dma_wait3A_130 = tpu.memref_squeeze %dma_wait3A_129 : memref<1x1x2x128xi32, #tpu.memory_space<hbm>> -> memref<2x128xi32, #tpu.memory_space<hbm>>
          tpu.wait_dma2 semaphore(%dma_wait3A_122 : memref<!tpu.dma_semaphore, #tpu.memory_space<semaphore_mem>>) src(%dma_wait3A_130 : memref<2x128xi32, #tpu.memory_space<hbm>>) dst(%dma_wait3A_126 : memref<2x128xi32, #tpu.memory_space<vmem>>)
        } else {
        }
        %mul3A_98 = arith.constant 128 : i32
        %mul3A_99 = arith.muli %rem3A_67, %mul3A_98 : i32
        %dma_start3A_100 = arith.constant 0 : i32
        %dma_start3A_101 = arith.constant 0 : i32
        %dma_start3A_102 = tpu.memref_slice %arg6[%mul3A_99, %dma_start3A_101] : memref<384x128xf32, #tpu.memory_space<vmem>> -> memref<128x128xf32, #tpu.memory_space<vmem>>
        %dma_start3A_103 = arith.constant 0 : i32
        %dma_start3A_104 = tpu.memref_slice %arg5[%rem3A_67, %dma_start3A_100, %dma_start3A_103] : memref<3x2x128xi32, #tpu.memory_space<vmem>> -> memref<1x1x128xi32, #tpu.memory_space<vmem>>
        %dma_start3A_105 = tpu.memref_squeeze %dma_start3A_104 : memref<1x1x128xi32, #tpu.memory_space<vmem>> -> memref<128xi32, #tpu.memory_space<vmem>>
        %dma_start3A_106 = arith.constant 0 : i32
        %dma_start3A_107 = arith.constant 0 : i32
        %dma_start3A_108 = tpu.memref_slice %arg2[%dma_start3A_106, %dma_start3A_107] : memref<10000x128xf32, #tpu.memory_space<hbm>> -> memref<10000x128xf32, #tpu.memory_space<hbm>>
        %dma_start3A_109 = tpu.memref_slice %arg8[%rem3A_67] : memref<3x!tpu.dma_semaphore, #tpu.memory_space<semaphore_mem>> -> memref<1x!tpu.dma_semaphore, #tpu.memory_space<semaphore_mem>>
        %dma_start3A_110 = tpu.memref_squeeze %dma_start3A_109 : memref<1x!tpu.dma_semaphore, #tpu.memory_space<semaphore_mem>> -> memref<!tpu.dma_semaphore, #tpu.memory_space<semaphore_mem>>
        tpu.enqueue_indirect_dma source(%dma_start3A_108 : memref<10000x128xf32, #tpu.memory_space<hbm>>) target(%dma_start3A_102 : memref<128x128xf32, #tpu.memory_space<vmem>>) offsets(%dma_start3A_105 : memref<128xi32, #tpu.memory_space<vmem>>) semaphore(%dma_start3A_110 : memref<!tpu.dma_semaphore, #tpu.memory_space<semaphore_mem>>)
      } else {
      }
      %mul3A_84 = arith.constant 128 : i32
      %mul3A_85 = arith.muli %rem3A_63, %mul3A_84 : i32
      %run_scoped3A_86 = arith.constant 1 : i32
      "tpu.region"() ({
        %run_scoped3A_94 = tpu.sem_alloc : memref<!tpu.dma_semaphore, #tpu.memory_space<semaphore_mem>>
        %dma_start3A_95 = arith.constant 0 : i32
        %dma_start3A_96 = tpu.memref_slice %arg6[%mul3A_85, %dma_start3A_95] : memref<384x128xf32, #tpu.memory_space<vmem>> -> memref<128x128xf32, #tpu.memory_space<vmem>>
        %dma_start3A_97 = arith.constant 0 : i32
        %dma_start3A_98 = tpu.memref_slice %arg5[%rem3A_63, %run_scoped3A_86, %dma_start3A_97] : memref<3x2x128xi32, #tpu.memory_space<vmem>> -> memref<1x1x128xi32, #tpu.memory_space<vmem>>
        %dma_start3A_99 = tpu.memref_squeeze %dma_start3A_98 : memref<1x1x128xi32, #tpu.memory_space<vmem>> -> memref<128xi32, #tpu.memory_space<vmem>>
        %dma_start3A_100 = arith.constant 0 : i32
        %dma_start3A_101 = arith.constant 0 : i32
        %dma_start3A_102 = tpu.memref_slice %arg7[%dma_start3A_100, %dma_start3A_101] : memref<10112x128xf32, #tpu.memory_space<vmem_shared>> -> memref<10112x128xf32, #tpu.memory_space<vmem_shared>>
        tpu.enqueue_indirect_dma source(%dma_start3A_96 : memref<128x128xf32, #tpu.memory_space<vmem>>) target(%dma_start3A_102 : memref<10112x128xf32, #tpu.memory_space<vmem_shared>>) offsets(%dma_start3A_99 : memref<128xi32, #tpu.memory_space<vmem>>) semaphore(%run_scoped3A_94 : memref<!tpu.dma_semaphore, #tpu.memory_space<semaphore_mem>>) {add = true}
        %dma_wait3A_103 = arith.constant 0 : i32
        %dma_wait3A_104 = tpu.memref_slice %arg6[%mul3A_85, %dma_wait3A_103] : memref<384x128xf32, #tpu.memory_space<vmem>> -> memref<128x128xf32, #tpu.memory_space<vmem>>
        %dma_wait3A_105 = arith.constant 0 : i32
        %dma_wait3A_106 = tpu.memref_slice %arg5[%rem3A_63, %run_scoped3A_86, %dma_wait3A_105] : memref<3x2x128xi32, #tpu.memory_space<vmem>> -> memref<1x1x128xi32, #tpu.memory_space<vmem>>
        %dma_wait3A_107 = tpu.memref_squeeze %dma_wait3A_106 : memref<1x1x128xi32, #tpu.memory_space<vmem>> -> memref<128xi32, #tpu.memory_space<vmem>>
        %dma_wait3A_108 = arith.constant 0 : i32
        %dma_wait3A_109 = arith.constant 0 : i32
        %dma_wait3A_110 = tpu.memref_slice %arg7[%dma_wait3A_108, %dma_wait3A_109] : memref<10112x128xf32, #tpu.memory_space<vmem_shared>> -> memref<10112x128xf32, #tpu.memory_space<vmem_shared>>
        tpu.wait_indirect_dma semaphore(%run_scoped3A_94 : memref<!tpu.dma_semaphore, #tpu.memory_space<semaphore_mem>>) src(%dma_wait3A_104 : memref<128x128xf32, #tpu.memory_space<vmem>>) dst(%dma_wait3A_110 : memref<10112x128xf32, #tpu.memory_space<vmem_shared>>)
        tpu.yield
      }) : () -> ()
      %add3A_87 = arith.constant 3 : i32
      %add3A_88 = arith.addi %add3A_62, %add3A_87 : i32
      %lt3A_89 = arith.constant 79 : i32
      %lt3A_90 = arith.cmpi slt, %add3A_88, %lt3A_89 : i32
      %convert_element_type3A_91 = arith.extui %lt3A_90 : i1 to i32
      %cond3A_92 = arith.constant 0 : i32
      %cond3A_93 = arith.cmpi ne, %convert_element_type3A_91, %cond3A_92 : i32
      scf.if %cond3A_93 {
        %add3A_94 = arith.constant 3 : i32
        %add3A_95 = arith.addi %add3A_62, %add3A_94 : i32
        %dma_start3A_96 = arith.constant 0 : i32
        %dma_start3A_97 = arith.constant 0 : i32
        %dma_start3A_98 = tpu.memref_slice %arg5[%rem3A_63, %dma_start3A_96, %dma_start3A_97] : memref<3x2x128xi32, #tpu.memory_space<vmem>> -> memref<1x2x128xi32, #tpu.memory_space<vmem>>
        %dma_start3A_99 = tpu.memref_squeeze %dma_start3A_98 : memref<1x2x128xi32, #tpu.memory_space<vmem>> -> memref<2x128xi32, #tpu.memory_space<vmem>>
        %dma_start3A_100 = arith.constant 0 : i32
        %dma_start3A_101 = arith.constant 0 : i32
        %dma_start3A_102 = tpu.memref_slice %arg3[%add3A, %add3A_95, %dma_start3A_100, %dma_start3A_101] : memref<32x79x2x128xi32, #tpu.memory_space<hbm>> -> memref<1x1x2x128xi32, #tpu.memory_space<hbm>>
        %dma_start3A_103 = tpu.memref_squeeze %dma_start3A_102 : memref<1x1x2x128xi32, #tpu.memory_space<hbm>> -> memref<2x128xi32, #tpu.memory_space<hbm>>
        %dma_start3A_104 = tpu.memref_slice %arg9[%rem3A_63] : memref<3x!tpu.dma_semaphore, #tpu.memory_space<semaphore_mem>> -> memref<1x!tpu.dma_semaphore, #tpu.memory_space<semaphore_mem>>
        %dma_start3A_105 = tpu.memref_squeeze %dma_start3A_104 : memref<1x!tpu.dma_semaphore, #tpu.memory_space<semaphore_mem>> -> memref<!tpu.dma_semaphore, #tpu.memory_space<semaphore_mem>>
        %dma_start3A_106 = arith.constant 0 : i32
        %dma_start3A_107 = arith.constant 0 : i32
        %dma_start3A_108 = tpu.memref_slice %arg5[%rem3A_63, %dma_start3A_106, %dma_start3A_107] : memref<3x2x128xi32, #tpu.memory_space<vmem>> -> memref<1x2x128xi32, #tpu.memory_space<vmem>>
        %dma_start3A_109 = tpu.memref_squeeze %dma_start3A_108 : memref<1x2x128xi32, #tpu.memory_space<vmem>> -> memref<2x128xi32, #tpu.memory_space<vmem>>
        %dma_start3A_110 = arith.constant 0 : i32
        %dma_start3A_111 = arith.constant 0 : i32
        %dma_start3A_112 = tpu.memref_slice %arg3[%add3A, %add3A_95, %dma_start3A_110, %dma_start3A_111] : memref<32x79x2x128xi32, #tpu.memory_space<hbm>> -> memref<1x1x2x128xi32, #tpu.memory_space<hbm>>
        %dma_start3A_113 = tpu.memref_squeeze %dma_start3A_112 : memref<1x1x2x128xi32, #tpu.memory_space<hbm>> -> memref<2x128xi32, #tpu.memory_space<hbm>>
        tpu.enqueue_dma source(%dma_start3A_113 : memref<2x128xi32, #tpu.memory_space<hbm>>) target(%dma_start3A_109 : memref<2x128xi32, #tpu.memory_space<vmem>>) target_semaphore(%dma_start3A_105 : memref<!tpu.dma_semaphore, #tpu.memory_space<semaphore_mem>>)
      } else {
      }
    }
    %scan3A_54 = arith.constant 79 : i32
    %barrier3A_55 = arith.constant 0 : index
    tpu.barrier barrier_id(%barrier3A_55)
    %mul3A_56 = arith.constant 632 : i32
    %mul3A_57 = arith.muli %arg1, %mul3A_56 : i32
    "tpu.region"() ({
      %run_scoped3A_58 = tpu.sem_alloc : memref<!tpu.dma_semaphore, #tpu.memory_space<semaphore_mem>>
      %dma_start3A_59 = arith.constant 0 : i32
      %dma_start3A_60 = tpu.memref_slice %arg4[%arg0, %mul3A_57, %dma_start3A_59] : memref<2x10112x128xf32, #tpu.memory_space<hbm>> -> memref<1x632x128xf32, #tpu.memory_space<hbm>>
      %dma_start3A_61 = tpu.memref_squeeze %dma_start3A_60 : memref<1x632x128xf32, #tpu.memory_space<hbm>> -> memref<632x128xf32, #tpu.memory_space<hbm>>
      %dma_start3A_62 = arith.constant 0 : i32
      %dma_start3A_63 = tpu.memref_slice %arg7[%mul3A_57, %dma_start3A_62] : memref<10112x128xf32, #tpu.memory_space<vmem_shared>> -> memref<632x128xf32, #tpu.memory_space<vmem_shared>>
      tpu.enqueue_dma source(%dma_start3A_63 : memref<632x128xf32, #tpu.memory_space<vmem_shared>>) target(%dma_start3A_61 : memref<632x128xf32, #tpu.memory_space<hbm>>) target_semaphore(%run_scoped3A_58 : memref<!tpu.dma_semaphore, #tpu.memory_space<semaphore_mem>>)
      %dma_wait3A = arith.constant 0 : i32
      %dma_wait3A_64 = tpu.memref_slice %arg4[%arg0, %mul3A_57, %dma_wait3A] : memref<2x10112x128xf32, #tpu.memory_space<hbm>> -> memref<1x632x128xf32, #tpu.memory_space<hbm>>
      %dma_wait3A_65 = tpu.memref_squeeze %dma_wait3A_64 : memref<1x632x128xf32, #tpu.memory_space<hbm>> -> memref<632x128xf32, #tpu.memory_space<hbm>>
      %dma_wait3A_66 = arith.constant 0 : i32
      %dma_wait3A_67 = tpu.memref_slice %arg7[%mul3A_57, %dma_wait3A_66] : memref<10112x128xf32, #tpu.memory_space<vmem_shared>> -> memref<632x128xf32, #tpu.memory_space<vmem_shared>>
      tpu.wait_dma2 semaphore(%run_scoped3A_58 : memref<!tpu.dma_semaphore, #tpu.memory_space<semaphore_mem>>) src(%dma_wait3A_67 : memref<632x128xf32, #tpu.memory_space<vmem_shared>>) dst(%dma_wait3A_65 : memref<632x128xf32, #tpu.memory_space<hbm>>)
      tpu.yield
    }) : () -> ()
    return
  }
}

#map = affine_map<(d0, d1) -> (0, 0, 0)>
module attributes {stable_mosaic.version = 14 : i64} {
  func.func @_deg_body(%arg0: i32, %arg1: i32, %arg2: memref<32x79x128xi32, #tpu.memory_space<hbm>>, %arg3: memref<2x10112x128xf32, #tpu.memory_space<hbm>>, %arg4: memref<79x128xi32, #tpu.memory_space<vmem>>, %arg5: memref<128x128xf32, #tpu.memory_space<vmem>>, %arg6: memref<10112x128xf32, #tpu.memory_space<vmem_shared>>) attributes {dimension_semantics = [#tpu.dimension_semantics<core_parallel>, #tpu.dimension_semantics<subcore_parallel>], iteration_bounds = array<i64: 2, 16>, scalar_prefetch = 0 : i64, scratch_operands = 3 : i64, tpu.core_type = #tpu.core_type<sc_vector_subcore>, window_params = [{transform_indices = #map}, {transform_indices = #map}]} {
    %mul3A = arith.constant 2 : i32
    %mul3A_0 = arith.muli %arg1, %mul3A : i32
    %add3A = arith.addi %mul3A_0, %arg0 : i32
    "tpu.region"() ({
      %run_scoped3A = tpu.sem_alloc : memref<!tpu.dma_semaphore, #tpu.memory_space<semaphore_mem>>
      %dma_start3A = arith.constant 0 : i32
      %dma_start3A_33 = arith.constant 0 : i32
      %dma_start3A_34 = tpu.memref_slice %arg2[%add3A, %dma_start3A, %dma_start3A_33] : memref<32x79x128xi32, #tpu.memory_space<hbm>> -> memref<1x79x128xi32, #tpu.memory_space<hbm>>
      %dma_start3A_35 = tpu.memref_squeeze %dma_start3A_34 : memref<1x79x128xi32, #tpu.memory_space<hbm>> -> memref<79x128xi32, #tpu.memory_space<hbm>>
      %dma_start3A_36 = arith.constant 0 : i32
      %dma_start3A_37 = arith.constant 0 : i32
      %dma_start3A_38 = tpu.memref_slice %arg2[%add3A, %dma_start3A_36, %dma_start3A_37] : memref<32x79x128xi32, #tpu.memory_space<hbm>> -> memref<1x79x128xi32, #tpu.memory_space<hbm>>
      %dma_start3A_39 = tpu.memref_squeeze %dma_start3A_38 : memref<1x79x128xi32, #tpu.memory_space<hbm>> -> memref<79x128xi32, #tpu.memory_space<hbm>>
      tpu.enqueue_dma source(%dma_start3A_39 : memref<79x128xi32, #tpu.memory_space<hbm>>) target(%arg4 : memref<79x128xi32, #tpu.memory_space<vmem>>) target_semaphore(%run_scoped3A : memref<!tpu.dma_semaphore, #tpu.memory_space<semaphore_mem>>)
      %dma_wait3A = arith.constant 0 : i32
      %dma_wait3A_40 = arith.constant 0 : i32
      %dma_wait3A_41 = tpu.memref_slice %arg2[%add3A, %dma_wait3A, %dma_wait3A_40] : memref<32x79x128xi32, #tpu.memory_space<hbm>> -> memref<1x79x128xi32, #tpu.memory_space<hbm>>
      %dma_wait3A_42 = tpu.memref_squeeze %dma_wait3A_41 : memref<1x79x128xi32, #tpu.memory_space<hbm>> -> memref<79x128xi32, #tpu.memory_space<hbm>>
      %dma_wait3A_43 = arith.constant 0 : i32
      %dma_wait3A_44 = arith.constant 0 : i32
      %dma_wait3A_45 = tpu.memref_slice %arg2[%add3A, %dma_wait3A_43, %dma_wait3A_44] : memref<32x79x128xi32, #tpu.memory_space<hbm>> -> memref<1x79x128xi32, #tpu.memory_space<hbm>>
      %dma_wait3A_46 = tpu.memref_squeeze %dma_wait3A_45 : memref<1x79x128xi32, #tpu.memory_space<hbm>> -> memref<79x128xi32, #tpu.memory_space<hbm>>
      tpu.wait_dma2 semaphore(%run_scoped3A : memref<!tpu.dma_semaphore, #tpu.memory_space<semaphore_mem>>) src(%dma_wait3A_46 : memref<79x128xi32, #tpu.memory_space<hbm>>) dst(%arg4 : memref<79x128xi32, #tpu.memory_space<vmem>>)
      tpu.yield
    }) : () -> ()
    %broadcast_in_dim3A = arith.constant 0.000000e+00 : f32
    %broadcast_in_dim3A_1 = vector.broadcast %broadcast_in_dim3A : f32 to vector<16xf32>
    %scan3A = arith.constant 0 : i32
    %scan3A_2 = arith.constant 128 : i32
    %scan3A_3 = arith.addi %scan3A, %scan3A_2 : i32
    %scan3A_4 = arith.constant 1 : i32
    scf.for %scan3A_33 = %scan3A to %scan3A_3 step %scan3A_4  : i32 {
      %mul3A_34 = arith.constant 1 : i32
      %mul3A_35 = arith.muli %scan3A_33, %mul3A_34 : i32
      %add3A_36 = arith.constant 0 : i32
      %add3A_37 = arith.addi %add3A_36, %mul3A_35 : i32
      %swap3A = arith.index_cast %add3A_37 : i32 to index
      %swap3A_38 = arith.constant 0 : index
      %swap3A_39 = tpu.vector_load %arg5[%swap3A, %swap3A_38] {strides = array<i32>} : memref<128x128xf32, #tpu.memory_space<vmem>>, vector<1x16xf32>,
      %swap3A_40 = vector.shape_cast %swap3A_39 : vector<1x16xf32> to vector<16xf32>
      %swap3A_41 = vector.shape_cast %broadcast_in_dim3A_1 : vector<16xf32> to vector<1x16xf32>
      tpu.vector_store %arg5[%swap3A, %swap3A_38], %swap3A_41 {strides = array<i32>} : memref<128x128xf32, #tpu.memory_space<vmem>>, vector<1x16xf32>,
      %swap3A_42 = arith.index_cast %add3A_37 : i32 to index
      %swap3A_43 = arith.constant 16 : index
      %swap3A_44 = tpu.vector_load %arg5[%swap3A_42, %swap3A_43] {strides = array<i32>} : memref<128x128xf32, #tpu.memory_space<vmem>>, vector<1x16xf32>,
      %swap3A_45 = vector.shape_cast %swap3A_44 : vector<1x16xf32> to vector<16xf32>
      %swap3A_46 = vector.shape_cast %broadcast_in_dim3A_1 : vector<16xf32> to vector<1x16xf32>
      tpu.vector_store %arg5[%swap3A_42, %swap3A_43], %swap3A_46 {strides = array<i32>} : memref<128x128xf32, #tpu.memory_space<vmem>>, vector<1x16xf32>,
      %swap3A_47 = arith.index_cast %add3A_37 : i32 to index
      %swap3A_48 = arith.constant 32 : index
      %swap3A_49 = tpu.vector_load %arg5[%swap3A_47, %swap3A_48] {strides = array<i32>} : memref<128x128xf32, #tpu.memory_space<vmem>>, vector<1x16xf32>,
      %swap3A_50 = vector.shape_cast %swap3A_49 : vector<1x16xf32> to vector<16xf32>
      %swap3A_51 = vector.shape_cast %broadcast_in_dim3A_1 : vector<16xf32> to vector<1x16xf32>
      tpu.vector_store %arg5[%swap3A_47, %swap3A_48], %swap3A_51 {strides = array<i32>} : memref<128x128xf32, #tpu.memory_space<vmem>>, vector<1x16xf32>,
      %swap3A_52 = arith.index_cast %add3A_37 : i32 to index
      %swap3A_53 = arith.constant 48 : index
      %swap3A_54 = tpu.vector_load %arg5[%swap3A_52, %swap3A_53] {strides = array<i32>} : memref<128x128xf32, #tpu.memory_space<vmem>>, vector<1x16xf32>,
      %swap3A_55 = vector.shape_cast %swap3A_54 : vector<1x16xf32> to vector<16xf32>
      %swap3A_56 = vector.shape_cast %broadcast_in_dim3A_1 : vector<16xf32> to vector<1x16xf32>
      tpu.vector_store %arg5[%swap3A_52, %swap3A_53], %swap3A_56 {strides = array<i32>} : memref<128x128xf32, #tpu.memory_space<vmem>>, vector<1x16xf32>,
      %swap3A_57 = arith.index_cast %add3A_37 : i32 to index
      %swap3A_58 = arith.constant 64 : index
      %swap3A_59 = tpu.vector_load %arg5[%swap3A_57, %swap3A_58] {strides = array<i32>} : memref<128x128xf32, #tpu.memory_space<vmem>>, vector<1x16xf32>,
      %swap3A_60 = vector.shape_cast %swap3A_59 : vector<1x16xf32> to vector<16xf32>
      %swap3A_61 = vector.shape_cast %broadcast_in_dim3A_1 : vector<16xf32> to vector<1x16xf32>
      tpu.vector_store %arg5[%swap3A_57, %swap3A_58], %swap3A_61 {strides = array<i32>} : memref<128x128xf32, #tpu.memory_space<vmem>>, vector<1x16xf32>,
      %swap3A_62 = arith.index_cast %add3A_37 : i32 to index
      %swap3A_63 = arith.constant 80 : index
      %swap3A_64 = tpu.vector_load %arg5[%swap3A_62, %swap3A_63] {strides = array<i32>} : memref<128x128xf32, #tpu.memory_space<vmem>>, vector<1x16xf32>,
      %swap3A_65 = vector.shape_cast %swap3A_64 : vector<1x16xf32> to vector<16xf32>
      %swap3A_66 = vector.shape_cast %broadcast_in_dim3A_1 : vector<16xf32> to vector<1x16xf32>
      tpu.vector_store %arg5[%swap3A_62, %swap3A_63], %swap3A_66 {strides = array<i32>} : memref<128x128xf32, #tpu.memory_space<vmem>>, vector<1x16xf32>,
      %swap3A_67 = arith.index_cast %add3A_37 : i32 to index
      %swap3A_68 = arith.constant 96 : index
      %swap3A_69 = tpu.vector_load %arg5[%swap3A_67, %swap3A_68] {strides = array<i32>} : memref<128x128xf32, #tpu.memory_space<vmem>>, vector<1x16xf32>,
      %swap3A_70 = vector.shape_cast %swap3A_69 : vector<1x16xf32> to vector<16xf32>
      %swap3A_71 = vector.shape_cast %broadcast_in_dim3A_1 : vector<16xf32> to vector<1x16xf32>
      tpu.vector_store %arg5[%swap3A_67, %swap3A_68], %swap3A_71 {strides = array<i32>} : memref<128x128xf32, #tpu.memory_space<vmem>>, vector<1x16xf32>,
      %swap3A_72 = arith.index_cast %add3A_37 : i32 to index
      %swap3A_73 = arith.constant 112 : index
      %swap3A_74 = tpu.vector_load %arg5[%swap3A_72, %swap3A_73] {strides = array<i32>} : memref<128x128xf32, #tpu.memory_space<vmem>>, vector<1x16xf32>,
      %swap3A_75 = vector.shape_cast %swap3A_74 : vector<1x16xf32> to vector<16xf32>
      %swap3A_76 = vector.shape_cast %broadcast_in_dim3A_1 : vector<16xf32> to vector<1x16xf32>
      tpu.vector_store %arg5[%swap3A_72, %swap3A_73], %swap3A_76 {strides = array<i32>} : memref<128x128xf32, #tpu.memory_space<vmem>>, vector<1x16xf32>,
    }
    %scan3A_5 = arith.constant 128 : i32
    %mul3A_6 = arith.constant 632 : i32
    %mul3A_7 = arith.muli %arg1, %mul3A_6 : i32
    %add3A_8 = arith.constant 0 : i32
    %add3A_9 = arith.addi %mul3A_7, %add3A_8 : i32
    "tpu.region"() ({
      %run_scoped3A = tpu.sem_alloc : memref<!tpu.dma_semaphore, #tpu.memory_space<semaphore_mem>>
      %dma_start3A = arith.constant 0 : i32
      %dma_start3A_33 = arith.constant 0 : i32
      %dma_start3A_34 = tpu.memref_slice %arg5[%dma_start3A, %dma_start3A_33] : memref<128x128xf32, #tpu.memory_space<vmem>> -> memref<128x128xf32, #tpu.memory_space<vmem>>
      %dma_start3A_35 = arith.constant 0 : i32
      %dma_start3A_36 = tpu.memref_slice %arg6[%add3A_9, %dma_start3A_35] : memref<10112x128xf32, #tpu.memory_space<vmem_shared>> -> memref<128x128xf32, #tpu.memory_space<vmem_shared>>
      %dma_start3A_37 = arith.constant 0 : i32
      %dma_start3A_38 = tpu.memref_slice %arg6[%add3A_9, %dma_start3A_37] : memref<10112x128xf32, #tpu.memory_space<vmem_shared>> -> memref<128x128xf32, #tpu.memory_space<vmem_shared>>
      %dma_start3A_39 = arith.constant 0 : i32
      %dma_start3A_40 = arith.constant 0 : i32
      %dma_start3A_41 = tpu.memref_slice %arg5[%dma_start3A_39, %dma_start3A_40] : memref<128x128xf32, #tpu.memory_space<vmem>> -> memref<128x128xf32, #tpu.memory_space<vmem>>
      tpu.enqueue_dma source(%dma_start3A_41 : memref<128x128xf32, #tpu.memory_space<vmem>>) target(%dma_start3A_38 : memref<128x128xf32, #tpu.memory_space<vmem_shared>>) target_semaphore(%run_scoped3A : memref<!tpu.dma_semaphore, #tpu.memory_space<semaphore_mem>>)
      %dma_wait3A = arith.constant 0 : i32
      %dma_wait3A_42 = arith.constant 0 : i32
      %dma_wait3A_43 = tpu.memref_slice %arg5[%dma_wait3A, %dma_wait3A_42] : memref<128x128xf32, #tpu.memory_space<vmem>> -> memref<128x128xf32, #tpu.memory_space<vmem>>
      %dma_wait3A_44 = arith.constant 0 : i32
      %dma_wait3A_45 = tpu.memref_slice %arg6[%add3A_9, %dma_wait3A_44] : memref<10112x128xf32, #tpu.memory_space<vmem_shared>> -> memref<128x128xf32, #tpu.memory_space<vmem_shared>>
      %dma_wait3A_46 = arith.constant 0 : i32
      %dma_wait3A_47 = tpu.memref_slice %arg6[%add3A_9, %dma_wait3A_46] : memref<10112x128xf32, #tpu.memory_space<vmem_shared>> -> memref<128x128xf32, #tpu.memory_space<vmem_shared>>
      %dma_wait3A_48 = arith.constant 0 : i32
      %dma_wait3A_49 = arith.constant 0 : i32
      %dma_wait3A_50 = tpu.memref_slice %arg5[%dma_wait3A_48, %dma_wait3A_49] : memref<128x128xf32, #tpu.memory_space<vmem>> -> memref<128x128xf32, #tpu.memory_space<vmem>>
      tpu.wait_dma2 semaphore(%run_scoped3A : memref<!tpu.dma_semaphore, #tpu.memory_space<semaphore_mem>>) src(%dma_wait3A_50 : memref<128x128xf32, #tpu.memory_space<vmem>>) dst(%dma_wait3A_47 : memref<128x128xf32, #tpu.memory_space<vmem_shared>>)
      tpu.yield
    }) : () -> ()
    %add3A_10 = arith.constant 128 : i32
    %add3A_11 = arith.addi %mul3A_7, %add3A_10 : i32
    "tpu.region"() ({
      %run_scoped3A = tpu.sem_alloc : memref<!tpu.dma_semaphore, #tpu.memory_space<semaphore_mem>>
      %dma_start3A = arith.constant 0 : i32
      %dma_start3A_33 = arith.constant 0 : i32
      %dma_start3A_34 = tpu.memref_slice %arg5[%dma_start3A, %dma_start3A_33] : memref<128x128xf32, #tpu.memory_space<vmem>> -> memref<128x128xf32, #tpu.memory_space<vmem>>
      %dma_start3A_35 = arith.constant 0 : i32
      %dma_start3A_36 = tpu.memref_slice %arg6[%add3A_11, %dma_start3A_35] : memref<10112x128xf32, #tpu.memory_space<vmem_shared>> -> memref<128x128xf32, #tpu.memory_space<vmem_shared>>
      %dma_start3A_37 = arith.constant 0 : i32
      %dma_start3A_38 = tpu.memref_slice %arg6[%add3A_11, %dma_start3A_37] : memref<10112x128xf32, #tpu.memory_space<vmem_shared>> -> memref<128x128xf32, #tpu.memory_space<vmem_shared>>
      %dma_start3A_39 = arith.constant 0 : i32
      %dma_start3A_40 = arith.constant 0 : i32
      %dma_start3A_41 = tpu.memref_slice %arg5[%dma_start3A_39, %dma_start3A_40] : memref<128x128xf32, #tpu.memory_space<vmem>> -> memref<128x128xf32, #tpu.memory_space<vmem>>
      tpu.enqueue_dma source(%dma_start3A_41 : memref<128x128xf32, #tpu.memory_space<vmem>>) target(%dma_start3A_38 : memref<128x128xf32, #tpu.memory_space<vmem_shared>>) target_semaphore(%run_scoped3A : memref<!tpu.dma_semaphore, #tpu.memory_space<semaphore_mem>>)
      %dma_wait3A = arith.constant 0 : i32
      %dma_wait3A_42 = arith.constant 0 : i32
      %dma_wait3A_43 = tpu.memref_slice %arg5[%dma_wait3A, %dma_wait3A_42] : memref<128x128xf32, #tpu.memory_space<vmem>> -> memref<128x128xf32, #tpu.memory_space<vmem>>
      %dma_wait3A_44 = arith.constant 0 : i32
      %dma_wait3A_45 = tpu.memref_slice %arg6[%add3A_11, %dma_wait3A_44] : memref<10112x128xf32, #tpu.memory_space<vmem_shared>> -> memref<128x128xf32, #tpu.memory_space<vmem_shared>>
      %dma_wait3A_46 = arith.constant 0 : i32
      %dma_wait3A_47 = tpu.memref_slice %arg6[%add3A_11, %dma_wait3A_46] : memref<10112x128xf32, #tpu.memory_space<vmem_shared>> -> memref<128x128xf32, #tpu.memory_space<vmem_shared>>
      %dma_wait3A_48 = arith.constant 0 : i32
      %dma_wait3A_49 = arith.constant 0 : i32
      %dma_wait3A_50 = tpu.memref_slice %arg5[%dma_wait3A_48, %dma_wait3A_49] : memref<128x128xf32, #tpu.memory_space<vmem>> -> memref<128x128xf32, #tpu.memory_space<vmem>>
      tpu.wait_dma2 semaphore(%run_scoped3A : memref<!tpu.dma_semaphore, #tpu.memory_space<semaphore_mem>>) src(%dma_wait3A_50 : memref<128x128xf32, #tpu.memory_space<vmem>>) dst(%dma_wait3A_47 : memref<128x128xf32, #tpu.memory_space<vmem_shared>>)
      tpu.yield
    }) : () -> ()
    %add3A_12 = arith.constant 256 : i32
    %add3A_13 = arith.addi %mul3A_7, %add3A_12 : i32
    "tpu.region"() ({
      %run_scoped3A = tpu.sem_alloc : memref<!tpu.dma_semaphore, #tpu.memory_space<semaphore_mem>>
      %dma_start3A = arith.constant 0 : i32
      %dma_start3A_33 = arith.constant 0 : i32
      %dma_start3A_34 = tpu.memref_slice %arg5[%dma_start3A, %dma_start3A_33] : memref<128x128xf32, #tpu.memory_space<vmem>> -> memref<128x128xf32, #tpu.memory_space<vmem>>
      %dma_start3A_35 = arith.constant 0 : i32
      %dma_start3A_36 = tpu.memref_slice %arg6[%add3A_13, %dma_start3A_35] : memref<10112x128xf32, #tpu.memory_space<vmem_shared>> -> memref<128x128xf32, #tpu.memory_space<vmem_shared>>
      %dma_start3A_37 = arith.constant 0 : i32
      %dma_start3A_38 = tpu.memref_slice %arg6[%add3A_13, %dma_start3A_37] : memref<10112x128xf32, #tpu.memory_space<vmem_shared>> -> memref<128x128xf32, #tpu.memory_space<vmem_shared>>
      %dma_start3A_39 = arith.constant 0 : i32
      %dma_start3A_40 = arith.constant 0 : i32
      %dma_start3A_41 = tpu.memref_slice %arg5[%dma_start3A_39, %dma_start3A_40] : memref<128x128xf32, #tpu.memory_space<vmem>> -> memref<128x128xf32, #tpu.memory_space<vmem>>
      tpu.enqueue_dma source(%dma_start3A_41 : memref<128x128xf32, #tpu.memory_space<vmem>>) target(%dma_start3A_38 : memref<128x128xf32, #tpu.memory_space<vmem_shared>>) target_semaphore(%run_scoped3A : memref<!tpu.dma_semaphore, #tpu.memory_space<semaphore_mem>>)
      %dma_wait3A = arith.constant 0 : i32
      %dma_wait3A_42 = arith.constant 0 : i32
      %dma_wait3A_43 = tpu.memref_slice %arg5[%dma_wait3A, %dma_wait3A_42] : memref<128x128xf32, #tpu.memory_space<vmem>> -> memref<128x128xf32, #tpu.memory_space<vmem>>
      %dma_wait3A_44 = arith.constant 0 : i32
      %dma_wait3A_45 = tpu.memref_slice %arg6[%add3A_13, %dma_wait3A_44] : memref<10112x128xf32, #tpu.memory_space<vmem_shared>> -> memref<128x128xf32, #tpu.memory_space<vmem_shared>>
      %dma_wait3A_46 = arith.constant 0 : i32
      %dma_wait3A_47 = tpu.memref_slice %arg6[%add3A_13, %dma_wait3A_46] : memref<10112x128xf32, #tpu.memory_space<vmem_shared>> -> memref<128x128xf32, #tpu.memory_space<vmem_shared>>
      %dma_wait3A_48 = arith.constant 0 : i32
      %dma_wait3A_49 = arith.constant 0 : i32
      %dma_wait3A_50 = tpu.memref_slice %arg5[%dma_wait3A_48, %dma_wait3A_49] : memref<128x128xf32, #tpu.memory_space<vmem>> -> memref<128x128xf32, #tpu.memory_space<vmem>>
      tpu.wait_dma2 semaphore(%run_scoped3A : memref<!tpu.dma_semaphore, #tpu.memory_space<semaphore_mem>>) src(%dma_wait3A_50 : memref<128x128xf32, #tpu.memory_space<vmem>>) dst(%dma_wait3A_47 : memref<128x128xf32, #tpu.memory_space<vmem_shared>>)
      tpu.yield
    }) : () -> ()
    %add3A_14 = arith.constant 384 : i32
    %add3A_15 = arith.addi %mul3A_7, %add3A_14 : i32
    "tpu.region"() ({
      %run_scoped3A = tpu.sem_alloc : memref<!tpu.dma_semaphore, #tpu.memory_space<semaphore_mem>>
      %dma_start3A = arith.constant 0 : i32
      %dma_start3A_33 = arith.constant 0 : i32
      %dma_start3A_34 = tpu.memref_slice %arg5[%dma_start3A, %dma_start3A_33] : memref<128x128xf32, #tpu.memory_space<vmem>> -> memref<128x128xf32, #tpu.memory_space<vmem>>
      %dma_start3A_35 = arith.constant 0 : i32
      %dma_start3A_36 = tpu.memref_slice %arg6[%add3A_15, %dma_start3A_35] : memref<10112x128xf32, #tpu.memory_space<vmem_shared>> -> memref<128x128xf32, #tpu.memory_space<vmem_shared>>
      %dma_start3A_37 = arith.constant 0 : i32
      %dma_start3A_38 = tpu.memref_slice %arg6[%add3A_15, %dma_start3A_37] : memref<10112x128xf32, #tpu.memory_space<vmem_shared>> -> memref<128x128xf32, #tpu.memory_space<vmem_shared>>
      %dma_start3A_39 = arith.constant 0 : i32
      %dma_start3A_40 = arith.constant 0 : i32
      %dma_start3A_41 = tpu.memref_slice %arg5[%dma_start3A_39, %dma_start3A_40] : memref<128x128xf32, #tpu.memory_space<vmem>> -> memref<128x128xf32, #tpu.memory_space<vmem>>
      tpu.enqueue_dma source(%dma_start3A_41 : memref<128x128xf32, #tpu.memory_space<vmem>>) target(%dma_start3A_38 : memref<128x128xf32, #tpu.memory_space<vmem_shared>>) target_semaphore(%run_scoped3A : memref<!tpu.dma_semaphore, #tpu.memory_space<semaphore_mem>>)
      %dma_wait3A = arith.constant 0 : i32
      %dma_wait3A_42 = arith.constant 0 : i32
      %dma_wait3A_43 = tpu.memref_slice %arg5[%dma_wait3A, %dma_wait3A_42] : memref<128x128xf32, #tpu.memory_space<vmem>> -> memref<128x128xf32, #tpu.memory_space<vmem>>
      %dma_wait3A_44 = arith.constant 0 : i32
      %dma_wait3A_45 = tpu.memref_slice %arg6[%add3A_15, %dma_wait3A_44] : memref<10112x128xf32, #tpu.memory_space<vmem_shared>> -> memref<128x128xf32, #tpu.memory_space<vmem_shared>>
      %dma_wait3A_46 = arith.constant 0 : i32
      %dma_wait3A_47 = tpu.memref_slice %arg6[%add3A_15, %dma_wait3A_46] : memref<10112x128xf32, #tpu.memory_space<vmem_shared>> -> memref<128x128xf32, #tpu.memory_space<vmem_shared>>
      %dma_wait3A_48 = arith.constant 0 : i32
      %dma_wait3A_49 = arith.constant 0 : i32
      %dma_wait3A_50 = tpu.memref_slice %arg5[%dma_wait3A_48, %dma_wait3A_49] : memref<128x128xf32, #tpu.memory_space<vmem>> -> memref<128x128xf32, #tpu.memory_space<vmem>>
      tpu.wait_dma2 semaphore(%run_scoped3A : memref<!tpu.dma_semaphore, #tpu.memory_space<semaphore_mem>>) src(%dma_wait3A_50 : memref<128x128xf32, #tpu.memory_space<vmem>>) dst(%dma_wait3A_47 : memref<128x128xf32, #tpu.memory_space<vmem_shared>>)
      tpu.yield
    }) : () -> ()
    %add3A_16 = arith.constant 512 : i32
    %add3A_17 = arith.addi %mul3A_7, %add3A_16 : i32
    "tpu.region"() ({
      %run_scoped3A = tpu.sem_alloc : memref<!tpu.dma_semaphore, #tpu.memory_space<semaphore_mem>>
      %dma_start3A = arith.constant 0 : i32
      %dma_start3A_33 = arith.constant 0 : i32
      %dma_start3A_34 = tpu.memref_slice %arg5[%dma_start3A, %dma_start3A_33] : memref<128x128xf32, #tpu.memory_space<vmem>> -> memref<120x128xf32, #tpu.memory_space<vmem>>
      %dma_start3A_35 = arith.constant 0 : i32
      %dma_start3A_36 = tpu.memref_slice %arg6[%add3A_17, %dma_start3A_35] : memref<10112x128xf32, #tpu.memory_space<vmem_shared>> -> memref<120x128xf32, #tpu.memory_space<vmem_shared>>
      %dma_start3A_37 = arith.constant 0 : i32
      %dma_start3A_38 = tpu.memref_slice %arg6[%add3A_17, %dma_start3A_37] : memref<10112x128xf32, #tpu.memory_space<vmem_shared>> -> memref<120x128xf32, #tpu.memory_space<vmem_shared>>
      %dma_start3A_39 = arith.constant 0 : i32
      %dma_start3A_40 = arith.constant 0 : i32
      %dma_start3A_41 = tpu.memref_slice %arg5[%dma_start3A_39, %dma_start3A_40] : memref<128x128xf32, #tpu.memory_space<vmem>> -> memref<120x128xf32, #tpu.memory_space<vmem>>
      tpu.enqueue_dma source(%dma_start3A_41 : memref<120x128xf32, #tpu.memory_space<vmem>>) target(%dma_start3A_38 : memref<120x128xf32, #tpu.memory_space<vmem_shared>>) target_semaphore(%run_scoped3A : memref<!tpu.dma_semaphore, #tpu.memory_space<semaphore_mem>>)
      %dma_wait3A = arith.constant 0 : i32
      %dma_wait3A_42 = arith.constant 0 : i32
      %dma_wait3A_43 = tpu.memref_slice %arg5[%dma_wait3A, %dma_wait3A_42] : memref<128x128xf32, #tpu.memory_space<vmem>> -> memref<120x128xf32, #tpu.memory_space<vmem>>
      %dma_wait3A_44 = arith.constant 0 : i32
      %dma_wait3A_45 = tpu.memref_slice %arg6[%add3A_17, %dma_wait3A_44] : memref<10112x128xf32, #tpu.memory_space<vmem_shared>> -> memref<120x128xf32, #tpu.memory_space<vmem_shared>>
      %dma_wait3A_46 = arith.constant 0 : i32
      %dma_wait3A_47 = tpu.memref_slice %arg6[%add3A_17, %dma_wait3A_46] : memref<10112x128xf32, #tpu.memory_space<vmem_shared>> -> memref<120x128xf32, #tpu.memory_space<vmem_shared>>
      %dma_wait3A_48 = arith.constant 0 : i32
      %dma_wait3A_49 = arith.constant 0 : i32
      %dma_wait3A_50 = tpu.memref_slice %arg5[%dma_wait3A_48, %dma_wait3A_49] : memref<128x128xf32, #tpu.memory_space<vmem>> -> memref<120x128xf32, #tpu.memory_space<vmem>>
      tpu.wait_dma2 semaphore(%run_scoped3A : memref<!tpu.dma_semaphore, #tpu.memory_space<semaphore_mem>>) src(%dma_wait3A_50 : memref<120x128xf32, #tpu.memory_space<vmem>>) dst(%dma_wait3A_47 : memref<120x128xf32, #tpu.memory_space<vmem_shared>>)
      tpu.yield
    }) : () -> ()
    %barrier3A = arith.constant 0 : index
    tpu.barrier barrier_id(%barrier3A)
    %broadcast_in_dim3A_18 = arith.constant 1.000000e+00 : f32
    %broadcast_in_dim3A_19 = vector.broadcast %broadcast_in_dim3A_18 : f32 to vector<16xf32>
    %scan3A_20 = arith.constant 0 : i32
    %scan3A_21 = arith.constant 128 : i32
    %scan3A_22 = arith.addi %scan3A_20, %scan3A_21 : i32
    %scan3A_23 = arith.constant 1 : i32
    scf.for %scan3A_33 = %scan3A_20 to %scan3A_22 step %scan3A_23  : i32 {
      %mul3A_34 = arith.constant 1 : i32
      %mul3A_35 = arith.muli %scan3A_33, %mul3A_34 : i32
      %add3A_36 = arith.constant 0 : i32
      %add3A_37 = arith.addi %add3A_36, %mul3A_35 : i32
      %swap3A = arith.index_cast %add3A_37 : i32 to index
      %swap3A_38 = arith.constant 0 : index
      %swap3A_39 = tpu.vector_load %arg5[%swap3A, %swap3A_38] {strides = array<i32>} : memref<128x128xf32, #tpu.memory_space<vmem>>, vector<1x16xf32>,
      %swap3A_40 = vector.shape_cast %swap3A_39 : vector<1x16xf32> to vector<16xf32>
      %swap3A_41 = vector.shape_cast %broadcast_in_dim3A_19 : vector<16xf32> to vector<1x16xf32>
      tpu.vector_store %arg5[%swap3A, %swap3A_38], %swap3A_41 {strides = array<i32>} : memref<128x128xf32, #tpu.memory_space<vmem>>, vector<1x16xf32>,
      %swap3A_42 = arith.index_cast %add3A_37 : i32 to index
      %swap3A_43 = arith.constant 16 : index
      %swap3A_44 = tpu.vector_load %arg5[%swap3A_42, %swap3A_43] {strides = array<i32>} : memref<128x128xf32, #tpu.memory_space<vmem>>, vector<1x16xf32>,
      %swap3A_45 = vector.shape_cast %swap3A_44 : vector<1x16xf32> to vector<16xf32>
      %swap3A_46 = vector.shape_cast %broadcast_in_dim3A_19 : vector<16xf32> to vector<1x16xf32>
      tpu.vector_store %arg5[%swap3A_42, %swap3A_43], %swap3A_46 {strides = array<i32>} : memref<128x128xf32, #tpu.memory_space<vmem>>, vector<1x16xf32>,
      %swap3A_47 = arith.index_cast %add3A_37 : i32 to index
      %swap3A_48 = arith.constant 32 : index
      %swap3A_49 = tpu.vector_load %arg5[%swap3A_47, %swap3A_48] {strides = array<i32>} : memref<128x128xf32, #tpu.memory_space<vmem>>, vector<1x16xf32>,
      %swap3A_50 = vector.shape_cast %swap3A_49 : vector<1x16xf32> to vector<16xf32>
      %swap3A_51 = vector.shape_cast %broadcast_in_dim3A_19 : vector<16xf32> to vector<1x16xf32>
      tpu.vector_store %arg5[%swap3A_47, %swap3A_48], %swap3A_51 {strides = array<i32>} : memref<128x128xf32, #tpu.memory_space<vmem>>, vector<1x16xf32>,
      %swap3A_52 = arith.index_cast %add3A_37 : i32 to index
      %swap3A_53 = arith.constant 48 : index
      %swap3A_54 = tpu.vector_load %arg5[%swap3A_52, %swap3A_53] {strides = array<i32>} : memref<128x128xf32, #tpu.memory_space<vmem>>, vector<1x16xf32>,
      %swap3A_55 = vector.shape_cast %swap3A_54 : vector<1x16xf32> to vector<16xf32>
      %swap3A_56 = vector.shape_cast %broadcast_in_dim3A_19 : vector<16xf32> to vector<1x16xf32>
      tpu.vector_store %arg5[%swap3A_52, %swap3A_53], %swap3A_56 {strides = array<i32>} : memref<128x128xf32, #tpu.memory_space<vmem>>, vector<1x16xf32>,
      %swap3A_57 = arith.index_cast %add3A_37 : i32 to index
      %swap3A_58 = arith.constant 64 : index
      %swap3A_59 = tpu.vector_load %arg5[%swap3A_57, %swap3A_58] {strides = array<i32>} : memref<128x128xf32, #tpu.memory_space<vmem>>, vector<1x16xf32>,
      %swap3A_60 = vector.shape_cast %swap3A_59 : vector<1x16xf32> to vector<16xf32>
      %swap3A_61 = vector.shape_cast %broadcast_in_dim3A_19 : vector<16xf32> to vector<1x16xf32>
      tpu.vector_store %arg5[%swap3A_57, %swap3A_58], %swap3A_61 {strides = array<i32>} : memref<128x128xf32, #tpu.memory_space<vmem>>, vector<1x16xf32>,
      %swap3A_62 = arith.index_cast %add3A_37 : i32 to index
      %swap3A_63 = arith.constant 80 : index
      %swap3A_64 = tpu.vector_load %arg5[%swap3A_62, %swap3A_63] {strides = array<i32>} : memref<128x128xf32, #tpu.memory_space<vmem>>, vector<1x16xf32>,
      %swap3A_65 = vector.shape_cast %swap3A_64 : vector<1x16xf32> to vector<16xf32>
      %swap3A_66 = vector.shape_cast %broadcast_in_dim3A_19 : vector<16xf32> to vector<1x16xf32>
      tpu.vector_store %arg5[%swap3A_62, %swap3A_63], %swap3A_66 {strides = array<i32>} : memref<128x128xf32, #tpu.memory_space<vmem>>, vector<1x16xf32>,
      %swap3A_67 = arith.index_cast %add3A_37 : i32 to index
      %swap3A_68 = arith.constant 96 : index
      %swap3A_69 = tpu.vector_load %arg5[%swap3A_67, %swap3A_68] {strides = array<i32>} : memref<128x128xf32, #tpu.memory_space<vmem>>, vector<1x16xf32>,
      %swap3A_70 = vector.shape_cast %swap3A_69 : vector<1x16xf32> to vector<16xf32>
      %swap3A_71 = vector.shape_cast %broadcast_in_dim3A_19 : vector<16xf32> to vector<1x16xf32>
      tpu.vector_store %arg5[%swap3A_67, %swap3A_68], %swap3A_71 {strides = array<i32>} : memref<128x128xf32, #tpu.memory_space<vmem>>, vector<1x16xf32>,
      %swap3A_72 = arith.index_cast %add3A_37 : i32 to index
      %swap3A_73 = arith.constant 112 : index
      %swap3A_74 = tpu.vector_load %arg5[%swap3A_72, %swap3A_73] {strides = array<i32>} : memref<128x128xf32, #tpu.memory_space<vmem>>, vector<1x16xf32>,
      %swap3A_75 = vector.shape_cast %swap3A_74 : vector<1x16xf32> to vector<16xf32>
      %swap3A_76 = vector.shape_cast %broadcast_in_dim3A_19 : vector<16xf32> to vector<1x16xf32>
      tpu.vector_store %arg5[%swap3A_72, %swap3A_73], %swap3A_76 {strides = array<i32>} : memref<128x128xf32, #tpu.memory_space<vmem>>, vector<1x16xf32>,
    }
    %scan3A_24 = arith.constant 128 : i32
    %scan3A_25 = arith.constant 0 : i32
    %scan3A_26 = arith.constant 79 : i32
    %scan3A_27 = arith.addi %scan3A_25, %scan3A_26 : i32
    %scan3A_28 = arith.constant 1 : i32
    scf.for %scan3A_33 = %scan3A_25 to %scan3A_27 step %scan3A_28  : i32 {
      %mul3A_34 = arith.constant 1 : i32
      %mul3A_35 = arith.muli %scan3A_33, %mul3A_34 : i32
      %add3A_36 = arith.constant 0 : i32
      %add3A_37 = arith.addi %add3A_36, %mul3A_35 : i32
      "tpu.region"() ({
        %run_scoped3A = tpu.sem_alloc : memref<!tpu.dma_semaphore, #tpu.memory_space<semaphore_mem>>
        %dma_start3A = arith.constant 0 : i32
        %dma_start3A_38 = tpu.memref_slice %arg4[%add3A_37, %dma_start3A] : memref<79x128xi32, #tpu.memory_space<vmem>> -> memref<1x128xi32, #tpu.memory_space<vmem>>
        %dma_start3A_39 = tpu.memref_squeeze %dma_start3A_38 : memref<1x128xi32, #tpu.memory_space<vmem>> -> memref<128xi32, #tpu.memory_space<vmem>>
        %dma_start3A_40 = arith.constant 0 : i32
        %dma_start3A_41 = arith.constant 0 : i32
        %dma_start3A_42 = tpu.memref_slice %arg6[%dma_start3A_40, %dma_start3A_41] : memref<10112x128xf32, #tpu.memory_space<vmem_shared>> -> memref<10112x128xf32, #tpu.memory_space<vmem_shared>>
        tpu.enqueue_indirect_dma source(%arg5 : memref<128x128xf32, #tpu.memory_space<vmem>>) target(%dma_start3A_42 : memref<10112x128xf32, #tpu.memory_space<vmem_shared>>) offsets(%dma_start3A_39 : memref<128xi32, #tpu.memory_space<vmem>>) semaphore(%run_scoped3A : memref<!tpu.dma_semaphore, #tpu.memory_space<semaphore_mem>>) {add = true}
        %dma_wait3A = arith.constant 0 : i32
        %dma_wait3A_43 = tpu.memref_slice %arg4[%add3A_37, %dma_wait3A] : memref<79x128xi32, #tpu.memory_space<vmem>> -> memref<1x128xi32, #tpu.memory_space<vmem>>
        %dma_wait3A_44 = tpu.memref_squeeze %dma_wait3A_43 : memref<1x128xi32, #tpu.memory_space<vmem>> -> memref<128xi32, #tpu.memory_space<vmem>>
        %dma_wait3A_45 = arith.constant 0 : i32
        %dma_wait3A_46 = arith.constant 0 : i32
        %dma_wait3A_47 = tpu.memref_slice %arg6[%dma_wait3A_45, %dma_wait3A_46] : memref<10112x128xf32, #tpu.memory_space<vmem_shared>> -> memref<10112x128xf32, #tpu.memory_space<vmem_shared>>
        tpu.wait_indirect_dma semaphore(%run_scoped3A : memref<!tpu.dma_semaphore, #tpu.memory_space<semaphore_mem>>) src(%arg5 : memref<128x128xf32, #tpu.memory_space<vmem>>) dst(%dma_wait3A_47 : memref<10112x128xf32, #tpu.memory_space<vmem_shared>>)
        tpu.yield
      }) : () -> ()
    }
    %scan3A_29 = arith.constant 79 : i32
    %barrier3A_30 = arith.constant 0 : index
    tpu.barrier barrier_id(%barrier3A_30)
    %mul3A_31 = arith.constant 632 : i32
    %mul3A_32 = arith.muli %arg1, %mul3A_31 : i32
    "tpu.region"() ({
      %run_scoped3A = tpu.sem_alloc : memref<!tpu.dma_semaphore, #tpu.memory_space<semaphore_mem>>
      %dma_start3A = arith.constant 0 : i32
      %dma_start3A_33 = tpu.memref_slice %arg3[%arg0, %mul3A_32, %dma_start3A] : memref<2x10112x128xf32, #tpu.memory_space<hbm>> -> memref<1x632x128xf32, #tpu.memory_space<hbm>>
      %dma_start3A_34 = tpu.memref_squeeze %dma_start3A_33 : memref<1x632x128xf32, #tpu.memory_space<hbm>> -> memref<632x128xf32, #tpu.memory_space<hbm>>
      %dma_start3A_35 = arith.constant 0 : i32
      %dma_start3A_36 = tpu.memref_slice %arg6[%mul3A_32, %dma_start3A_35] : memref<10112x128xf32, #tpu.memory_space<vmem_shared>> -> memref<632x128xf32, #tpu.memory_space<vmem_shared>>
      tpu.enqueue_dma source(%dma_start3A_36 : memref<632x128xf32, #tpu.memory_space<vmem_shared>>) target(%dma_start3A_34 : memref<632x128xf32, #tpu.memory_space<hbm>>) target_semaphore(%run_scoped3A : memref<!tpu.dma_semaphore, #tpu.memory_space<semaphore_mem>>)
      %dma_wait3A = arith.constant 0 : i32
      %dma_wait3A_37 = tpu.memref_slice %arg3[%arg0, %mul3A_32, %dma_wait3A] : memref<2x10112x128xf32, #tpu.memory_space<hbm>> -> memref<1x632x128xf32, #tpu.memory_space<hbm>>
      %dma_wait3A_38 = tpu.memref_squeeze %dma_wait3A_37 : memref<1x632x128xf32, #tpu.memory_space<hbm>> -> memref<632x128xf32, #tpu.memory_space<hbm>>
      %dma_wait3A_39 = arith.constant 0 : i32
      %dma_wait3A_40 = tpu.memref_slice %arg6[%mul3A_32, %dma_wait3A_39] : memref<10112x128xf32, #tpu.memory_space<vmem_shared>> -> memref<632x128xf32, #tpu.memory_space<vmem_shared>>
      tpu.wait_dma2 semaphore(%run_scoped3A : memref<!tpu.dma_semaphore, #tpu.memory_space<semaphore_mem>>) src(%dma_wait3A_40 : memref<632x128xf32, #tpu.memory_space<vmem_shared>>) dst(%dma_wait3A_38 : memref<632x128xf32, #tpu.memory_space<hbm>>)
      tpu.yield
    }) : () -> ()
    return
  }
}

#map = affine_map<(d0, d1) -> (0, 0)>
#map1 = affine_map<(d0, d1) -> (0, 0, 0, 0)>
#map2 = affine_map<(d0, d1) -> (0, 0, 0)>
module attributes {stable_mosaic.version = 14 : i64} {
  func.func @_agg_body(%arg0: i32, %arg1: i32, %arg2: memref<10000x128xf32, #tpu.memory_space<hbm>>, %arg3: memref<32x79x2x128xi32, #tpu.memory_space<hbm>>, %arg4: memref<2x10112x128xf32, #tpu.memory_space<hbm>>, %arg5: memref<3x2x128xi32, #tpu.memory_space<vmem>>, %arg6: memref<384x128xf32, #tpu.memory_space<vmem>>, %arg7: memref<10112x128xf32, #tpu.memory_space<vmem_shared>>, %arg8: memref<3x!tpu.dma_semaphore, #tpu.memory_space<semaphore_mem>>, %arg9: memref<3x!tpu.dma_semaphore, #tpu.memory_space<semaphore_mem>>) attributes {dimension_semantics = [#tpu.dimension_semantics<core_parallel>, #tpu.dimension_semantics<subcore_parallel>], iteration_bounds = array<i64: 2, 16>, scalar_prefetch = 0 : i64, scratch_operands = 5 : i64, tpu.core_type = #tpu.core_type<sc_vector_subcore>, window_params = [{transform_indices = #map}, {transform_indices = #map1}, {transform_indices = #map2}]} {
    %mul3A = arith.constant 2 : i32
    %mul3A_0 = arith.muli %arg1, %mul3A : i32
    %add3A = arith.addi %mul3A_0, %arg0 : i32
    %broadcast_in_dim3A = arith.constant 0.000000e+00 : f32
    %broadcast_in_dim3A_1 = vector.broadcast %broadcast_in_dim3A : f32 to vector<16xf32>
    %scan3A = arith.constant 0 : i32
    %scan3A_2 = arith.constant 128 : i32
    %scan3A_3 = arith.addi %scan3A, %scan3A_2 : i32
    %scan3A_4 = arith.constant 1 : i32
    scf.for %scan3A_58 = %scan3A to %scan3A_3 step %scan3A_4  : i32 {
      %mul3A_59 = arith.constant 1 : i32
      %mul3A_60 = arith.muli %scan3A_58, %mul3A_59 : i32
      %add3A_61 = arith.constant 0 : i32
      %add3A_62 = arith.addi %add3A_61, %mul3A_60 : i32
      %swap3A = arith.index_cast %add3A_62 : i32 to index
      %swap3A_63 = arith.constant 0 : index
      %swap3A_64 = tpu.vector_load %arg6[%swap3A, %swap3A_63] {strides = array<i32>} : memref<384x128xf32, #tpu.memory_space<vmem>>, vector<1x16xf32>,
      %swap3A_65 = vector.shape_cast %swap3A_64 : vector<1x16xf32> to vector<16xf32>
      %swap3A_66 = vector.shape_cast %broadcast_in_dim3A_1 : vector<16xf32> to vector<1x16xf32>
      tpu.vector_store %arg6[%swap3A, %swap3A_63], %swap3A_66 {strides = array<i32>} : memref<384x128xf32, #tpu.memory_space<vmem>>, vector<1x16xf32>,
      %swap3A_67 = arith.index_cast %add3A_62 : i32 to index
      %swap3A_68 = arith.constant 16 : index
      %swap3A_69 = tpu.vector_load %arg6[%swap3A_67, %swap3A_68] {strides = array<i32>} : memref<384x128xf32, #tpu.memory_space<vmem>>, vector<1x16xf32>,
      %swap3A_70 = vector.shape_cast %swap3A_69 : vector<1x16xf32> to vector<16xf32>
      %swap3A_71 = vector.shape_cast %broadcast_in_dim3A_1 : vector<16xf32> to vector<1x16xf32>
      tpu.vector_store %arg6[%swap3A_67, %swap3A_68], %swap3A_71 {strides = array<i32>} : memref<384x128xf32, #tpu.memory_space<vmem>>, vector<1x16xf32>,
      %swap3A_72 = arith.index_cast %add3A_62 : i32 to index
      %swap3A_73 = arith.constant 32 : index
      %swap3A_74 = tpu.vector_load %arg6[%swap3A_72, %swap3A_73] {strides = array<i32>} : memref<384x128xf32, #tpu.memory_space<vmem>>, vector<1x16xf32>,
      %swap3A_75 = vector.shape_cast %swap3A_74 : vector<1x16xf32> to vector<16xf32>
      %swap3A_76 = vector.shape_cast %broadcast_in_dim3A_1 : vector<16xf32> to vector<1x16xf32>
      tpu.vector_store %arg6[%swap3A_72, %swap3A_73], %swap3A_76 {strides = array<i32>} : memref<384x128xf32, #tpu.memory_space<vmem>>, vector<1x16xf32>,
      %swap3A_77 = arith.index_cast %add3A_62 : i32 to index
      %swap3A_78 = arith.constant 48 : index
      %swap3A_79 = tpu.vector_load %arg6[%swap3A_77, %swap3A_78] {strides = array<i32>} : memref<384x128xf32, #tpu.memory_space<vmem>>, vector<1x16xf32>,
      %swap3A_80 = vector.shape_cast %swap3A_79 : vector<1x16xf32> to vector<16xf32>
      %swap3A_81 = vector.shape_cast %broadcast_in_dim3A_1 : vector<16xf32> to vector<1x16xf32>
      tpu.vector_store %arg6[%swap3A_77, %swap3A_78], %swap3A_81 {strides = array<i32>} : memref<384x128xf32, #tpu.memory_space<vmem>>, vector<1x16xf32>,
      %swap3A_82 = arith.index_cast %add3A_62 : i32 to index
      %swap3A_83 = arith.constant 64 : index
      %swap3A_84 = tpu.vector_load %arg6[%swap3A_82, %swap3A_83] {strides = array<i32>} : memref<384x128xf32, #tpu.memory_space<vmem>>, vector<1x16xf32>,
      %swap3A_85 = vector.shape_cast %swap3A_84 : vector<1x16xf32> to vector<16xf32>
      %swap3A_86 = vector.shape_cast %broadcast_in_dim3A_1 : vector<16xf32> to vector<1x16xf32>
      tpu.vector_store %arg6[%swap3A_82, %swap3A_83], %swap3A_86 {strides = array<i32>} : memref<384x128xf32, #tpu.memory_space<vmem>>, vector<1x16xf32>,
      %swap3A_87 = arith.index_cast %add3A_62 : i32 to index
      %swap3A_88 = arith.constant 80 : index
      %swap3A_89 = tpu.vector_load %arg6[%swap3A_87, %swap3A_88] {strides = array<i32>} : memref<384x128xf32, #tpu.memory_space<vmem>>, vector<1x16xf32>,
      %swap3A_90 = vector.shape_cast %swap3A_89 : vector<1x16xf32> to vector<16xf32>
      %swap3A_91 = vector.shape_cast %broadcast_in_dim3A_1 : vector<16xf32> to vector<1x16xf32>
      tpu.vector_store %arg6[%swap3A_87, %swap3A_88], %swap3A_91 {strides = array<i32>} : memref<384x128xf32, #tpu.memory_space<vmem>>, vector<1x16xf32>,
      %swap3A_92 = arith.index_cast %add3A_62 : i32 to index
      %swap3A_93 = arith.constant 96 : index
      %swap3A_94 = tpu.vector_load %arg6[%swap3A_92, %swap3A_93] {strides = array<i32>} : memref<384x128xf32, #tpu.memory_space<vmem>>, vector<1x16xf32>,
      %swap3A_95 = vector.shape_cast %swap3A_94 : vector<1x16xf32> to vector<16xf32>
      %swap3A_96 = vector.shape_cast %broadcast_in_dim3A_1 : vector<16xf32> to vector<1x16xf32>
      tpu.vector_store %arg6[%swap3A_92, %swap3A_93], %swap3A_96 {strides = array<i32>} : memref<384x128xf32, #tpu.memory_space<vmem>>, vector<1x16xf32>,
      %swap3A_97 = arith.index_cast %add3A_62 : i32 to index
      %swap3A_98 = arith.constant 112 : index
      %swap3A_99 = tpu.vector_load %arg6[%swap3A_97, %swap3A_98] {strides = array<i32>} : memref<384x128xf32, #tpu.memory_space<vmem>>, vector<1x16xf32>,
      %swap3A_100 = vector.shape_cast %swap3A_99 : vector<1x16xf32> to vector<16xf32>
      %swap3A_101 = vector.shape_cast %broadcast_in_dim3A_1 : vector<16xf32> to vector<1x16xf32>
      tpu.vector_store %arg6[%swap3A_97, %swap3A_98], %swap3A_101 {strides = array<i32>} : memref<384x128xf32, #tpu.memory_space<vmem>>, vector<1x16xf32>,
    }
    %scan3A_5 = arith.constant 128 : i32
    %mul3A_6 = arith.constant 632 : i32
    %mul3A_7 = arith.muli %arg1, %mul3A_6 : i32
    %add3A_8 = arith.constant 0 : i32
    %add3A_9 = arith.addi %mul3A_7, %add3A_8 : i32
    "tpu.region"() ({
      %run_scoped3A_58 = tpu.sem_alloc : memref<!tpu.dma_semaphore, #tpu.memory_space<semaphore_mem>>
      %dma_start3A_59 = arith.constant 0 : i32
      %dma_start3A_60 = arith.constant 0 : i32
      %dma_start3A_61 = tpu.memref_slice %arg6[%dma_start3A_59, %dma_start3A_60] : memref<384x128xf32, #tpu.memory_space<vmem>> -> memref<128x128xf32, #tpu.memory_space<vmem>>
      %dma_start3A_62 = arith.constant 0 : i32
      %dma_start3A_63 = tpu.memref_slice %arg7[%add3A_9, %dma_start3A_62] : memref<10112x128xf32, #tpu.memory_space<vmem_shared>> -> memref<128x128xf32, #tpu.memory_space<vmem_shared>>
      %dma_start3A_64 = arith.constant 0 : i32
      %dma_start3A_65 = tpu.memref_slice %arg7[%add3A_9, %dma_start3A_64] : memref<10112x128xf32, #tpu.memory_space<vmem_shared>> -> memref<128x128xf32, #tpu.memory_space<vmem_shared>>
      %dma_start3A_66 = arith.constant 0 : i32
      %dma_start3A_67 = arith.constant 0 : i32
      %dma_start3A_68 = tpu.memref_slice %arg6[%dma_start3A_66, %dma_start3A_67] : memref<384x128xf32, #tpu.memory_space<vmem>> -> memref<128x128xf32, #tpu.memory_space<vmem>>
      tpu.enqueue_dma source(%dma_start3A_68 : memref<128x128xf32, #tpu.memory_space<vmem>>) target(%dma_start3A_65 : memref<128x128xf32, #tpu.memory_space<vmem_shared>>) target_semaphore(%run_scoped3A_58 : memref<!tpu.dma_semaphore, #tpu.memory_space<semaphore_mem>>)
      %dma_wait3A = arith.constant 0 : i32
      %dma_wait3A_69 = arith.constant 0 : i32
      %dma_wait3A_70 = tpu.memref_slice %arg6[%dma_wait3A, %dma_wait3A_69] : memref<384x128xf32, #tpu.memory_space<vmem>> -> memref<128x128xf32, #tpu.memory_space<vmem>>
      %dma_wait3A_71 = arith.constant 0 : i32
      %dma_wait3A_72 = tpu.memref_slice %arg7[%add3A_9, %dma_wait3A_71] : memref<10112x128xf32, #tpu.memory_space<vmem_shared>> -> memref<128x128xf32, #tpu.memory_space<vmem_shared>>
      %dma_wait3A_73 = arith.constant 0 : i32
      %dma_wait3A_74 = tpu.memref_slice %arg7[%add3A_9, %dma_wait3A_73] : memref<10112x128xf32, #tpu.memory_space<vmem_shared>> -> memref<128x128xf32, #tpu.memory_space<vmem_shared>>
      %dma_wait3A_75 = arith.constant 0 : i32
      %dma_wait3A_76 = arith.constant 0 : i32
      %dma_wait3A_77 = tpu.memref_slice %arg6[%dma_wait3A_75, %dma_wait3A_76] : memref<384x128xf32, #tpu.memory_space<vmem>> -> memref<128x128xf32, #tpu.memory_space<vmem>>
      tpu.wait_dma2 semaphore(%run_scoped3A_58 : memref<!tpu.dma_semaphore, #tpu.memory_space<semaphore_mem>>) src(%dma_wait3A_77 : memref<128x128xf32, #tpu.memory_space<vmem>>) dst(%dma_wait3A_74 : memref<128x128xf32, #tpu.memory_space<vmem_shared>>)
      tpu.yield
    }) : () -> ()
    %add3A_10 = arith.constant 128 : i32
    %add3A_11 = arith.addi %mul3A_7, %add3A_10 : i32
    "tpu.region"() ({
      %run_scoped3A_58 = tpu.sem_alloc : memref<!tpu.dma_semaphore, #tpu.memory_space<semaphore_mem>>
      %dma_start3A_59 = arith.constant 0 : i32
      %dma_start3A_60 = arith.constant 0 : i32
      %dma_start3A_61 = tpu.memref_slice %arg6[%dma_start3A_59, %dma_start3A_60] : memref<384x128xf32, #tpu.memory_space<vmem>> -> memref<128x128xf32, #tpu.memory_space<vmem>>
      %dma_start3A_62 = arith.constant 0 : i32
      %dma_start3A_63 = tpu.memref_slice %arg7[%add3A_11, %dma_start3A_62] : memref<10112x128xf32, #tpu.memory_space<vmem_shared>> -> memref<128x128xf32, #tpu.memory_space<vmem_shared>>
      %dma_start3A_64 = arith.constant 0 : i32
      %dma_start3A_65 = tpu.memref_slice %arg7[%add3A_11, %dma_start3A_64] : memref<10112x128xf32, #tpu.memory_space<vmem_shared>> -> memref<128x128xf32, #tpu.memory_space<vmem_shared>>
      %dma_start3A_66 = arith.constant 0 : i32
      %dma_start3A_67 = arith.constant 0 : i32
      %dma_start3A_68 = tpu.memref_slice %arg6[%dma_start3A_66, %dma_start3A_67] : memref<384x128xf32, #tpu.memory_space<vmem>> -> memref<128x128xf32, #tpu.memory_space<vmem>>
      tpu.enqueue_dma source(%dma_start3A_68 : memref<128x128xf32, #tpu.memory_space<vmem>>) target(%dma_start3A_65 : memref<128x128xf32, #tpu.memory_space<vmem_shared>>) target_semaphore(%run_scoped3A_58 : memref<!tpu.dma_semaphore, #tpu.memory_space<semaphore_mem>>)
      %dma_wait3A = arith.constant 0 : i32
      %dma_wait3A_69 = arith.constant 0 : i32
      %dma_wait3A_70 = tpu.memref_slice %arg6[%dma_wait3A, %dma_wait3A_69] : memref<384x128xf32, #tpu.memory_space<vmem>> -> memref<128x128xf32, #tpu.memory_space<vmem>>
      %dma_wait3A_71 = arith.constant 0 : i32
      %dma_wait3A_72 = tpu.memref_slice %arg7[%add3A_11, %dma_wait3A_71] : memref<10112x128xf32, #tpu.memory_space<vmem_shared>> -> memref<128x128xf32, #tpu.memory_space<vmem_shared>>
      %dma_wait3A_73 = arith.constant 0 : i32
      %dma_wait3A_74 = tpu.memref_slice %arg7[%add3A_11, %dma_wait3A_73] : memref<10112x128xf32, #tpu.memory_space<vmem_shared>> -> memref<128x128xf32, #tpu.memory_space<vmem_shared>>
      %dma_wait3A_75 = arith.constant 0 : i32
      %dma_wait3A_76 = arith.constant 0 : i32
      %dma_wait3A_77 = tpu.memref_slice %arg6[%dma_wait3A_75, %dma_wait3A_76] : memref<384x128xf32, #tpu.memory_space<vmem>> -> memref<128x128xf32, #tpu.memory_space<vmem>>
      tpu.wait_dma2 semaphore(%run_scoped3A_58 : memref<!tpu.dma_semaphore, #tpu.memory_space<semaphore_mem>>) src(%dma_wait3A_77 : memref<128x128xf32, #tpu.memory_space<vmem>>) dst(%dma_wait3A_74 : memref<128x128xf32, #tpu.memory_space<vmem_shared>>)
      tpu.yield
    }) : () -> ()
    %add3A_12 = arith.constant 256 : i32
    %add3A_13 = arith.addi %mul3A_7, %add3A_12 : i32
    "tpu.region"() ({
      %run_scoped3A_58 = tpu.sem_alloc : memref<!tpu.dma_semaphore, #tpu.memory_space<semaphore_mem>>
      %dma_start3A_59 = arith.constant 0 : i32
      %dma_start3A_60 = arith.constant 0 : i32
      %dma_start3A_61 = tpu.memref_slice %arg6[%dma_start3A_59, %dma_start3A_60] : memref<384x128xf32, #tpu.memory_space<vmem>> -> memref<128x128xf32, #tpu.memory_space<vmem>>
      %dma_start3A_62 = arith.constant 0 : i32
      %dma_start3A_63 = tpu.memref_slice %arg7[%add3A_13, %dma_start3A_62] : memref<10112x128xf32, #tpu.memory_space<vmem_shared>> -> memref<128x128xf32, #tpu.memory_space<vmem_shared>>
      %dma_start3A_64 = arith.constant 0 : i32
      %dma_start3A_65 = tpu.memref_slice %arg7[%add3A_13, %dma_start3A_64] : memref<10112x128xf32, #tpu.memory_space<vmem_shared>> -> memref<128x128xf32, #tpu.memory_space<vmem_shared>>
      %dma_start3A_66 = arith.constant 0 : i32
      %dma_start3A_67 = arith.constant 0 : i32
      %dma_start3A_68 = tpu.memref_slice %arg6[%dma_start3A_66, %dma_start3A_67] : memref<384x128xf32, #tpu.memory_space<vmem>> -> memref<128x128xf32, #tpu.memory_space<vmem>>
      tpu.enqueue_dma source(%dma_start3A_68 : memref<128x128xf32, #tpu.memory_space<vmem>>) target(%dma_start3A_65 : memref<128x128xf32, #tpu.memory_space<vmem_shared>>) target_semaphore(%run_scoped3A_58 : memref<!tpu.dma_semaphore, #tpu.memory_space<semaphore_mem>>)
      %dma_wait3A = arith.constant 0 : i32
      %dma_wait3A_69 = arith.constant 0 : i32
      %dma_wait3A_70 = tpu.memref_slice %arg6[%dma_wait3A, %dma_wait3A_69] : memref<384x128xf32, #tpu.memory_space<vmem>> -> memref<128x128xf32, #tpu.memory_space<vmem>>
      %dma_wait3A_71 = arith.constant 0 : i32
      %dma_wait3A_72 = tpu.memref_slice %arg7[%add3A_13, %dma_wait3A_71] : memref<10112x128xf32, #tpu.memory_space<vmem_shared>> -> memref<128x128xf32, #tpu.memory_space<vmem_shared>>
      %dma_wait3A_73 = arith.constant 0 : i32
      %dma_wait3A_74 = tpu.memref_slice %arg7[%add3A_13, %dma_wait3A_73] : memref<10112x128xf32, #tpu.memory_space<vmem_shared>> -> memref<128x128xf32, #tpu.memory_space<vmem_shared>>
      %dma_wait3A_75 = arith.constant 0 : i32
      %dma_wait3A_76 = arith.constant 0 : i32
      %dma_wait3A_77 = tpu.memref_slice %arg6[%dma_wait3A_75, %dma_wait3A_76] : memref<384x128xf32, #tpu.memory_space<vmem>> -> memref<128x128xf32, #tpu.memory_space<vmem>>
      tpu.wait_dma2 semaphore(%run_scoped3A_58 : memref<!tpu.dma_semaphore, #tpu.memory_space<semaphore_mem>>) src(%dma_wait3A_77 : memref<128x128xf32, #tpu.memory_space<vmem>>) dst(%dma_wait3A_74 : memref<128x128xf32, #tpu.memory_space<vmem_shared>>)
      tpu.yield
    }) : () -> ()
    %add3A_14 = arith.constant 384 : i32
    %add3A_15 = arith.addi %mul3A_7, %add3A_14 : i32
    "tpu.region"() ({
      %run_scoped3A_58 = tpu.sem_alloc : memref<!tpu.dma_semaphore, #tpu.memory_space<semaphore_mem>>
      %dma_start3A_59 = arith.constant 0 : i32
      %dma_start3A_60 = arith.constant 0 : i32
      %dma_start3A_61 = tpu.memref_slice %arg6[%dma_start3A_59, %dma_start3A_60] : memref<384x128xf32, #tpu.memory_space<vmem>> -> memref<128x128xf32, #tpu.memory_space<vmem>>
      %dma_start3A_62 = arith.constant 0 : i32
      %dma_start3A_63 = tpu.memref_slice %arg7[%add3A_15, %dma_start3A_62] : memref<10112x128xf32, #tpu.memory_space<vmem_shared>> -> memref<128x128xf32, #tpu.memory_space<vmem_shared>>
      %dma_start3A_64 = arith.constant 0 : i32
      %dma_start3A_65 = tpu.memref_slice %arg7[%add3A_15, %dma_start3A_64] : memref<10112x128xf32, #tpu.memory_space<vmem_shared>> -> memref<128x128xf32, #tpu.memory_space<vmem_shared>>
      %dma_start3A_66 = arith.constant 0 : i32
      %dma_start3A_67 = arith.constant 0 : i32
      %dma_start3A_68 = tpu.memref_slice %arg6[%dma_start3A_66, %dma_start3A_67] : memref<384x128xf32, #tpu.memory_space<vmem>> -> memref<128x128xf32, #tpu.memory_space<vmem>>
      tpu.enqueue_dma source(%dma_start3A_68 : memref<128x128xf32, #tpu.memory_space<vmem>>) target(%dma_start3A_65 : memref<128x128xf32, #tpu.memory_space<vmem_shared>>) target_semaphore(%run_scoped3A_58 : memref<!tpu.dma_semaphore, #tpu.memory_space<semaphore_mem>>)
      %dma_wait3A = arith.constant 0 : i32
      %dma_wait3A_69 = arith.constant 0 : i32
      %dma_wait3A_70 = tpu.memref_slice %arg6[%dma_wait3A, %dma_wait3A_69] : memref<384x128xf32, #tpu.memory_space<vmem>> -> memref<128x128xf32, #tpu.memory_space<vmem>>
      %dma_wait3A_71 = arith.constant 0 : i32
      %dma_wait3A_72 = tpu.memref_slice %arg7[%add3A_15, %dma_wait3A_71] : memref<10112x128xf32, #tpu.memory_space<vmem_shared>> -> memref<128x128xf32, #tpu.memory_space<vmem_shared>>
      %dma_wait3A_73 = arith.constant 0 : i32
      %dma_wait3A_74 = tpu.memref_slice %arg7[%add3A_15, %dma_wait3A_73] : memref<10112x128xf32, #tpu.memory_space<vmem_shared>> -> memref<128x128xf32, #tpu.memory_space<vmem_shared>>
      %dma_wait3A_75 = arith.constant 0 : i32
      %dma_wait3A_76 = arith.constant 0 : i32
      %dma_wait3A_77 = tpu.memref_slice %arg6[%dma_wait3A_75, %dma_wait3A_76] : memref<384x128xf32, #tpu.memory_space<vmem>> -> memref<128x128xf32, #tpu.memory_space<vmem>>
      tpu.wait_dma2 semaphore(%run_scoped3A_58 : memref<!tpu.dma_semaphore, #tpu.memory_space<semaphore_mem>>) src(%dma_wait3A_77 : memref<128x128xf32, #tpu.memory_space<vmem>>) dst(%dma_wait3A_74 : memref<128x128xf32, #tpu.memory_space<vmem_shared>>)
      tpu.yield
    }) : () -> ()
    %add3A_16 = arith.constant 512 : i32
    %add3A_17 = arith.addi %mul3A_7, %add3A_16 : i32
    "tpu.region"() ({
      %run_scoped3A_58 = tpu.sem_alloc : memref<!tpu.dma_semaphore, #tpu.memory_space<semaphore_mem>>
      %dma_start3A_59 = arith.constant 0 : i32
      %dma_start3A_60 = arith.constant 0 : i32
      %dma_start3A_61 = tpu.memref_slice %arg6[%dma_start3A_59, %dma_start3A_60] : memref<384x128xf32, #tpu.memory_space<vmem>> -> memref<120x128xf32, #tpu.memory_space<vmem>>
      %dma_start3A_62 = arith.constant 0 : i32
      %dma_start3A_63 = tpu.memref_slice %arg7[%add3A_17, %dma_start3A_62] : memref<10112x128xf32, #tpu.memory_space<vmem_shared>> -> memref<120x128xf32, #tpu.memory_space<vmem_shared>>
      %dma_start3A_64 = arith.constant 0 : i32
      %dma_start3A_65 = tpu.memref_slice %arg7[%add3A_17, %dma_start3A_64] : memref<10112x128xf32, #tpu.memory_space<vmem_shared>> -> memref<120x128xf32, #tpu.memory_space<vmem_shared>>
      %dma_start3A_66 = arith.constant 0 : i32
      %dma_start3A_67 = arith.constant 0 : i32
      %dma_start3A_68 = tpu.memref_slice %arg6[%dma_start3A_66, %dma_start3A_67] : memref<384x128xf32, #tpu.memory_space<vmem>> -> memref<120x128xf32, #tpu.memory_space<vmem>>
      tpu.enqueue_dma source(%dma_start3A_68 : memref<120x128xf32, #tpu.memory_space<vmem>>) target(%dma_start3A_65 : memref<120x128xf32, #tpu.memory_space<vmem_shared>>) target_semaphore(%run_scoped3A_58 : memref<!tpu.dma_semaphore, #tpu.memory_space<semaphore_mem>>)
      %dma_wait3A = arith.constant 0 : i32
      %dma_wait3A_69 = arith.constant 0 : i32
      %dma_wait3A_70 = tpu.memref_slice %arg6[%dma_wait3A, %dma_wait3A_69] : memref<384x128xf32, #tpu.memory_space<vmem>> -> memref<120x128xf32, #tpu.memory_space<vmem>>
      %dma_wait3A_71 = arith.constant 0 : i32
      %dma_wait3A_72 = tpu.memref_slice %arg7[%add3A_17, %dma_wait3A_71] : memref<10112x128xf32, #tpu.memory_space<vmem_shared>> -> memref<120x128xf32, #tpu.memory_space<vmem_shared>>
      %dma_wait3A_73 = arith.constant 0 : i32
      %dma_wait3A_74 = tpu.memref_slice %arg7[%add3A_17, %dma_wait3A_73] : memref<10112x128xf32, #tpu.memory_space<vmem_shared>> -> memref<120x128xf32, #tpu.memory_space<vmem_shared>>
      %dma_wait3A_75 = arith.constant 0 : i32
      %dma_wait3A_76 = arith.constant 0 : i32
      %dma_wait3A_77 = tpu.memref_slice %arg6[%dma_wait3A_75, %dma_wait3A_76] : memref<384x128xf32, #tpu.memory_space<vmem>> -> memref<120x128xf32, #tpu.memory_space<vmem>>
      tpu.wait_dma2 semaphore(%run_scoped3A_58 : memref<!tpu.dma_semaphore, #tpu.memory_space<semaphore_mem>>) src(%dma_wait3A_77 : memref<120x128xf32, #tpu.memory_space<vmem>>) dst(%dma_wait3A_74 : memref<120x128xf32, #tpu.memory_space<vmem_shared>>)
      tpu.yield
    }) : () -> ()
    %barrier3A = arith.constant 0 : index
    tpu.barrier barrier_id(%barrier3A)
    %run_scoped3A = arith.constant 0 : i32
    %run_scoped3A_18 = arith.constant 0 : i32
    "tpu.region"() ({
      %run_scoped3A_58 = tpu.sem_alloc : memref<!tpu.dma_semaphore, #tpu.memory_space<semaphore_mem>>
      %dma_start3A_59 = arith.constant 0 : i32
      %dma_start3A_60 = arith.constant 0 : i32
      %dma_start3A_61 = tpu.memref_slice %arg5[%run_scoped3A_18, %dma_start3A_59, %dma_start3A_60] : memref<3x2x128xi32, #tpu.memory_space<vmem>> -> memref<1x2x128xi32, #tpu.memory_space<vmem>>
      %dma_start3A_62 = tpu.memref_squeeze %dma_start3A_61 : memref<1x2x128xi32, #tpu.memory_space<vmem>> -> memref<2x128xi32, #tpu.memory_space<vmem>>
      %dma_start3A_63 = arith.constant 0 : i32
      %dma_start3A_64 = arith.constant 0 : i32
      %dma_start3A_65 = tpu.memref_slice %arg3[%add3A, %run_scoped3A, %dma_start3A_63, %dma_start3A_64] : memref<32x79x2x128xi32, #tpu.memory_space<hbm>> -> memref<1x1x2x128xi32, #tpu.memory_space<hbm>>
      %dma_start3A_66 = tpu.memref_squeeze %dma_start3A_65 : memref<1x1x2x128xi32, #tpu.memory_space<hbm>> -> memref<2x128xi32, #tpu.memory_space<hbm>>
      %dma_start3A_67 = arith.constant 0 : i32
      %dma_start3A_68 = arith.constant 0 : i32
      %dma_start3A_69 = tpu.memref_slice %arg5[%run_scoped3A_18, %dma_start3A_67, %dma_start3A_68] : memref<3x2x128xi32, #tpu.memory_space<vmem>> -> memref<1x2x128xi32, #tpu.memory_space<vmem>>
      %dma_start3A_70 = tpu.memref_squeeze %dma_start3A_69 : memref<1x2x128xi32, #tpu.memory_space<vmem>> -> memref<2x128xi32, #tpu.memory_space<vmem>>
      %dma_start3A_71 = arith.constant 0 : i32
      %dma_start3A_72 = arith.constant 0 : i32
      %dma_start3A_73 = tpu.memref_slice %arg3[%add3A, %run_scoped3A, %dma_start3A_71, %dma_start3A_72] : memref<32x79x2x128xi32, #tpu.memory_space<hbm>> -> memref<1x1x2x128xi32, #tpu.memory_space<hbm>>
      %dma_start3A_74 = tpu.memref_squeeze %dma_start3A_73 : memref<1x1x2x128xi32, #tpu.memory_space<hbm>> -> memref<2x128xi32, #tpu.memory_space<hbm>>
      tpu.enqueue_dma source(%dma_start3A_74 : memref<2x128xi32, #tpu.memory_space<hbm>>) target(%dma_start3A_70 : memref<2x128xi32, #tpu.memory_space<vmem>>) target_semaphore(%run_scoped3A_58 : memref<!tpu.dma_semaphore, #tpu.memory_space<semaphore_mem>>)
      %dma_wait3A = arith.constant 0 : i32
      %dma_wait3A_75 = arith.constant 0 : i32
      %dma_wait3A_76 = tpu.memref_slice %arg5[%run_scoped3A_18, %dma_wait3A, %dma_wait3A_75] : memref<3x2x128xi32, #tpu.memory_space<vmem>> -> memref<1x2x128xi32, #tpu.memory_space<vmem>>
      %dma_wait3A_77 = tpu.memref_squeeze %dma_wait3A_76 : memref<1x2x128xi32, #tpu.memory_space<vmem>> -> memref<2x128xi32, #tpu.memory_space<vmem>>
      %dma_wait3A_78 = arith.constant 0 : i32
      %dma_wait3A_79 = arith.constant 0 : i32
      %dma_wait3A_80 = tpu.memref_slice %arg3[%add3A, %run_scoped3A, %dma_wait3A_78, %dma_wait3A_79] : memref<32x79x2x128xi32, #tpu.memory_space<hbm>> -> memref<1x1x2x128xi32, #tpu.memory_space<hbm>>
      %dma_wait3A_81 = tpu.memref_squeeze %dma_wait3A_80 : memref<1x1x2x128xi32, #tpu.memory_space<hbm>> -> memref<2x128xi32, #tpu.memory_space<hbm>>
      %dma_wait3A_82 = arith.constant 0 : i32
      %dma_wait3A_83 = arith.constant 0 : i32
      %dma_wait3A_84 = tpu.memref_slice %arg5[%run_scoped3A_18, %dma_wait3A_82, %dma_wait3A_83] : memref<3x2x128xi32, #tpu.memory_space<vmem>> -> memref<1x2x128xi32, #tpu.memory_space<vmem>>
      %dma_wait3A_85 = tpu.memref_squeeze %dma_wait3A_84 : memref<1x2x128xi32, #tpu.memory_space<vmem>> -> memref<2x128xi32, #tpu.memory_space<vmem>>
      %dma_wait3A_86 = arith.constant 0 : i32
      %dma_wait3A_87 = arith.constant 0 : i32
      %dma_wait3A_88 = tpu.memref_slice %arg3[%add3A, %run_scoped3A, %dma_wait3A_86, %dma_wait3A_87] : memref<32x79x2x128xi32, #tpu.memory_space<hbm>> -> memref<1x1x2x128xi32, #tpu.memory_space<hbm>>
      %dma_wait3A_89 = tpu.memref_squeeze %dma_wait3A_88 : memref<1x1x2x128xi32, #tpu.memory_space<hbm>> -> memref<2x128xi32, #tpu.memory_space<hbm>>
      tpu.wait_dma2 semaphore(%run_scoped3A_58 : memref<!tpu.dma_semaphore, #tpu.memory_space<semaphore_mem>>) src(%dma_wait3A_89 : memref<2x128xi32, #tpu.memory_space<hbm>>) dst(%dma_wait3A_85 : memref<2x128xi32, #tpu.memory_space<vmem>>)
      tpu.yield
    }) : () -> ()
    %run_scoped3A_19 = arith.constant 1 : i32
    %run_scoped3A_20 = arith.constant 1 : i32
    "tpu.region"() ({
      %run_scoped3A_58 = tpu.sem_alloc : memref<!tpu.dma_semaphore, #tpu.memory_space<semaphore_mem>>
      %dma_start3A_59 = arith.constant 0 : i32
      %dma_start3A_60 = arith.constant 0 : i32
      %dma_start3A_61 = tpu.memref_slice %arg5[%run_scoped3A_20, %dma_start3A_59, %dma_start3A_60] : memref<3x2x128xi32, #tpu.memory_space<vmem>> -> memref<1x2x128xi32, #tpu.memory_space<vmem>>
      %dma_start3A_62 = tpu.memref_squeeze %dma_start3A_61 : memref<1x2x128xi32, #tpu.memory_space<vmem>> -> memref<2x128xi32, #tpu.memory_space<vmem>>
      %dma_start3A_63 = arith.constant 0 : i32
      %dma_start3A_64 = arith.constant 0 : i32
      %dma_start3A_65 = tpu.memref_slice %arg3[%add3A, %run_scoped3A_19, %dma_start3A_63, %dma_start3A_64] : memref<32x79x2x128xi32, #tpu.memory_space<hbm>> -> memref<1x1x2x128xi32, #tpu.memory_space<hbm>>
      %dma_start3A_66 = tpu.memref_squeeze %dma_start3A_65 : memref<1x1x2x128xi32, #tpu.memory_space<hbm>> -> memref<2x128xi32, #tpu.memory_space<hbm>>
      %dma_start3A_67 = arith.constant 0 : i32
      %dma_start3A_68 = arith.constant 0 : i32
      %dma_start3A_69 = tpu.memref_slice %arg5[%run_scoped3A_20, %dma_start3A_67, %dma_start3A_68] : memref<3x2x128xi32, #tpu.memory_space<vmem>> -> memref<1x2x128xi32, #tpu.memory_space<vmem>>
      %dma_start3A_70 = tpu.memref_squeeze %dma_start3A_69 : memref<1x2x128xi32, #tpu.memory_space<vmem>> -> memref<2x128xi32, #tpu.memory_space<vmem>>
      %dma_start3A_71 = arith.constant 0 : i32
      %dma_start3A_72 = arith.constant 0 : i32
      %dma_start3A_73 = tpu.memref_slice %arg3[%add3A, %run_scoped3A_19, %dma_start3A_71, %dma_start3A_72] : memref<32x79x2x128xi32, #tpu.memory_space<hbm>> -> memref<1x1x2x128xi32, #tpu.memory_space<hbm>>
      %dma_start3A_74 = tpu.memref_squeeze %dma_start3A_73 : memref<1x1x2x128xi32, #tpu.memory_space<hbm>> -> memref<2x128xi32, #tpu.memory_space<hbm>>
      tpu.enqueue_dma source(%dma_start3A_74 : memref<2x128xi32, #tpu.memory_space<hbm>>) target(%dma_start3A_70 : memref<2x128xi32, #tpu.memory_space<vmem>>) target_semaphore(%run_scoped3A_58 : memref<!tpu.dma_semaphore, #tpu.memory_space<semaphore_mem>>)
      %dma_wait3A = arith.constant 0 : i32
      %dma_wait3A_75 = arith.constant 0 : i32
      %dma_wait3A_76 = tpu.memref_slice %arg5[%run_scoped3A_20, %dma_wait3A, %dma_wait3A_75] : memref<3x2x128xi32, #tpu.memory_space<vmem>> -> memref<1x2x128xi32, #tpu.memory_space<vmem>>
      %dma_wait3A_77 = tpu.memref_squeeze %dma_wait3A_76 : memref<1x2x128xi32, #tpu.memory_space<vmem>> -> memref<2x128xi32, #tpu.memory_space<vmem>>
      %dma_wait3A_78 = arith.constant 0 : i32
      %dma_wait3A_79 = arith.constant 0 : i32
      %dma_wait3A_80 = tpu.memref_slice %arg3[%add3A, %run_scoped3A_19, %dma_wait3A_78, %dma_wait3A_79] : memref<32x79x2x128xi32, #tpu.memory_space<hbm>> -> memref<1x1x2x128xi32, #tpu.memory_space<hbm>>
      %dma_wait3A_81 = tpu.memref_squeeze %dma_wait3A_80 : memref<1x1x2x128xi32, #tpu.memory_space<hbm>> -> memref<2x128xi32, #tpu.memory_space<hbm>>
      %dma_wait3A_82 = arith.constant 0 : i32
      %dma_wait3A_83 = arith.constant 0 : i32
      %dma_wait3A_84 = tpu.memref_slice %arg5[%run_scoped3A_20, %dma_wait3A_82, %dma_wait3A_83] : memref<3x2x128xi32, #tpu.memory_space<vmem>> -> memref<1x2x128xi32, #tpu.memory_space<vmem>>
      %dma_wait3A_85 = tpu.memref_squeeze %dma_wait3A_84 : memref<1x2x128xi32, #tpu.memory_space<vmem>> -> memref<2x128xi32, #tpu.memory_space<vmem>>
      %dma_wait3A_86 = arith.constant 0 : i32
      %dma_wait3A_87 = arith.constant 0 : i32
      %dma_wait3A_88 = tpu.memref_slice %arg3[%add3A, %run_scoped3A_19, %dma_wait3A_86, %dma_wait3A_87] : memref<32x79x2x128xi32, #tpu.memory_space<hbm>> -> memref<1x1x2x128xi32, #tpu.memory_space<hbm>>
      %dma_wait3A_89 = tpu.memref_squeeze %dma_wait3A_88 : memref<1x1x2x128xi32, #tpu.memory_space<hbm>> -> memref<2x128xi32, #tpu.memory_space<hbm>>
      tpu.wait_dma2 semaphore(%run_scoped3A_58 : memref<!tpu.dma_semaphore, #tpu.memory_space<semaphore_mem>>) src(%dma_wait3A_89 : memref<2x128xi32, #tpu.memory_space<hbm>>) dst(%dma_wait3A_85 : memref<2x128xi32, #tpu.memory_space<vmem>>)
      tpu.yield
    }) : () -> ()
    %run_scoped3A_21 = arith.constant 2 : i32
    %run_scoped3A_22 = arith.constant 2 : i32
    "tpu.region"() ({
      %run_scoped3A_58 = tpu.sem_alloc : memref<!tpu.dma_semaphore, #tpu.memory_space<semaphore_mem>>
      %dma_start3A_59 = arith.constant 0 : i32
      %dma_start3A_60 = arith.constant 0 : i32
      %dma_start3A_61 = tpu.memref_slice %arg5[%run_scoped3A_22, %dma_start3A_59, %dma_start3A_60] : memref<3x2x128xi32, #tpu.memory_space<vmem>> -> memref<1x2x128xi32, #tpu.memory_space<vmem>>
      %dma_start3A_62 = tpu.memref_squeeze %dma_start3A_61 : memref<1x2x128xi32, #tpu.memory_space<vmem>> -> memref<2x128xi32, #tpu.memory_space<vmem>>
      %dma_start3A_63 = arith.constant 0 : i32
      %dma_start3A_64 = arith.constant 0 : i32
      %dma_start3A_65 = tpu.memref_slice %arg3[%add3A, %run_scoped3A_21, %dma_start3A_63, %dma_start3A_64] : memref<32x79x2x128xi32, #tpu.memory_space<hbm>> -> memref<1x1x2x128xi32, #tpu.memory_space<hbm>>
      %dma_start3A_66 = tpu.memref_squeeze %dma_start3A_65 : memref<1x1x2x128xi32, #tpu.memory_space<hbm>> -> memref<2x128xi32, #tpu.memory_space<hbm>>
      %dma_start3A_67 = arith.constant 0 : i32
      %dma_start3A_68 = arith.constant 0 : i32
      %dma_start3A_69 = tpu.memref_slice %arg5[%run_scoped3A_22, %dma_start3A_67, %dma_start3A_68] : memref<3x2x128xi32, #tpu.memory_space<vmem>> -> memref<1x2x128xi32, #tpu.memory_space<vmem>>
      %dma_start3A_70 = tpu.memref_squeeze %dma_start3A_69 : memref<1x2x128xi32, #tpu.memory_space<vmem>> -> memref<2x128xi32, #tpu.memory_space<vmem>>
      %dma_start3A_71 = arith.constant 0 : i32
      %dma_start3A_72 = arith.constant 0 : i32
      %dma_start3A_73 = tpu.memref_slice %arg3[%add3A, %run_scoped3A_21, %dma_start3A_71, %dma_start3A_72] : memref<32x79x2x128xi32, #tpu.memory_space<hbm>> -> memref<1x1x2x128xi32, #tpu.memory_space<hbm>>
      %dma_start3A_74 = tpu.memref_squeeze %dma_start3A_73 : memref<1x1x2x128xi32, #tpu.memory_space<hbm>> -> memref<2x128xi32, #tpu.memory_space<hbm>>
      tpu.enqueue_dma source(%dma_start3A_74 : memref<2x128xi32, #tpu.memory_space<hbm>>) target(%dma_start3A_70 : memref<2x128xi32, #tpu.memory_space<vmem>>) target_semaphore(%run_scoped3A_58 : memref<!tpu.dma_semaphore, #tpu.memory_space<semaphore_mem>>)
      %dma_wait3A = arith.constant 0 : i32
      %dma_wait3A_75 = arith.constant 0 : i32
      %dma_wait3A_76 = tpu.memref_slice %arg5[%run_scoped3A_22, %dma_wait3A, %dma_wait3A_75] : memref<3x2x128xi32, #tpu.memory_space<vmem>> -> memref<1x2x128xi32, #tpu.memory_space<vmem>>
      %dma_wait3A_77 = tpu.memref_squeeze %dma_wait3A_76 : memref<1x2x128xi32, #tpu.memory_space<vmem>> -> memref<2x128xi32, #tpu.memory_space<vmem>>
      %dma_wait3A_78 = arith.constant 0 : i32
      %dma_wait3A_79 = arith.constant 0 : i32
      %dma_wait3A_80 = tpu.memref_slice %arg3[%add3A, %run_scoped3A_21, %dma_wait3A_78, %dma_wait3A_79] : memref<32x79x2x128xi32, #tpu.memory_space<hbm>> -> memref<1x1x2x128xi32, #tpu.memory_space<hbm>>
      %dma_wait3A_81 = tpu.memref_squeeze %dma_wait3A_80 : memref<1x1x2x128xi32, #tpu.memory_space<hbm>> -> memref<2x128xi32, #tpu.memory_space<hbm>>
      %dma_wait3A_82 = arith.constant 0 : i32
      %dma_wait3A_83 = arith.constant 0 : i32
      %dma_wait3A_84 = tpu.memref_slice %arg5[%run_scoped3A_22, %dma_wait3A_82, %dma_wait3A_83] : memref<3x2x128xi32, #tpu.memory_space<vmem>> -> memref<1x2x128xi32, #tpu.memory_space<vmem>>
      %dma_wait3A_85 = tpu.memref_squeeze %dma_wait3A_84 : memref<1x2x128xi32, #tpu.memory_space<vmem>> -> memref<2x128xi32, #tpu.memory_space<vmem>>
      %dma_wait3A_86 = arith.constant 0 : i32
      %dma_wait3A_87 = arith.constant 0 : i32
      %dma_wait3A_88 = tpu.memref_slice %arg3[%add3A, %run_scoped3A_21, %dma_wait3A_86, %dma_wait3A_87] : memref<32x79x2x128xi32, #tpu.memory_space<hbm>> -> memref<1x1x2x128xi32, #tpu.memory_space<hbm>>
      %dma_wait3A_89 = tpu.memref_squeeze %dma_wait3A_88 : memref<1x1x2x128xi32, #tpu.memory_space<hbm>> -> memref<2x128xi32, #tpu.memory_space<hbm>>
      tpu.wait_dma2 semaphore(%run_scoped3A_58 : memref<!tpu.dma_semaphore, #tpu.memory_space<semaphore_mem>>) src(%dma_wait3A_89 : memref<2x128xi32, #tpu.memory_space<hbm>>) dst(%dma_wait3A_85 : memref<2x128xi32, #tpu.memory_space<vmem>>)
      tpu.yield
    }) : () -> ()
    %dma_start3A = arith.constant 0 : i32
    %dma_start3A_23 = arith.constant 0 : i32
    %dma_start3A_24 = arith.constant 0 : i32
    %dma_start3A_25 = arith.constant 0 : i32
    %dma_start3A_26 = arith.constant 0 : i32
    %dma_start3A_27 = tpu.memref_slice %arg6[%dma_start3A_25, %dma_start3A_26] : memref<384x128xf32, #tpu.memory_space<vmem>> -> memref<128x128xf32, #tpu.memory_space<vmem>>
    %dma_start3A_28 = arith.constant 0 : i32
    %dma_start3A_29 = tpu.memref_slice %arg5[%dma_start3A, %dma_start3A_23, %dma_start3A_28] : memref<3x2x128xi32, #tpu.memory_space<vmem>> -> memref<1x1x128xi32, #tpu.memory_space<vmem>>
    %dma_start3A_30 = tpu.memref_squeeze %dma_start3A_29 : memref<1x1x128xi32, #tpu.memory_space<vmem>> -> memref<128xi32, #tpu.memory_space<vmem>>
    %dma_start3A_31 = arith.constant 0 : i32
    %dma_start3A_32 = arith.constant 0 : i32
    %dma_start3A_33 = tpu.memref_slice %arg2[%dma_start3A_31, %dma_start3A_32] : memref<10000x128xf32, #tpu.memory_space<hbm>> -> memref<10000x128xf32, #tpu.memory_space<hbm>>
    %dma_start3A_34 = tpu.memref_slice %arg8[%dma_start3A_24] : memref<3x!tpu.dma_semaphore, #tpu.memory_space<semaphore_mem>> -> memref<1x!tpu.dma_semaphore, #tpu.memory_space<semaphore_mem>>
    %dma_start3A_35 = tpu.memref_squeeze %dma_start3A_34 : memref<1x!tpu.dma_semaphore, #tpu.memory_space<semaphore_mem>> -> memref<!tpu.dma_semaphore, #tpu.memory_space<semaphore_mem>>
    tpu.enqueue_indirect_dma source(%dma_start3A_33 : memref<10000x128xf32, #tpu.memory_space<hbm>>) target(%dma_start3A_27 : memref<128x128xf32, #tpu.memory_space<vmem>>) offsets(%dma_start3A_30 : memref<128xi32, #tpu.memory_space<vmem>>) semaphore(%dma_start3A_35 : memref<!tpu.dma_semaphore, #tpu.memory_space<semaphore_mem>>)
    %dma_start3A_36 = arith.constant 1 : i32
    %dma_start3A_37 = arith.constant 0 : i32
    %dma_start3A_38 = arith.constant 1 : i32
    %dma_start3A_39 = arith.constant 128 : i32
    %dma_start3A_40 = arith.constant 0 : i32
    %dma_start3A_41 = tpu.memref_slice %arg6[%dma_start3A_39, %dma_start3A_40] : memref<384x128xf32, #tpu.memory_space<vmem>> -> memref<128x128xf32, #tpu.memory_space<vmem>>
    %dma_start3A_42 = arith.constant 0 : i32
    %dma_start3A_43 = tpu.memref_slice %arg5[%dma_start3A_36, %dma_start3A_37, %dma_start3A_42] : memref<3x2x128xi32, #tpu.memory_space<vmem>> -> memref<1x1x128xi32, #tpu.memory_space<vmem>>
    %dma_start3A_44 = tpu.memref_squeeze %dma_start3A_43 : memref<1x1x128xi32, #tpu.memory_space<vmem>> -> memref<128xi32, #tpu.memory_space<vmem>>
    %dma_start3A_45 = arith.constant 0 : i32
    %dma_start3A_46 = arith.constant 0 : i32
    %dma_start3A_47 = tpu.memref_slice %arg2[%dma_start3A_45, %dma_start3A_46] : memref<10000x128xf32, #tpu.memory_space<hbm>> -> memref<10000x128xf32, #tpu.memory_space<hbm>>
    %dma_start3A_48 = tpu.memref_slice %arg8[%dma_start3A_38] : memref<3x!tpu.dma_semaphore, #tpu.memory_space<semaphore_mem>> -> memref<1x!tpu.dma_semaphore, #tpu.memory_space<semaphore_mem>>
    %dma_start3A_49 = tpu.memref_squeeze %dma_start3A_48 : memref<1x!tpu.dma_semaphore, #tpu.memory_space<semaphore_mem>> -> memref<!tpu.dma_semaphore, #tpu.memory_space<semaphore_mem>>
    tpu.enqueue_indirect_dma source(%dma_start3A_47 : memref<10000x128xf32, #tpu.memory_space<hbm>>) target(%dma_start3A_41 : memref<128x128xf32, #tpu.memory_space<vmem>>) offsets(%dma_start3A_44 : memref<128xi32, #tpu.memory_space<vmem>>) semaphore(%dma_start3A_49 : memref<!tpu.dma_semaphore, #tpu.memory_space<semaphore_mem>>)
    %scan3A_50 = arith.constant 0 : i32
    %scan3A_51 = arith.constant 79 : i32
    %scan3A_52 = arith.addi %scan3A_50, %scan3A_51 : i32
    %scan3A_53 = arith.constant 1 : i32
    scf.for %scan3A_58 = %scan3A_50 to %scan3A_52 step %scan3A_53  : i32 {
      %mul3A_59 = arith.constant 1 : i32
      %mul3A_60 = arith.muli %scan3A_58, %mul3A_59 : i32
      %add3A_61 = arith.constant 0 : i32
      %add3A_62 = arith.addi %add3A_61, %mul3A_60 : i32
      %rem3A = arith.constant 3 : i32
      %rem3A_63 = arith.remsi %add3A_62, %rem3A : i32
      %add3A_64 = arith.constant 2 : i32
      %add3A_65 = arith.addi %add3A_62, %add3A_64 : i32
      %rem3A_66 = arith.constant 3 : i32
      %rem3A_67 = arith.remsi %add3A_65, %rem3A_66 : i32
      %mul3A_68 = arith.constant 128 : i32
      %mul3A_69 = arith.muli %rem3A_63, %mul3A_68 : i32
      %dma_wait3A = arith.constant 0 : i32
      %dma_wait3A_70 = arith.constant 0 : i32
      %dma_wait3A_71 = tpu.memref_slice %arg6[%mul3A_69, %dma_wait3A_70] : memref<384x128xf32, #tpu.memory_space<vmem>> -> memref<128x128xf32, #tpu.memory_space<vmem>>
      %dma_wait3A_72 = arith.constant 0 : i32
      %dma_wait3A_73 = tpu.memref_slice %arg5[%rem3A_63, %dma_wait3A, %dma_wait3A_72] : memref<3x2x128xi32, #tpu.memory_space<vmem>> -> memref<1x1x128xi32, #tpu.memory_space<vmem>>
      %dma_wait3A_74 = tpu.memref_squeeze %dma_wait3A_73 : memref<1x1x128xi32, #tpu.memory_space<vmem>> -> memref<128xi32, #tpu.memory_space<vmem>>
      %dma_wait3A_75 = arith.constant 0 : i32
      %dma_wait3A_76 = arith.constant 0 : i32
      %dma_wait3A_77 = tpu.memref_slice %arg2[%dma_wait3A_75, %dma_wait3A_76] : memref<10000x128xf32, #tpu.memory_space<hbm>> -> memref<10000x128xf32, #tpu.memory_space<hbm>>
      %dma_wait3A_78 = tpu.memref_slice %arg8[%rem3A_63] : memref<3x!tpu.dma_semaphore, #tpu.memory_space<semaphore_mem>> -> memref<1x!tpu.dma_semaphore, #tpu.memory_space<semaphore_mem>>
      %dma_wait3A_79 = tpu.memref_squeeze %dma_wait3A_78 : memref<1x!tpu.dma_semaphore, #tpu.memory_space<semaphore_mem>> -> memref<!tpu.dma_semaphore, #tpu.memory_space<semaphore_mem>>
      tpu.wait_indirect_dma semaphore(%dma_wait3A_79 : memref<!tpu.dma_semaphore, #tpu.memory_space<semaphore_mem>>) src(%dma_wait3A_77 : memref<10000x128xf32, #tpu.memory_space<hbm>>) dst(%dma_wait3A_71 : memref<128x128xf32, #tpu.memory_space<vmem>>)
      %add3A_80 = arith.constant 2 : i32
      %add3A_81 = arith.addi %add3A_62, %add3A_80 : i32
      %lt3A = arith.constant 79 : i32
      %lt3A_82 = arith.cmpi slt, %add3A_81, %lt3A : i32
      %convert_element_type3A = arith.extui %lt3A_82 : i1 to i32
      %cond3A = arith.constant 0 : i32
      %cond3A_83 = arith.cmpi ne, %convert_element_type3A, %cond3A : i32
      scf.if %cond3A_83 {
        %ge3A = arith.constant 1 : i32
        %ge3A_94 = arith.cmpi sge, %add3A_62, %ge3A : i32
        %convert_element_type3A_95 = arith.extui %ge3A_94 : i1 to i32
        %cond3A_96 = arith.constant 0 : i32
        %cond3A_97 = arith.cmpi ne, %convert_element_type3A_95, %cond3A_96 : i32
        scf.if %cond3A_97 {
          %add3A_111 = arith.constant 2 : i32
          %add3A_112 = arith.addi %add3A_62, %add3A_111 : i32
          %dma_wait3A_113 = arith.constant 0 : i32
          %dma_wait3A_114 = arith.constant 0 : i32
          %dma_wait3A_115 = tpu.memref_slice %arg5[%rem3A_67, %dma_wait3A_113, %dma_wait3A_114] : memref<3x2x128xi32, #tpu.memory_space<vmem>> -> memref<1x2x128xi32, #tpu.memory_space<vmem>>
          %dma_wait3A_116 = tpu.memref_squeeze %dma_wait3A_115 : memref<1x2x128xi32, #tpu.memory_space<vmem>> -> memref<2x128xi32, #tpu.memory_space<vmem>>
          %dma_wait3A_117 = arith.constant 0 : i32
          %dma_wait3A_118 = arith.constant 0 : i32
          %dma_wait3A_119 = tpu.memref_slice %arg3[%add3A, %add3A_112, %dma_wait3A_117, %dma_wait3A_118] : memref<32x79x2x128xi32, #tpu.memory_space<hbm>> -> memref<1x1x2x128xi32, #tpu.memory_space<hbm>>
          %dma_wait3A_120 = tpu.memref_squeeze %dma_wait3A_119 : memref<1x1x2x128xi32, #tpu.memory_space<hbm>> -> memref<2x128xi32, #tpu.memory_space<hbm>>
          %dma_wait3A_121 = tpu.memref_slice %arg9[%rem3A_67] : memref<3x!tpu.dma_semaphore, #tpu.memory_space<semaphore_mem>> -> memref<1x!tpu.dma_semaphore, #tpu.memory_space<semaphore_mem>>
          %dma_wait3A_122 = tpu.memref_squeeze %dma_wait3A_121 : memref<1x!tpu.dma_semaphore, #tpu.memory_space<semaphore_mem>> -> memref<!tpu.dma_semaphore, #tpu.memory_space<semaphore_mem>>
          %dma_wait3A_123 = arith.constant 0 : i32
          %dma_wait3A_124 = arith.constant 0 : i32
          %dma_wait3A_125 = tpu.memref_slice %arg5[%rem3A_67, %dma_wait3A_123, %dma_wait3A_124] : memref<3x2x128xi32, #tpu.memory_space<vmem>> -> memref<1x2x128xi32, #tpu.memory_space<vmem>>
          %dma_wait3A_126 = tpu.memref_squeeze %dma_wait3A_125 : memref<1x2x128xi32, #tpu.memory_space<vmem>> -> memref<2x128xi32, #tpu.memory_space<vmem>>
          %dma_wait3A_127 = arith.constant 0 : i32
          %dma_wait3A_128 = arith.constant 0 : i32
          %dma_wait3A_129 = tpu.memref_slice %arg3[%add3A, %add3A_112, %dma_wait3A_127, %dma_wait3A_128] : memref<32x79x2x128xi32, #tpu.memory_space<hbm>> -> memref<1x1x2x128xi32, #tpu.memory_space<hbm>>
          %dma_wait3A_130 = tpu.memref_squeeze %dma_wait3A_129 : memref<1x1x2x128xi32, #tpu.memory_space<hbm>> -> memref<2x128xi32, #tpu.memory_space<hbm>>
          tpu.wait_dma2 semaphore(%dma_wait3A_122 : memref<!tpu.dma_semaphore, #tpu.memory_space<semaphore_mem>>) src(%dma_wait3A_130 : memref<2x128xi32, #tpu.memory_space<hbm>>) dst(%dma_wait3A_126 : memref<2x128xi32, #tpu.memory_space<vmem>>)
        } else {
        }
        %mul3A_98 = arith.constant 128 : i32
        %mul3A_99 = arith.muli %rem3A_67, %mul3A_98 : i32
        %dma_start3A_100 = arith.constant 0 : i32
        %dma_start3A_101 = arith.constant 0 : i32
        %dma_start3A_102 = tpu.memref_slice %arg6[%mul3A_99, %dma_start3A_101] : memref<384x128xf32, #tpu.memory_space<vmem>> -> memref<128x128xf32, #tpu.memory_space<vmem>>
        %dma_start3A_103 = arith.constant 0 : i32
        %dma_start3A_104 = tpu.memref_slice %arg5[%rem3A_67, %dma_start3A_100, %dma_start3A_103] : memref<3x2x128xi32, #tpu.memory_space<vmem>> -> memref<1x1x128xi32, #tpu.memory_space<vmem>>
        %dma_start3A_105 = tpu.memref_squeeze %dma_start3A_104 : memref<1x1x128xi32, #tpu.memory_space<vmem>> -> memref<128xi32, #tpu.memory_space<vmem>>
        %dma_start3A_106 = arith.constant 0 : i32
        %dma_start3A_107 = arith.constant 0 : i32
        %dma_start3A_108 = tpu.memref_slice %arg2[%dma_start3A_106, %dma_start3A_107] : memref<10000x128xf32, #tpu.memory_space<hbm>> -> memref<10000x128xf32, #tpu.memory_space<hbm>>
        %dma_start3A_109 = tpu.memref_slice %arg8[%rem3A_67] : memref<3x!tpu.dma_semaphore, #tpu.memory_space<semaphore_mem>> -> memref<1x!tpu.dma_semaphore, #tpu.memory_space<semaphore_mem>>
        %dma_start3A_110 = tpu.memref_squeeze %dma_start3A_109 : memref<1x!tpu.dma_semaphore, #tpu.memory_space<semaphore_mem>> -> memref<!tpu.dma_semaphore, #tpu.memory_space<semaphore_mem>>
        tpu.enqueue_indirect_dma source(%dma_start3A_108 : memref<10000x128xf32, #tpu.memory_space<hbm>>) target(%dma_start3A_102 : memref<128x128xf32, #tpu.memory_space<vmem>>) offsets(%dma_start3A_105 : memref<128xi32, #tpu.memory_space<vmem>>) semaphore(%dma_start3A_110 : memref<!tpu.dma_semaphore, #tpu.memory_space<semaphore_mem>>)
      } else {
      }
      %mul3A_84 = arith.constant 128 : i32
      %mul3A_85 = arith.muli %rem3A_63, %mul3A_84 : i32
      %run_scoped3A_86 = arith.constant 1 : i32
      "tpu.region"() ({
        %run_scoped3A_94 = tpu.sem_alloc : memref<!tpu.dma_semaphore, #tpu.memory_space<semaphore_mem>>
        %dma_start3A_95 = arith.constant 0 : i32
        %dma_start3A_96 = tpu.memref_slice %arg6[%mul3A_85, %dma_start3A_95] : memref<384x128xf32, #tpu.memory_space<vmem>> -> memref<128x128xf32, #tpu.memory_space<vmem>>
        %dma_start3A_97 = arith.constant 0 : i32
        %dma_start3A_98 = tpu.memref_slice %arg5[%rem3A_63, %run_scoped3A_86, %dma_start3A_97] : memref<3x2x128xi32, #tpu.memory_space<vmem>> -> memref<1x1x128xi32, #tpu.memory_space<vmem>>
        %dma_start3A_99 = tpu.memref_squeeze %dma_start3A_98 : memref<1x1x128xi32, #tpu.memory_space<vmem>> -> memref<128xi32, #tpu.memory_space<vmem>>
        %dma_start3A_100 = arith.constant 0 : i32
        %dma_start3A_101 = arith.constant 0 : i32
        %dma_start3A_102 = tpu.memref_slice %arg7[%dma_start3A_100, %dma_start3A_101] : memref<10112x128xf32, #tpu.memory_space<vmem_shared>> -> memref<10112x128xf32, #tpu.memory_space<vmem_shared>>
        tpu.enqueue_indirect_dma source(%dma_start3A_96 : memref<128x128xf32, #tpu.memory_space<vmem>>) target(%dma_start3A_102 : memref<10112x128xf32, #tpu.memory_space<vmem_shared>>) offsets(%dma_start3A_99 : memref<128xi32, #tpu.memory_space<vmem>>) semaphore(%run_scoped3A_94 : memref<!tpu.dma_semaphore, #tpu.memory_space<semaphore_mem>>) {add = true}
        %dma_wait3A_103 = arith.constant 0 : i32
        %dma_wait3A_104 = tpu.memref_slice %arg6[%mul3A_85, %dma_wait3A_103] : memref<384x128xf32, #tpu.memory_space<vmem>> -> memref<128x128xf32, #tpu.memory_space<vmem>>
        %dma_wait3A_105 = arith.constant 0 : i32
        %dma_wait3A_106 = tpu.memref_slice %arg5[%rem3A_63, %run_scoped3A_86, %dma_wait3A_105] : memref<3x2x128xi32, #tpu.memory_space<vmem>> -> memref<1x1x128xi32, #tpu.memory_space<vmem>>
        %dma_wait3A_107 = tpu.memref_squeeze %dma_wait3A_106 : memref<1x1x128xi32, #tpu.memory_space<vmem>> -> memref<128xi32, #tpu.memory_space<vmem>>
        %dma_wait3A_108 = arith.constant 0 : i32
        %dma_wait3A_109 = arith.constant 0 : i32
        %dma_wait3A_110 = tpu.memref_slice %arg7[%dma_wait3A_108, %dma_wait3A_109] : memref<10112x128xf32, #tpu.memory_space<vmem_shared>> -> memref<10112x128xf32, #tpu.memory_space<vmem_shared>>
        tpu.wait_indirect_dma semaphore(%run_scoped3A_94 : memref<!tpu.dma_semaphore, #tpu.memory_space<semaphore_mem>>) src(%dma_wait3A_104 : memref<128x128xf32, #tpu.memory_space<vmem>>) dst(%dma_wait3A_110 : memref<10112x128xf32, #tpu.memory_space<vmem_shared>>)
        tpu.yield
      }) : () -> ()
      %add3A_87 = arith.constant 3 : i32
      %add3A_88 = arith.addi %add3A_62, %add3A_87 : i32
      %lt3A_89 = arith.constant 79 : i32
      %lt3A_90 = arith.cmpi slt, %add3A_88, %lt3A_89 : i32
      %convert_element_type3A_91 = arith.extui %lt3A_90 : i1 to i32
      %cond3A_92 = arith.constant 0 : i32
      %cond3A_93 = arith.cmpi ne, %convert_element_type3A_91, %cond3A_92 : i32
      scf.if %cond3A_93 {
        %add3A_94 = arith.constant 3 : i32
        %add3A_95 = arith.addi %add3A_62, %add3A_94 : i32
        %dma_start3A_96 = arith.constant 0 : i32
        %dma_start3A_97 = arith.constant 0 : i32
        %dma_start3A_98 = tpu.memref_slice %arg5[%rem3A_63, %dma_start3A_96, %dma_start3A_97] : memref<3x2x128xi32, #tpu.memory_space<vmem>> -> memref<1x2x128xi32, #tpu.memory_space<vmem>>
        %dma_start3A_99 = tpu.memref_squeeze %dma_start3A_98 : memref<1x2x128xi32, #tpu.memory_space<vmem>> -> memref<2x128xi32, #tpu.memory_space<vmem>>
        %dma_start3A_100 = arith.constant 0 : i32
        %dma_start3A_101 = arith.constant 0 : i32
        %dma_start3A_102 = tpu.memref_slice %arg3[%add3A, %add3A_95, %dma_start3A_100, %dma_start3A_101] : memref<32x79x2x128xi32, #tpu.memory_space<hbm>> -> memref<1x1x2x128xi32, #tpu.memory_space<hbm>>
        %dma_start3A_103 = tpu.memref_squeeze %dma_start3A_102 : memref<1x1x2x128xi32, #tpu.memory_space<hbm>> -> memref<2x128xi32, #tpu.memory_space<hbm>>
        %dma_start3A_104 = tpu.memref_slice %arg9[%rem3A_63] : memref<3x!tpu.dma_semaphore, #tpu.memory_space<semaphore_mem>> -> memref<1x!tpu.dma_semaphore, #tpu.memory_space<semaphore_mem>>
        %dma_start3A_105 = tpu.memref_squeeze %dma_start3A_104 : memref<1x!tpu.dma_semaphore, #tpu.memory_space<semaphore_mem>> -> memref<!tpu.dma_semaphore, #tpu.memory_space<semaphore_mem>>
        %dma_start3A_106 = arith.constant 0 : i32
        %dma_start3A_107 = arith.constant 0 : i32
        %dma_start3A_108 = tpu.memref_slice %arg5[%rem3A_63, %dma_start3A_106, %dma_start3A_107] : memref<3x2x128xi32, #tpu.memory_space<vmem>> -> memref<1x2x128xi32, #tpu.memory_space<vmem>>
        %dma_start3A_109 = tpu.memref_squeeze %dma_start3A_108 : memref<1x2x128xi32, #tpu.memory_space<vmem>> -> memref<2x128xi32, #tpu.memory_space<vmem>>
        %dma_start3A_110 = arith.constant 0 : i32
        %dma_start3A_111 = arith.constant 0 : i32
        %dma_start3A_112 = tpu.memref_slice %arg3[%add3A, %add3A_95, %dma_start3A_110, %dma_start3A_111] : memref<32x79x2x128xi32, #tpu.memory_space<hbm>> -> memref<1x1x2x128xi32, #tpu.memory_space<hbm>>
        %dma_start3A_113 = tpu.memref_squeeze %dma_start3A_112 : memref<1x1x2x128xi32, #tpu.memory_space<hbm>> -> memref<2x128xi32, #tpu.memory_space<hbm>>
        tpu.enqueue_dma source(%dma_start3A_113 : memref<2x128xi32, #tpu.memory_space<hbm>>) target(%dma_start3A_109 : memref<2x128xi32, #tpu.memory_space<vmem>>) target_semaphore(%dma_start3A_105 : memref<!tpu.dma_semaphore, #tpu.memory_space<semaphore_mem>>)
      } else {
      }
    }
    %scan3A_54 = arith.constant 79 : i32
    %barrier3A_55 = arith.constant 0 : index
    tpu.barrier barrier_id(%barrier3A_55)
    %mul3A_56 = arith.constant 632 : i32
    %mul3A_57 = arith.muli %arg1, %mul3A_56 : i32
    "tpu.region"() ({
      %run_scoped3A_58 = tpu.sem_alloc : memref<!tpu.dma_semaphore, #tpu.memory_space<semaphore_mem>>
      %dma_start3A_59 = arith.constant 0 : i32
      %dma_start3A_60 = tpu.memref_slice %arg4[%arg0, %mul3A_57, %dma_start3A_59] : memref<2x10112x128xf32, #tpu.memory_space<hbm>> -> memref<1x632x128xf32, #tpu.memory_space<hbm>>
      %dma_start3A_61 = tpu.memref_squeeze %dma_start3A_60 : memref<1x632x128xf32, #tpu.memory_space<hbm>> -> memref<632x128xf32, #tpu.memory_space<hbm>>
      %dma_start3A_62 = arith.constant 0 : i32
      %dma_start3A_63 = tpu.memref_slice %arg7[%mul3A_57, %dma_start3A_62] : memref<10112x128xf32, #tpu.memory_space<vmem_shared>> -> memref<632x128xf32, #tpu.memory_space<vmem_shared>>
      tpu.enqueue_dma source(%dma_start3A_63 : memref<632x128xf32, #tpu.memory_space<vmem_shared>>) target(%dma_start3A_61 : memref<632x128xf32, #tpu.memory_space<hbm>>) target_semaphore(%run_scoped3A_58 : memref<!tpu.dma_semaphore, #tpu.memory_space<semaphore_mem>>)
      %dma_wait3A = arith.constant 0 : i32
      %dma_wait3A_64 = tpu.memref_slice %arg4[%arg0, %mul3A_57, %dma_wait3A] : memref<2x10112x128xf32, #tpu.memory_space<hbm>> -> memref<1x632x128xf32, #tpu.memory_space<hbm>>
      %dma_wait3A_65 = tpu.memref_squeeze %dma_wait3A_64 : memref<1x632x128xf32, #tpu.memory_space<hbm>> -> memref<632x128xf32, #tpu.memory_space<hbm>>
      %dma_wait3A_66 = arith.constant 0 : i32
      %dma_wait3A_67 = tpu.memref_slice %arg7[%mul3A_57, %dma_wait3A_66] : memref<10112x128xf32, #tpu.memory_space<vmem_shared>> -> memref<632x128xf32, #tpu.memory_space<vmem_shared>>
      tpu.wait_dma2 semaphore(%run_scoped3A_58 : memref<!tpu.dma_semaphore, #tpu.memory_space<semaphore_mem>>) src(%dma_wait3A_67 : memref<632x128xf32, #tpu.memory_space<vmem_shared>>) dst(%dma_wait3A_65 : memref<632x128xf32, #tpu.memory_space<hbm>>)
      tpu.yield
    }) : () -> ()
    return
  }
}

#map = affine_map<(d0, d1) -> (0, 0)>
#map1 = affine_map<(d0, d1) -> (0, 0, 0, 0)>
#map2 = affine_map<(d0, d1) -> (0, 0, 0)>
module attributes {stable_mosaic.version = 14 : i64} {
  func.func @_agg_body(%arg0: i32, %arg1: i32, %arg2: memref<10000x128xf32, #tpu.memory_space<hbm>>, %arg3: memref<32x79x2x128xi32, #tpu.memory_space<hbm>>, %arg4: memref<2x10112x128xf32, #tpu.memory_space<hbm>>, %arg5: memref<3x2x128xi32, #tpu.memory_space<vmem>>, %arg6: memref<384x128xf32, #tpu.memory_space<vmem>>, %arg7: memref<10112x128xf32, #tpu.memory_space<vmem_shared>>, %arg8: memref<3x!tpu.dma_semaphore, #tpu.memory_space<semaphore_mem>>, %arg9: memref<3x!tpu.dma_semaphore, #tpu.memory_space<semaphore_mem>>) attributes {dimension_semantics = [#tpu.dimension_semantics<core_parallel>, #tpu.dimension_semantics<subcore_parallel>], iteration_bounds = array<i64: 2, 16>, scalar_prefetch = 0 : i64, scratch_operands = 5 : i64, tpu.core_type = #tpu.core_type<sc_vector_subcore>, window_params = [{transform_indices = #map}, {transform_indices = #map1}, {transform_indices = #map2}]} {
    %mul3A = arith.constant 2 : i32
    %mul3A_0 = arith.muli %arg1, %mul3A : i32
    %add3A = arith.addi %mul3A_0, %arg0 : i32
    %broadcast_in_dim3A = arith.constant 0.000000e+00 : f32
    %broadcast_in_dim3A_1 = vector.broadcast %broadcast_in_dim3A : f32 to vector<16xf32>
    %scan3A = arith.constant 0 : i32
    %scan3A_2 = arith.constant 128 : i32
    %scan3A_3 = arith.addi %scan3A, %scan3A_2 : i32
    %scan3A_4 = arith.constant 1 : i32
    scf.for %scan3A_58 = %scan3A to %scan3A_3 step %scan3A_4  : i32 {
      %mul3A_59 = arith.constant 1 : i32
      %mul3A_60 = arith.muli %scan3A_58, %mul3A_59 : i32
      %add3A_61 = arith.constant 0 : i32
      %add3A_62 = arith.addi %add3A_61, %mul3A_60 : i32
      %swap3A = arith.index_cast %add3A_62 : i32 to index
      %swap3A_63 = arith.constant 0 : index
      %swap3A_64 = tpu.vector_load %arg6[%swap3A, %swap3A_63] {strides = array<i32>} : memref<384x128xf32, #tpu.memory_space<vmem>>, vector<1x16xf32>,
      %swap3A_65 = vector.shape_cast %swap3A_64 : vector<1x16xf32> to vector<16xf32>
      %swap3A_66 = vector.shape_cast %broadcast_in_dim3A_1 : vector<16xf32> to vector<1x16xf32>
      tpu.vector_store %arg6[%swap3A, %swap3A_63], %swap3A_66 {strides = array<i32>} : memref<384x128xf32, #tpu.memory_space<vmem>>, vector<1x16xf32>,
      %swap3A_67 = arith.index_cast %add3A_62 : i32 to index
      %swap3A_68 = arith.constant 16 : index
      %swap3A_69 = tpu.vector_load %arg6[%swap3A_67, %swap3A_68] {strides = array<i32>} : memref<384x128xf32, #tpu.memory_space<vmem>>, vector<1x16xf32>,
      %swap3A_70 = vector.shape_cast %swap3A_69 : vector<1x16xf32> to vector<16xf32>
      %swap3A_71 = vector.shape_cast %broadcast_in_dim3A_1 : vector<16xf32> to vector<1x16xf32>
      tpu.vector_store %arg6[%swap3A_67, %swap3A_68], %swap3A_71 {strides = array<i32>} : memref<384x128xf32, #tpu.memory_space<vmem>>, vector<1x16xf32>,
      %swap3A_72 = arith.index_cast %add3A_62 : i32 to index
      %swap3A_73 = arith.constant 32 : index
      %swap3A_74 = tpu.vector_load %arg6[%swap3A_72, %swap3A_73] {strides = array<i32>} : memref<384x128xf32, #tpu.memory_space<vmem>>, vector<1x16xf32>,
      %swap3A_75 = vector.shape_cast %swap3A_74 : vector<1x16xf32> to vector<16xf32>
      %swap3A_76 = vector.shape_cast %broadcast_in_dim3A_1 : vector<16xf32> to vector<1x16xf32>
      tpu.vector_store %arg6[%swap3A_72, %swap3A_73], %swap3A_76 {strides = array<i32>} : memref<384x128xf32, #tpu.memory_space<vmem>>, vector<1x16xf32>,
      %swap3A_77 = arith.index_cast %add3A_62 : i32 to index
      %swap3A_78 = arith.constant 48 : index
      %swap3A_79 = tpu.vector_load %arg6[%swap3A_77, %swap3A_78] {strides = array<i32>} : memref<384x128xf32, #tpu.memory_space<vmem>>, vector<1x16xf32>,
      %swap3A_80 = vector.shape_cast %swap3A_79 : vector<1x16xf32> to vector<16xf32>
      %swap3A_81 = vector.shape_cast %broadcast_in_dim3A_1 : vector<16xf32> to vector<1x16xf32>
      tpu.vector_store %arg6[%swap3A_77, %swap3A_78], %swap3A_81 {strides = array<i32>} : memref<384x128xf32, #tpu.memory_space<vmem>>, vector<1x16xf32>,
      %swap3A_82 = arith.index_cast %add3A_62 : i32 to index
      %swap3A_83 = arith.constant 64 : index
      %swap3A_84 = tpu.vector_load %arg6[%swap3A_82, %swap3A_83] {strides = array<i32>} : memref<384x128xf32, #tpu.memory_space<vmem>>, vector<1x16xf32>,
      %swap3A_85 = vector.shape_cast %swap3A_84 : vector<1x16xf32> to vector<16xf32>
      %swap3A_86 = vector.shape_cast %broadcast_in_dim3A_1 : vector<16xf32> to vector<1x16xf32>
      tpu.vector_store %arg6[%swap3A_82, %swap3A_83], %swap3A_86 {strides = array<i32>} : memref<384x128xf32, #tpu.memory_space<vmem>>, vector<1x16xf32>,
      %swap3A_87 = arith.index_cast %add3A_62 : i32 to index
      %swap3A_88 = arith.constant 80 : index
      %swap3A_89 = tpu.vector_load %arg6[%swap3A_87, %swap3A_88] {strides = array<i32>} : memref<384x128xf32, #tpu.memory_space<vmem>>, vector<1x16xf32>,
      %swap3A_90 = vector.shape_cast %swap3A_89 : vector<1x16xf32> to vector<16xf32>
      %swap3A_91 = vector.shape_cast %broadcast_in_dim3A_1 : vector<16xf32> to vector<1x16xf32>
      tpu.vector_store %arg6[%swap3A_87, %swap3A_88], %swap3A_91 {strides = array<i32>} : memref<384x128xf32, #tpu.memory_space<vmem>>, vector<1x16xf32>,
      %swap3A_92 = arith.index_cast %add3A_62 : i32 to index
      %swap3A_93 = arith.constant 96 : index
      %swap3A_94 = tpu.vector_load %arg6[%swap3A_92, %swap3A_93] {strides = array<i32>} : memref<384x128xf32, #tpu.memory_space<vmem>>, vector<1x16xf32>,
      %swap3A_95 = vector.shape_cast %swap3A_94 : vector<1x16xf32> to vector<16xf32>
      %swap3A_96 = vector.shape_cast %broadcast_in_dim3A_1 : vector<16xf32> to vector<1x16xf32>
      tpu.vector_store %arg6[%swap3A_92, %swap3A_93], %swap3A_96 {strides = array<i32>} : memref<384x128xf32, #tpu.memory_space<vmem>>, vector<1x16xf32>,
      %swap3A_97 = arith.index_cast %add3A_62 : i32 to index
      %swap3A_98 = arith.constant 112 : index
      %swap3A_99 = tpu.vector_load %arg6[%swap3A_97, %swap3A_98] {strides = array<i32>} : memref<384x128xf32, #tpu.memory_space<vmem>>, vector<1x16xf32>,
      %swap3A_100 = vector.shape_cast %swap3A_99 : vector<1x16xf32> to vector<16xf32>
      %swap3A_101 = vector.shape_cast %broadcast_in_dim3A_1 : vector<16xf32> to vector<1x16xf32>
      tpu.vector_store %arg6[%swap3A_97, %swap3A_98], %swap3A_101 {strides = array<i32>} : memref<384x128xf32, #tpu.memory_space<vmem>>, vector<1x16xf32>,
    }
    %scan3A_5 = arith.constant 128 : i32
    %mul3A_6 = arith.constant 632 : i32
    %mul3A_7 = arith.muli %arg1, %mul3A_6 : i32
    %add3A_8 = arith.constant 0 : i32
    %add3A_9 = arith.addi %mul3A_7, %add3A_8 : i32
    "tpu.region"() ({
      %run_scoped3A_58 = tpu.sem_alloc : memref<!tpu.dma_semaphore, #tpu.memory_space<semaphore_mem>>
      %dma_start3A_59 = arith.constant 0 : i32
      %dma_start3A_60 = arith.constant 0 : i32
      %dma_start3A_61 = tpu.memref_slice %arg6[%dma_start3A_59, %dma_start3A_60] : memref<384x128xf32, #tpu.memory_space<vmem>> -> memref<128x128xf32, #tpu.memory_space<vmem>>
      %dma_start3A_62 = arith.constant 0 : i32
      %dma_start3A_63 = tpu.memref_slice %arg7[%add3A_9, %dma_start3A_62] : memref<10112x128xf32, #tpu.memory_space<vmem_shared>> -> memref<128x128xf32, #tpu.memory_space<vmem_shared>>
      %dma_start3A_64 = arith.constant 0 : i32
      %dma_start3A_65 = tpu.memref_slice %arg7[%add3A_9, %dma_start3A_64] : memref<10112x128xf32, #tpu.memory_space<vmem_shared>> -> memref<128x128xf32, #tpu.memory_space<vmem_shared>>
      %dma_start3A_66 = arith.constant 0 : i32
      %dma_start3A_67 = arith.constant 0 : i32
      %dma_start3A_68 = tpu.memref_slice %arg6[%dma_start3A_66, %dma_start3A_67] : memref<384x128xf32, #tpu.memory_space<vmem>> -> memref<128x128xf32, #tpu.memory_space<vmem>>
      tpu.enqueue_dma source(%dma_start3A_68 : memref<128x128xf32, #tpu.memory_space<vmem>>) target(%dma_start3A_65 : memref<128x128xf32, #tpu.memory_space<vmem_shared>>) target_semaphore(%run_scoped3A_58 : memref<!tpu.dma_semaphore, #tpu.memory_space<semaphore_mem>>)
      %dma_wait3A = arith.constant 0 : i32
      %dma_wait3A_69 = arith.constant 0 : i32
      %dma_wait3A_70 = tpu.memref_slice %arg6[%dma_wait3A, %dma_wait3A_69] : memref<384x128xf32, #tpu.memory_space<vmem>> -> memref<128x128xf32, #tpu.memory_space<vmem>>
      %dma_wait3A_71 = arith.constant 0 : i32
      %dma_wait3A_72 = tpu.memref_slice %arg7[%add3A_9, %dma_wait3A_71] : memref<10112x128xf32, #tpu.memory_space<vmem_shared>> -> memref<128x128xf32, #tpu.memory_space<vmem_shared>>
      %dma_wait3A_73 = arith.constant 0 : i32
      %dma_wait3A_74 = tpu.memref_slice %arg7[%add3A_9, %dma_wait3A_73] : memref<10112x128xf32, #tpu.memory_space<vmem_shared>> -> memref<128x128xf32, #tpu.memory_space<vmem_shared>>
      %dma_wait3A_75 = arith.constant 0 : i32
      %dma_wait3A_76 = arith.constant 0 : i32
      %dma_wait3A_77 = tpu.memref_slice %arg6[%dma_wait3A_75, %dma_wait3A_76] : memref<384x128xf32, #tpu.memory_space<vmem>> -> memref<128x128xf32, #tpu.memory_space<vmem>>
      tpu.wait_dma2 semaphore(%run_scoped3A_58 : memref<!tpu.dma_semaphore, #tpu.memory_space<semaphore_mem>>) src(%dma_wait3A_77 : memref<128x128xf32, #tpu.memory_space<vmem>>) dst(%dma_wait3A_74 : memref<128x128xf32, #tpu.memory_space<vmem_shared>>)
      tpu.yield
    }) : () -> ()
    %add3A_10 = arith.constant 128 : i32
    %add3A_11 = arith.addi %mul3A_7, %add3A_10 : i32
    "tpu.region"() ({
      %run_scoped3A_58 = tpu.sem_alloc : memref<!tpu.dma_semaphore, #tpu.memory_space<semaphore_mem>>
      %dma_start3A_59 = arith.constant 0 : i32
      %dma_start3A_60 = arith.constant 0 : i32
      %dma_start3A_61 = tpu.memref_slice %arg6[%dma_start3A_59, %dma_start3A_60] : memref<384x128xf32, #tpu.memory_space<vmem>> -> memref<128x128xf32, #tpu.memory_space<vmem>>
      %dma_start3A_62 = arith.constant 0 : i32
      %dma_start3A_63 = tpu.memref_slice %arg7[%add3A_11, %dma_start3A_62] : memref<10112x128xf32, #tpu.memory_space<vmem_shared>> -> memref<128x128xf32, #tpu.memory_space<vmem_shared>>
      %dma_start3A_64 = arith.constant 0 : i32
      %dma_start3A_65 = tpu.memref_slice %arg7[%add3A_11, %dma_start3A_64] : memref<10112x128xf32, #tpu.memory_space<vmem_shared>> -> memref<128x128xf32, #tpu.memory_space<vmem_shared>>
      %dma_start3A_66 = arith.constant 0 : i32
      %dma_start3A_67 = arith.constant 0 : i32
      %dma_start3A_68 = tpu.memref_slice %arg6[%dma_start3A_66, %dma_start3A_67] : memref<384x128xf32, #tpu.memory_space<vmem>> -> memref<128x128xf32, #tpu.memory_space<vmem>>
      tpu.enqueue_dma source(%dma_start3A_68 : memref<128x128xf32, #tpu.memory_space<vmem>>) target(%dma_start3A_65 : memref<128x128xf32, #tpu.memory_space<vmem_shared>>) target_semaphore(%run_scoped3A_58 : memref<!tpu.dma_semaphore, #tpu.memory_space<semaphore_mem>>)
      %dma_wait3A = arith.constant 0 : i32
      %dma_wait3A_69 = arith.constant 0 : i32
      %dma_wait3A_70 = tpu.memref_slice %arg6[%dma_wait3A, %dma_wait3A_69] : memref<384x128xf32, #tpu.memory_space<vmem>> -> memref<128x128xf32, #tpu.memory_space<vmem>>
      %dma_wait3A_71 = arith.constant 0 : i32
      %dma_wait3A_72 = tpu.memref_slice %arg7[%add3A_11, %dma_wait3A_71] : memref<10112x128xf32, #tpu.memory_space<vmem_shared>> -> memref<128x128xf32, #tpu.memory_space<vmem_shared>>
      %dma_wait3A_73 = arith.constant 0 : i32
      %dma_wait3A_74 = tpu.memref_slice %arg7[%add3A_11, %dma_wait3A_73] : memref<10112x128xf32, #tpu.memory_space<vmem_shared>> -> memref<128x128xf32, #tpu.memory_space<vmem_shared>>
      %dma_wait3A_75 = arith.constant 0 : i32
      %dma_wait3A_76 = arith.constant 0 : i32
      %dma_wait3A_77 = tpu.memref_slice %arg6[%dma_wait3A_75, %dma_wait3A_76] : memref<384x128xf32, #tpu.memory_space<vmem>> -> memref<128x128xf32, #tpu.memory_space<vmem>>
      tpu.wait_dma2 semaphore(%run_scoped3A_58 : memref<!tpu.dma_semaphore, #tpu.memory_space<semaphore_mem>>) src(%dma_wait3A_77 : memref<128x128xf32, #tpu.memory_space<vmem>>) dst(%dma_wait3A_74 : memref<128x128xf32, #tpu.memory_space<vmem_shared>>)
      tpu.yield
    }) : () -> ()
    %add3A_12 = arith.constant 256 : i32
    %add3A_13 = arith.addi %mul3A_7, %add3A_12 : i32
    "tpu.region"() ({
      %run_scoped3A_58 = tpu.sem_alloc : memref<!tpu.dma_semaphore, #tpu.memory_space<semaphore_mem>>
      %dma_start3A_59 = arith.constant 0 : i32
      %dma_start3A_60 = arith.constant 0 : i32
      %dma_start3A_61 = tpu.memref_slice %arg6[%dma_start3A_59, %dma_start3A_60] : memref<384x128xf32, #tpu.memory_space<vmem>> -> memref<128x128xf32, #tpu.memory_space<vmem>>
      %dma_start3A_62 = arith.constant 0 : i32
      %dma_start3A_63 = tpu.memref_slice %arg7[%add3A_13, %dma_start3A_62] : memref<10112x128xf32, #tpu.memory_space<vmem_shared>> -> memref<128x128xf32, #tpu.memory_space<vmem_shared>>
      %dma_start3A_64 = arith.constant 0 : i32
      %dma_start3A_65 = tpu.memref_slice %arg7[%add3A_13, %dma_start3A_64] : memref<10112x128xf32, #tpu.memory_space<vmem_shared>> -> memref<128x128xf32, #tpu.memory_space<vmem_shared>>
      %dma_start3A_66 = arith.constant 0 : i32
      %dma_start3A_67 = arith.constant 0 : i32
      %dma_start3A_68 = tpu.memref_slice %arg6[%dma_start3A_66, %dma_start3A_67] : memref<384x128xf32, #tpu.memory_space<vmem>> -> memref<128x128xf32, #tpu.memory_space<vmem>>
      tpu.enqueue_dma source(%dma_start3A_68 : memref<128x128xf32, #tpu.memory_space<vmem>>) target(%dma_start3A_65 : memref<128x128xf32, #tpu.memory_space<vmem_shared>>) target_semaphore(%run_scoped3A_58 : memref<!tpu.dma_semaphore, #tpu.memory_space<semaphore_mem>>)
      %dma_wait3A = arith.constant 0 : i32
      %dma_wait3A_69 = arith.constant 0 : i32
      %dma_wait3A_70 = tpu.memref_slice %arg6[%dma_wait3A, %dma_wait3A_69] : memref<384x128xf32, #tpu.memory_space<vmem>> -> memref<128x128xf32, #tpu.memory_space<vmem>>
      %dma_wait3A_71 = arith.constant 0 : i32
      %dma_wait3A_72 = tpu.memref_slice %arg7[%add3A_13, %dma_wait3A_71] : memref<10112x128xf32, #tpu.memory_space<vmem_shared>> -> memref<128x128xf32, #tpu.memory_space<vmem_shared>>
      %dma_wait3A_73 = arith.constant 0 : i32
      %dma_wait3A_74 = tpu.memref_slice %arg7[%add3A_13, %dma_wait3A_73] : memref<10112x128xf32, #tpu.memory_space<vmem_shared>> -> memref<128x128xf32, #tpu.memory_space<vmem_shared>>
      %dma_wait3A_75 = arith.constant 0 : i32
      %dma_wait3A_76 = arith.constant 0 : i32
      %dma_wait3A_77 = tpu.memref_slice %arg6[%dma_wait3A_75, %dma_wait3A_76] : memref<384x128xf32, #tpu.memory_space<vmem>> -> memref<128x128xf32, #tpu.memory_space<vmem>>
      tpu.wait_dma2 semaphore(%run_scoped3A_58 : memref<!tpu.dma_semaphore, #tpu.memory_space<semaphore_mem>>) src(%dma_wait3A_77 : memref<128x128xf32, #tpu.memory_space<vmem>>) dst(%dma_wait3A_74 : memref<128x128xf32, #tpu.memory_space<vmem_shared>>)
      tpu.yield
    }) : () -> ()
    %add3A_14 = arith.constant 384 : i32
    %add3A_15 = arith.addi %mul3A_7, %add3A_14 : i32
    "tpu.region"() ({
      %run_scoped3A_58 = tpu.sem_alloc : memref<!tpu.dma_semaphore, #tpu.memory_space<semaphore_mem>>
      %dma_start3A_59 = arith.constant 0 : i32
      %dma_start3A_60 = arith.constant 0 : i32
      %dma_start3A_61 = tpu.memref_slice %arg6[%dma_start3A_59, %dma_start3A_60] : memref<384x128xf32, #tpu.memory_space<vmem>> -> memref<128x128xf32, #tpu.memory_space<vmem>>
      %dma_start3A_62 = arith.constant 0 : i32
      %dma_start3A_63 = tpu.memref_slice %arg7[%add3A_15, %dma_start3A_62] : memref<10112x128xf32, #tpu.memory_space<vmem_shared>> -> memref<128x128xf32, #tpu.memory_space<vmem_shared>>
      %dma_start3A_64 = arith.constant 0 : i32
      %dma_start3A_65 = tpu.memref_slice %arg7[%add3A_15, %dma_start3A_64] : memref<10112x128xf32, #tpu.memory_space<vmem_shared>> -> memref<128x128xf32, #tpu.memory_space<vmem_shared>>
      %dma_start3A_66 = arith.constant 0 : i32
      %dma_start3A_67 = arith.constant 0 : i32
      %dma_start3A_68 = tpu.memref_slice %arg6[%dma_start3A_66, %dma_start3A_67] : memref<384x128xf32, #tpu.memory_space<vmem>> -> memref<128x128xf32, #tpu.memory_space<vmem>>
      tpu.enqueue_dma source(%dma_start3A_68 : memref<128x128xf32, #tpu.memory_space<vmem>>) target(%dma_start3A_65 : memref<128x128xf32, #tpu.memory_space<vmem_shared>>) target_semaphore(%run_scoped3A_58 : memref<!tpu.dma_semaphore, #tpu.memory_space<semaphore_mem>>)
      %dma_wait3A = arith.constant 0 : i32
      %dma_wait3A_69 = arith.constant 0 : i32
      %dma_wait3A_70 = tpu.memref_slice %arg6[%dma_wait3A, %dma_wait3A_69] : memref<384x128xf32, #tpu.memory_space<vmem>> -> memref<128x128xf32, #tpu.memory_space<vmem>>
      %dma_wait3A_71 = arith.constant 0 : i32
      %dma_wait3A_72 = tpu.memref_slice %arg7[%add3A_15, %dma_wait3A_71] : memref<10112x128xf32, #tpu.memory_space<vmem_shared>> -> memref<128x128xf32, #tpu.memory_space<vmem_shared>>
      %dma_wait3A_73 = arith.constant 0 : i32
      %dma_wait3A_74 = tpu.memref_slice %arg7[%add3A_15, %dma_wait3A_73] : memref<10112x128xf32, #tpu.memory_space<vmem_shared>> -> memref<128x128xf32, #tpu.memory_space<vmem_shared>>
      %dma_wait3A_75 = arith.constant 0 : i32
      %dma_wait3A_76 = arith.constant 0 : i32
      %dma_wait3A_77 = tpu.memref_slice %arg6[%dma_wait3A_75, %dma_wait3A_76] : memref<384x128xf32, #tpu.memory_space<vmem>> -> memref<128x128xf32, #tpu.memory_space<vmem>>
      tpu.wait_dma2 semaphore(%run_scoped3A_58 : memref<!tpu.dma_semaphore, #tpu.memory_space<semaphore_mem>>) src(%dma_wait3A_77 : memref<128x128xf32, #tpu.memory_space<vmem>>) dst(%dma_wait3A_74 : memref<128x128xf32, #tpu.memory_space<vmem_shared>>)
      tpu.yield
    }) : () -> ()
    %add3A_16 = arith.constant 512 : i32
    %add3A_17 = arith.addi %mul3A_7, %add3A_16 : i32
    "tpu.region"() ({
      %run_scoped3A_58 = tpu.sem_alloc : memref<!tpu.dma_semaphore, #tpu.memory_space<semaphore_mem>>
      %dma_start3A_59 = arith.constant 0 : i32
      %dma_start3A_60 = arith.constant 0 : i32
      %dma_start3A_61 = tpu.memref_slice %arg6[%dma_start3A_59, %dma_start3A_60] : memref<384x128xf32, #tpu.memory_space<vmem>> -> memref<120x128xf32, #tpu.memory_space<vmem>>
      %dma_start3A_62 = arith.constant 0 : i32
      %dma_start3A_63 = tpu.memref_slice %arg7[%add3A_17, %dma_start3A_62] : memref<10112x128xf32, #tpu.memory_space<vmem_shared>> -> memref<120x128xf32, #tpu.memory_space<vmem_shared>>
      %dma_start3A_64 = arith.constant 0 : i32
      %dma_start3A_65 = tpu.memref_slice %arg7[%add3A_17, %dma_start3A_64] : memref<10112x128xf32, #tpu.memory_space<vmem_shared>> -> memref<120x128xf32, #tpu.memory_space<vmem_shared>>
      %dma_start3A_66 = arith.constant 0 : i32
      %dma_start3A_67 = arith.constant 0 : i32
      %dma_start3A_68 = tpu.memref_slice %arg6[%dma_start3A_66, %dma_start3A_67] : memref<384x128xf32, #tpu.memory_space<vmem>> -> memref<120x128xf32, #tpu.memory_space<vmem>>
      tpu.enqueue_dma source(%dma_start3A_68 : memref<120x128xf32, #tpu.memory_space<vmem>>) target(%dma_start3A_65 : memref<120x128xf32, #tpu.memory_space<vmem_shared>>) target_semaphore(%run_scoped3A_58 : memref<!tpu.dma_semaphore, #tpu.memory_space<semaphore_mem>>)
      %dma_wait3A = arith.constant 0 : i32
      %dma_wait3A_69 = arith.constant 0 : i32
      %dma_wait3A_70 = tpu.memref_slice %arg6[%dma_wait3A, %dma_wait3A_69] : memref<384x128xf32, #tpu.memory_space<vmem>> -> memref<120x128xf32, #tpu.memory_space<vmem>>
      %dma_wait3A_71 = arith.constant 0 : i32
      %dma_wait3A_72 = tpu.memref_slice %arg7[%add3A_17, %dma_wait3A_71] : memref<10112x128xf32, #tpu.memory_space<vmem_shared>> -> memref<120x128xf32, #tpu.memory_space<vmem_shared>>
      %dma_wait3A_73 = arith.constant 0 : i32
      %dma_wait3A_74 = tpu.memref_slice %arg7[%add3A_17, %dma_wait3A_73] : memref<10112x128xf32, #tpu.memory_space<vmem_shared>> -> memref<120x128xf32, #tpu.memory_space<vmem_shared>>
      %dma_wait3A_75 = arith.constant 0 : i32
      %dma_wait3A_76 = arith.constant 0 : i32
      %dma_wait3A_77 = tpu.memref_slice %arg6[%dma_wait3A_75, %dma_wait3A_76] : memref<384x128xf32, #tpu.memory_space<vmem>> -> memref<120x128xf32, #tpu.memory_space<vmem>>
      tpu.wait_dma2 semaphore(%run_scoped3A_58 : memref<!tpu.dma_semaphore, #tpu.memory_space<semaphore_mem>>) src(%dma_wait3A_77 : memref<120x128xf32, #tpu.memory_space<vmem>>) dst(%dma_wait3A_74 : memref<120x128xf32, #tpu.memory_space<vmem_shared>>)
      tpu.yield
    }) : () -> ()
    %barrier3A = arith.constant 0 : index
    tpu.barrier barrier_id(%barrier3A)
    %run_scoped3A = arith.constant 0 : i32
    %run_scoped3A_18 = arith.constant 0 : i32
    "tpu.region"() ({
      %run_scoped3A_58 = tpu.sem_alloc : memref<!tpu.dma_semaphore, #tpu.memory_space<semaphore_mem>>
      %dma_start3A_59 = arith.constant 0 : i32
      %dma_start3A_60 = arith.constant 0 : i32
      %dma_start3A_61 = tpu.memref_slice %arg5[%run_scoped3A_18, %dma_start3A_59, %dma_start3A_60] : memref<3x2x128xi32, #tpu.memory_space<vmem>> -> memref<1x2x128xi32, #tpu.memory_space<vmem>>
      %dma_start3A_62 = tpu.memref_squeeze %dma_start3A_61 : memref<1x2x128xi32, #tpu.memory_space<vmem>> -> memref<2x128xi32, #tpu.memory_space<vmem>>
      %dma_start3A_63 = arith.constant 0 : i32
      %dma_start3A_64 = arith.constant 0 : i32
      %dma_start3A_65 = tpu.memref_slice %arg3[%add3A, %run_scoped3A, %dma_start3A_63, %dma_start3A_64] : memref<32x79x2x128xi32, #tpu.memory_space<hbm>> -> memref<1x1x2x128xi32, #tpu.memory_space<hbm>>
      %dma_start3A_66 = tpu.memref_squeeze %dma_start3A_65 : memref<1x1x2x128xi32, #tpu.memory_space<hbm>> -> memref<2x128xi32, #tpu.memory_space<hbm>>
      %dma_start3A_67 = arith.constant 0 : i32
      %dma_start3A_68 = arith.constant 0 : i32
      %dma_start3A_69 = tpu.memref_slice %arg5[%run_scoped3A_18, %dma_start3A_67, %dma_start3A_68] : memref<3x2x128xi32, #tpu.memory_space<vmem>> -> memref<1x2x128xi32, #tpu.memory_space<vmem>>
      %dma_start3A_70 = tpu.memref_squeeze %dma_start3A_69 : memref<1x2x128xi32, #tpu.memory_space<vmem>> -> memref<2x128xi32, #tpu.memory_space<vmem>>
      %dma_start3A_71 = arith.constant 0 : i32
      %dma_start3A_72 = arith.constant 0 : i32
      %dma_start3A_73 = tpu.memref_slice %arg3[%add3A, %run_scoped3A, %dma_start3A_71, %dma_start3A_72] : memref<32x79x2x128xi32, #tpu.memory_space<hbm>> -> memref<1x1x2x128xi32, #tpu.memory_space<hbm>>
      %dma_start3A_74 = tpu.memref_squeeze %dma_start3A_73 : memref<1x1x2x128xi32, #tpu.memory_space<hbm>> -> memref<2x128xi32, #tpu.memory_space<hbm>>
      tpu.enqueue_dma source(%dma_start3A_74 : memref<2x128xi32, #tpu.memory_space<hbm>>) target(%dma_start3A_70 : memref<2x128xi32, #tpu.memory_space<vmem>>) target_semaphore(%run_scoped3A_58 : memref<!tpu.dma_semaphore, #tpu.memory_space<semaphore_mem>>)
      %dma_wait3A = arith.constant 0 : i32
      %dma_wait3A_75 = arith.constant 0 : i32
      %dma_wait3A_76 = tpu.memref_slice %arg5[%run_scoped3A_18, %dma_wait3A, %dma_wait3A_75] : memref<3x2x128xi32, #tpu.memory_space<vmem>> -> memref<1x2x128xi32, #tpu.memory_space<vmem>>
      %dma_wait3A_77 = tpu.memref_squeeze %dma_wait3A_76 : memref<1x2x128xi32, #tpu.memory_space<vmem>> -> memref<2x128xi32, #tpu.memory_space<vmem>>
      %dma_wait3A_78 = arith.constant 0 : i32
      %dma_wait3A_79 = arith.constant 0 : i32
      %dma_wait3A_80 = tpu.memref_slice %arg3[%add3A, %run_scoped3A, %dma_wait3A_78, %dma_wait3A_79] : memref<32x79x2x128xi32, #tpu.memory_space<hbm>> -> memref<1x1x2x128xi32, #tpu.memory_space<hbm>>
      %dma_wait3A_81 = tpu.memref_squeeze %dma_wait3A_80 : memref<1x1x2x128xi32, #tpu.memory_space<hbm>> -> memref<2x128xi32, #tpu.memory_space<hbm>>
      %dma_wait3A_82 = arith.constant 0 : i32
      %dma_wait3A_83 = arith.constant 0 : i32
      %dma_wait3A_84 = tpu.memref_slice %arg5[%run_scoped3A_18, %dma_wait3A_82, %dma_wait3A_83] : memref<3x2x128xi32, #tpu.memory_space<vmem>> -> memref<1x2x128xi32, #tpu.memory_space<vmem>>
      %dma_wait3A_85 = tpu.memref_squeeze %dma_wait3A_84 : memref<1x2x128xi32, #tpu.memory_space<vmem>> -> memref<2x128xi32, #tpu.memory_space<vmem>>
      %dma_wait3A_86 = arith.constant 0 : i32
      %dma_wait3A_87 = arith.constant 0 : i32
      %dma_wait3A_88 = tpu.memref_slice %arg3[%add3A, %run_scoped3A, %dma_wait3A_86, %dma_wait3A_87] : memref<32x79x2x128xi32, #tpu.memory_space<hbm>> -> memref<1x1x2x128xi32, #tpu.memory_space<hbm>>
      %dma_wait3A_89 = tpu.memref_squeeze %dma_wait3A_88 : memref<1x1x2x128xi32, #tpu.memory_space<hbm>> -> memref<2x128xi32, #tpu.memory_space<hbm>>
      tpu.wait_dma2 semaphore(%run_scoped3A_58 : memref<!tpu.dma_semaphore, #tpu.memory_space<semaphore_mem>>) src(%dma_wait3A_89 : memref<2x128xi32, #tpu.memory_space<hbm>>) dst(%dma_wait3A_85 : memref<2x128xi32, #tpu.memory_space<vmem>>)
      tpu.yield
    }) : () -> ()
    %run_scoped3A_19 = arith.constant 1 : i32
    %run_scoped3A_20 = arith.constant 1 : i32
    "tpu.region"() ({
      %run_scoped3A_58 = tpu.sem_alloc : memref<!tpu.dma_semaphore, #tpu.memory_space<semaphore_mem>>
      %dma_start3A_59 = arith.constant 0 : i32
      %dma_start3A_60 = arith.constant 0 : i32
      %dma_start3A_61 = tpu.memref_slice %arg5[%run_scoped3A_20, %dma_start3A_59, %dma_start3A_60] : memref<3x2x128xi32, #tpu.memory_space<vmem>> -> memref<1x2x128xi32, #tpu.memory_space<vmem>>
      %dma_start3A_62 = tpu.memref_squeeze %dma_start3A_61 : memref<1x2x128xi32, #tpu.memory_space<vmem>> -> memref<2x128xi32, #tpu.memory_space<vmem>>
      %dma_start3A_63 = arith.constant 0 : i32
      %dma_start3A_64 = arith.constant 0 : i32
      %dma_start3A_65 = tpu.memref_slice %arg3[%add3A, %run_scoped3A_19, %dma_start3A_63, %dma_start3A_64] : memref<32x79x2x128xi32, #tpu.memory_space<hbm>> -> memref<1x1x2x128xi32, #tpu.memory_space<hbm>>
      %dma_start3A_66 = tpu.memref_squeeze %dma_start3A_65 : memref<1x1x2x128xi32, #tpu.memory_space<hbm>> -> memref<2x128xi32, #tpu.memory_space<hbm>>
      %dma_start3A_67 = arith.constant 0 : i32
      %dma_start3A_68 = arith.constant 0 : i32
      %dma_start3A_69 = tpu.memref_slice %arg5[%run_scoped3A_20, %dma_start3A_67, %dma_start3A_68] : memref<3x2x128xi32, #tpu.memory_space<vmem>> -> memref<1x2x128xi32, #tpu.memory_space<vmem>>
      %dma_start3A_70 = tpu.memref_squeeze %dma_start3A_69 : memref<1x2x128xi32, #tpu.memory_space<vmem>> -> memref<2x128xi32, #tpu.memory_space<vmem>>
      %dma_start3A_71 = arith.constant 0 : i32
      %dma_start3A_72 = arith.constant 0 : i32
      %dma_start3A_73 = tpu.memref_slice %arg3[%add3A, %run_scoped3A_19, %dma_start3A_71, %dma_start3A_72] : memref<32x79x2x128xi32, #tpu.memory_space<hbm>> -> memref<1x1x2x128xi32, #tpu.memory_space<hbm>>
      %dma_start3A_74 = tpu.memref_squeeze %dma_start3A_73 : memref<1x1x2x128xi32, #tpu.memory_space<hbm>> -> memref<2x128xi32, #tpu.memory_space<hbm>>
      tpu.enqueue_dma source(%dma_start3A_74 : memref<2x128xi32, #tpu.memory_space<hbm>>) target(%dma_start3A_70 : memref<2x128xi32, #tpu.memory_space<vmem>>) target_semaphore(%run_scoped3A_58 : memref<!tpu.dma_semaphore, #tpu.memory_space<semaphore_mem>>)
      %dma_wait3A = arith.constant 0 : i32
      %dma_wait3A_75 = arith.constant 0 : i32
      %dma_wait3A_76 = tpu.memref_slice %arg5[%run_scoped3A_20, %dma_wait3A, %dma_wait3A_75] : memref<3x2x128xi32, #tpu.memory_space<vmem>> -> memref<1x2x128xi32, #tpu.memory_space<vmem>>
      %dma_wait3A_77 = tpu.memref_squeeze %dma_wait3A_76 : memref<1x2x128xi32, #tpu.memory_space<vmem>> -> memref<2x128xi32, #tpu.memory_space<vmem>>
      %dma_wait3A_78 = arith.constant 0 : i32
      %dma_wait3A_79 = arith.constant 0 : i32
      %dma_wait3A_80 = tpu.memref_slice %arg3[%add3A, %run_scoped3A_19, %dma_wait3A_78, %dma_wait3A_79] : memref<32x79x2x128xi32, #tpu.memory_space<hbm>> -> memref<1x1x2x128xi32, #tpu.memory_space<hbm>>
      %dma_wait3A_81 = tpu.memref_squeeze %dma_wait3A_80 : memref<1x1x2x128xi32, #tpu.memory_space<hbm>> -> memref<2x128xi32, #tpu.memory_space<hbm>>
      %dma_wait3A_82 = arith.constant 0 : i32
      %dma_wait3A_83 = arith.constant 0 : i32
      %dma_wait3A_84 = tpu.memref_slice %arg5[%run_scoped3A_20, %dma_wait3A_82, %dma_wait3A_83] : memref<3x2x128xi32, #tpu.memory_space<vmem>> -> memref<1x2x128xi32, #tpu.memory_space<vmem>>
      %dma_wait3A_85 = tpu.memref_squeeze %dma_wait3A_84 : memref<1x2x128xi32, #tpu.memory_space<vmem>> -> memref<2x128xi32, #tpu.memory_space<vmem>>
      %dma_wait3A_86 = arith.constant 0 : i32
      %dma_wait3A_87 = arith.constant 0 : i32
      %dma_wait3A_88 = tpu.memref_slice %arg3[%add3A, %run_scoped3A_19, %dma_wait3A_86, %dma_wait3A_87] : memref<32x79x2x128xi32, #tpu.memory_space<hbm>> -> memref<1x1x2x128xi32, #tpu.memory_space<hbm>>
      %dma_wait3A_89 = tpu.memref_squeeze %dma_wait3A_88 : memref<1x1x2x128xi32, #tpu.memory_space<hbm>> -> memref<2x128xi32, #tpu.memory_space<hbm>>
      tpu.wait_dma2 semaphore(%run_scoped3A_58 : memref<!tpu.dma_semaphore, #tpu.memory_space<semaphore_mem>>) src(%dma_wait3A_89 : memref<2x128xi32, #tpu.memory_space<hbm>>) dst(%dma_wait3A_85 : memref<2x128xi32, #tpu.memory_space<vmem>>)
      tpu.yield
    }) : () -> ()
    %run_scoped3A_21 = arith.constant 2 : i32
    %run_scoped3A_22 = arith.constant 2 : i32
    "tpu.region"() ({
      %run_scoped3A_58 = tpu.sem_alloc : memref<!tpu.dma_semaphore, #tpu.memory_space<semaphore_mem>>
      %dma_start3A_59 = arith.constant 0 : i32
      %dma_start3A_60 = arith.constant 0 : i32
      %dma_start3A_61 = tpu.memref_slice %arg5[%run_scoped3A_22, %dma_start3A_59, %dma_start3A_60] : memref<3x2x128xi32, #tpu.memory_space<vmem>> -> memref<1x2x128xi32, #tpu.memory_space<vmem>>
      %dma_start3A_62 = tpu.memref_squeeze %dma_start3A_61 : memref<1x2x128xi32, #tpu.memory_space<vmem>> -> memref<2x128xi32, #tpu.memory_space<vmem>>
      %dma_start3A_63 = arith.constant 0 : i32
      %dma_start3A_64 = arith.constant 0 : i32
      %dma_start3A_65 = tpu.memref_slice %arg3[%add3A, %run_scoped3A_21, %dma_start3A_63, %dma_start3A_64] : memref<32x79x2x128xi32, #tpu.memory_space<hbm>> -> memref<1x1x2x128xi32, #tpu.memory_space<hbm>>
      %dma_start3A_66 = tpu.memref_squeeze %dma_start3A_65 : memref<1x1x2x128xi32, #tpu.memory_space<hbm>> -> memref<2x128xi32, #tpu.memory_space<hbm>>
      %dma_start3A_67 = arith.constant 0 : i32
      %dma_start3A_68 = arith.constant 0 : i32
      %dma_start3A_69 = tpu.memref_slice %arg5[%run_scoped3A_22, %dma_start3A_67, %dma_start3A_68] : memref<3x2x128xi32, #tpu.memory_space<vmem>> -> memref<1x2x128xi32, #tpu.memory_space<vmem>>
      %dma_start3A_70 = tpu.memref_squeeze %dma_start3A_69 : memref<1x2x128xi32, #tpu.memory_space<vmem>> -> memref<2x128xi32, #tpu.memory_space<vmem>>
      %dma_start3A_71 = arith.constant 0 : i32
      %dma_start3A_72 = arith.constant 0 : i32
      %dma_start3A_73 = tpu.memref_slice %arg3[%add3A, %run_scoped3A_21, %dma_start3A_71, %dma_start3A_72] : memref<32x79x2x128xi32, #tpu.memory_space<hbm>> -> memref<1x1x2x128xi32, #tpu.memory_space<hbm>>
      %dma_start3A_74 = tpu.memref_squeeze %dma_start3A_73 : memref<1x1x2x128xi32, #tpu.memory_space<hbm>> -> memref<2x128xi32, #tpu.memory_space<hbm>>
      tpu.enqueue_dma source(%dma_start3A_74 : memref<2x128xi32, #tpu.memory_space<hbm>>) target(%dma_start3A_70 : memref<2x128xi32, #tpu.memory_space<vmem>>) target_semaphore(%run_scoped3A_58 : memref<!tpu.dma_semaphore, #tpu.memory_space<semaphore_mem>>)
      %dma_wait3A = arith.constant 0 : i32
      %dma_wait3A_75 = arith.constant 0 : i32
      %dma_wait3A_76 = tpu.memref_slice %arg5[%run_scoped3A_22, %dma_wait3A, %dma_wait3A_75] : memref<3x2x128xi32, #tpu.memory_space<vmem>> -> memref<1x2x128xi32, #tpu.memory_space<vmem>>
      %dma_wait3A_77 = tpu.memref_squeeze %dma_wait3A_76 : memref<1x2x128xi32, #tpu.memory_space<vmem>> -> memref<2x128xi32, #tpu.memory_space<vmem>>
      %dma_wait3A_78 = arith.constant 0 : i32
      %dma_wait3A_79 = arith.constant 0 : i32
      %dma_wait3A_80 = tpu.memref_slice %arg3[%add3A, %run_scoped3A_21, %dma_wait3A_78, %dma_wait3A_79] : memref<32x79x2x128xi32, #tpu.memory_space<hbm>> -> memref<1x1x2x128xi32, #tpu.memory_space<hbm>>
      %dma_wait3A_81 = tpu.memref_squeeze %dma_wait3A_80 : memref<1x1x2x128xi32, #tpu.memory_space<hbm>> -> memref<2x128xi32, #tpu.memory_space<hbm>>
      %dma_wait3A_82 = arith.constant 0 : i32
      %dma_wait3A_83 = arith.constant 0 : i32
      %dma_wait3A_84 = tpu.memref_slice %arg5[%run_scoped3A_22, %dma_wait3A_82, %dma_wait3A_83] : memref<3x2x128xi32, #tpu.memory_space<vmem>> -> memref<1x2x128xi32, #tpu.memory_space<vmem>>
      %dma_wait3A_85 = tpu.memref_squeeze %dma_wait3A_84 : memref<1x2x128xi32, #tpu.memory_space<vmem>> -> memref<2x128xi32, #tpu.memory_space<vmem>>
      %dma_wait3A_86 = arith.constant 0 : i32
      %dma_wait3A_87 = arith.constant 0 : i32
      %dma_wait3A_88 = tpu.memref_slice %arg3[%add3A, %run_scoped3A_21, %dma_wait3A_86, %dma_wait3A_87] : memref<32x79x2x128xi32, #tpu.memory_space<hbm>> -> memref<1x1x2x128xi32, #tpu.memory_space<hbm>>
      %dma_wait3A_89 = tpu.memref_squeeze %dma_wait3A_88 : memref<1x1x2x128xi32, #tpu.memory_space<hbm>> -> memref<2x128xi32, #tpu.memory_space<hbm>>
      tpu.wait_dma2 semaphore(%run_scoped3A_58 : memref<!tpu.dma_semaphore, #tpu.memory_space<semaphore_mem>>) src(%dma_wait3A_89 : memref<2x128xi32, #tpu.memory_space<hbm>>) dst(%dma_wait3A_85 : memref<2x128xi32, #tpu.memory_space<vmem>>)
      tpu.yield
    }) : () -> ()
    %dma_start3A = arith.constant 0 : i32
    %dma_start3A_23 = arith.constant 0 : i32
    %dma_start3A_24 = arith.constant 0 : i32
    %dma_start3A_25 = arith.constant 0 : i32
    %dma_start3A_26 = arith.constant 0 : i32
    %dma_start3A_27 = tpu.memref_slice %arg6[%dma_start3A_25, %dma_start3A_26] : memref<384x128xf32, #tpu.memory_space<vmem>> -> memref<128x128xf32, #tpu.memory_space<vmem>>
    %dma_start3A_28 = arith.constant 0 : i32
    %dma_start3A_29 = tpu.memref_slice %arg5[%dma_start3A, %dma_start3A_23, %dma_start3A_28] : memref<3x2x128xi32, #tpu.memory_space<vmem>> -> memref<1x1x128xi32, #tpu.memory_space<vmem>>
    %dma_start3A_30 = tpu.memref_squeeze %dma_start3A_29 : memref<1x1x128xi32, #tpu.memory_space<vmem>> -> memref<128xi32, #tpu.memory_space<vmem>>
    %dma_start3A_31 = arith.constant 0 : i32
    %dma_start3A_32 = arith.constant 0 : i32
    %dma_start3A_33 = tpu.memref_slice %arg2[%dma_start3A_31, %dma_start3A_32] : memref<10000x128xf32, #tpu.memory_space<hbm>> -> memref<10000x128xf32, #tpu.memory_space<hbm>>
    %dma_start3A_34 = tpu.memref_slice %arg8[%dma_start3A_24] : memref<3x!tpu.dma_semaphore, #tpu.memory_space<semaphore_mem>> -> memref<1x!tpu.dma_semaphore, #tpu.memory_space<semaphore_mem>>
    %dma_start3A_35 = tpu.memref_squeeze %dma_start3A_34 : memref<1x!tpu.dma_semaphore, #tpu.memory_space<semaphore_mem>> -> memref<!tpu.dma_semaphore, #tpu.memory_space<semaphore_mem>>
    tpu.enqueue_indirect_dma source(%dma_start3A_33 : memref<10000x128xf32, #tpu.memory_space<hbm>>) target(%dma_start3A_27 : memref<128x128xf32, #tpu.memory_space<vmem>>) offsets(%dma_start3A_30 : memref<128xi32, #tpu.memory_space<vmem>>) semaphore(%dma_start3A_35 : memref<!tpu.dma_semaphore, #tpu.memory_space<semaphore_mem>>)
    %dma_start3A_36 = arith.constant 1 : i32
    %dma_start3A_37 = arith.constant 0 : i32
    %dma_start3A_38 = arith.constant 1 : i32
    %dma_start3A_39 = arith.constant 128 : i32
    %dma_start3A_40 = arith.constant 0 : i32
    %dma_start3A_41 = tpu.memref_slice %arg6[%dma_start3A_39, %dma_start3A_40] : memref<384x128xf32, #tpu.memory_space<vmem>> -> memref<128x128xf32, #tpu.memory_space<vmem>>
    %dma_start3A_42 = arith.constant 0 : i32
    %dma_start3A_43 = tpu.memref_slice %arg5[%dma_start3A_36, %dma_start3A_37, %dma_start3A_42] : memref<3x2x128xi32, #tpu.memory_space<vmem>> -> memref<1x1x128xi32, #tpu.memory_space<vmem>>
    %dma_start3A_44 = tpu.memref_squeeze %dma_start3A_43 : memref<1x1x128xi32, #tpu.memory_space<vmem>> -> memref<128xi32, #tpu.memory_space<vmem>>
    %dma_start3A_45 = arith.constant 0 : i32
    %dma_start3A_46 = arith.constant 0 : i32
    %dma_start3A_47 = tpu.memref_slice %arg2[%dma_start3A_45, %dma_start3A_46] : memref<10000x128xf32, #tpu.memory_space<hbm>> -> memref<10000x128xf32, #tpu.memory_space<hbm>>
    %dma_start3A_48 = tpu.memref_slice %arg8[%dma_start3A_38] : memref<3x!tpu.dma_semaphore, #tpu.memory_space<semaphore_mem>> -> memref<1x!tpu.dma_semaphore, #tpu.memory_space<semaphore_mem>>
    %dma_start3A_49 = tpu.memref_squeeze %dma_start3A_48 : memref<1x!tpu.dma_semaphore, #tpu.memory_space<semaphore_mem>> -> memref<!tpu.dma_semaphore, #tpu.memory_space<semaphore_mem>>
    tpu.enqueue_indirect_dma source(%dma_start3A_47 : memref<10000x128xf32, #tpu.memory_space<hbm>>) target(%dma_start3A_41 : memref<128x128xf32, #tpu.memory_space<vmem>>) offsets(%dma_start3A_44 : memref<128xi32, #tpu.memory_space<vmem>>) semaphore(%dma_start3A_49 : memref<!tpu.dma_semaphore, #tpu.memory_space<semaphore_mem>>)
    %scan3A_50 = arith.constant 0 : i32
    %scan3A_51 = arith.constant 79 : i32
    %scan3A_52 = arith.addi %scan3A_50, %scan3A_51 : i32
    %scan3A_53 = arith.constant 1 : i32
    scf.for %scan3A_58 = %scan3A_50 to %scan3A_52 step %scan3A_53  : i32 {
      %mul3A_59 = arith.constant 1 : i32
      %mul3A_60 = arith.muli %scan3A_58, %mul3A_59 : i32
      %add3A_61 = arith.constant 0 : i32
      %add3A_62 = arith.addi %add3A_61, %mul3A_60 : i32
      %rem3A = arith.constant 3 : i32
      %rem3A_63 = arith.remsi %add3A_62, %rem3A : i32
      %add3A_64 = arith.constant 2 : i32
      %add3A_65 = arith.addi %add3A_62, %add3A_64 : i32
      %rem3A_66 = arith.constant 3 : i32
      %rem3A_67 = arith.remsi %add3A_65, %rem3A_66 : i32
      %mul3A_68 = arith.constant 128 : i32
      %mul3A_69 = arith.muli %rem3A_63, %mul3A_68 : i32
      %dma_wait3A = arith.constant 0 : i32
      %dma_wait3A_70 = arith.constant 0 : i32
      %dma_wait3A_71 = tpu.memref_slice %arg6[%mul3A_69, %dma_wait3A_70] : memref<384x128xf32, #tpu.memory_space<vmem>> -> memref<128x128xf32, #tpu.memory_space<vmem>>
      %dma_wait3A_72 = arith.constant 0 : i32
      %dma_wait3A_73 = tpu.memref_slice %arg5[%rem3A_63, %dma_wait3A, %dma_wait3A_72] : memref<3x2x128xi32, #tpu.memory_space<vmem>> -> memref<1x1x128xi32, #tpu.memory_space<vmem>>
      %dma_wait3A_74 = tpu.memref_squeeze %dma_wait3A_73 : memref<1x1x128xi32, #tpu.memory_space<vmem>> -> memref<128xi32, #tpu.memory_space<vmem>>
      %dma_wait3A_75 = arith.constant 0 : i32
      %dma_wait3A_76 = arith.constant 0 : i32
      %dma_wait3A_77 = tpu.memref_slice %arg2[%dma_wait3A_75, %dma_wait3A_76] : memref<10000x128xf32, #tpu.memory_space<hbm>> -> memref<10000x128xf32, #tpu.memory_space<hbm>>
      %dma_wait3A_78 = tpu.memref_slice %arg8[%rem3A_63] : memref<3x!tpu.dma_semaphore, #tpu.memory_space<semaphore_mem>> -> memref<1x!tpu.dma_semaphore, #tpu.memory_space<semaphore_mem>>
      %dma_wait3A_79 = tpu.memref_squeeze %dma_wait3A_78 : memref<1x!tpu.dma_semaphore, #tpu.memory_space<semaphore_mem>> -> memref<!tpu.dma_semaphore, #tpu.memory_space<semaphore_mem>>
      tpu.wait_indirect_dma semaphore(%dma_wait3A_79 : memref<!tpu.dma_semaphore, #tpu.memory_space<semaphore_mem>>) src(%dma_wait3A_77 : memref<10000x128xf32, #tpu.memory_space<hbm>>) dst(%dma_wait3A_71 : memref<128x128xf32, #tpu.memory_space<vmem>>)
      %add3A_80 = arith.constant 2 : i32
      %add3A_81 = arith.addi %add3A_62, %add3A_80 : i32
      %lt3A = arith.constant 79 : i32
      %lt3A_82 = arith.cmpi slt, %add3A_81, %lt3A : i32
      %convert_element_type3A = arith.extui %lt3A_82 : i1 to i32
      %cond3A = arith.constant 0 : i32
      %cond3A_83 = arith.cmpi ne, %convert_element_type3A, %cond3A : i32
      scf.if %cond3A_83 {
        %ge3A = arith.constant 1 : i32
        %ge3A_94 = arith.cmpi sge, %add3A_62, %ge3A : i32
        %convert_element_type3A_95 = arith.extui %ge3A_94 : i1 to i32
        %cond3A_96 = arith.constant 0 : i32
        %cond3A_97 = arith.cmpi ne, %convert_element_type3A_95, %cond3A_96 : i32
        scf.if %cond3A_97 {
          %add3A_111 = arith.constant 2 : i32
          %add3A_112 = arith.addi %add3A_62, %add3A_111 : i32
          %dma_wait3A_113 = arith.constant 0 : i32
          %dma_wait3A_114 = arith.constant 0 : i32
          %dma_wait3A_115 = tpu.memref_slice %arg5[%rem3A_67, %dma_wait3A_113, %dma_wait3A_114] : memref<3x2x128xi32, #tpu.memory_space<vmem>> -> memref<1x2x128xi32, #tpu.memory_space<vmem>>
          %dma_wait3A_116 = tpu.memref_squeeze %dma_wait3A_115 : memref<1x2x128xi32, #tpu.memory_space<vmem>> -> memref<2x128xi32, #tpu.memory_space<vmem>>
          %dma_wait3A_117 = arith.constant 0 : i32
          %dma_wait3A_118 = arith.constant 0 : i32
          %dma_wait3A_119 = tpu.memref_slice %arg3[%add3A, %add3A_112, %dma_wait3A_117, %dma_wait3A_118] : memref<32x79x2x128xi32, #tpu.memory_space<hbm>> -> memref<1x1x2x128xi32, #tpu.memory_space<hbm>>
          %dma_wait3A_120 = tpu.memref_squeeze %dma_wait3A_119 : memref<1x1x2x128xi32, #tpu.memory_space<hbm>> -> memref<2x128xi32, #tpu.memory_space<hbm>>
          %dma_wait3A_121 = tpu.memref_slice %arg9[%rem3A_67] : memref<3x!tpu.dma_semaphore, #tpu.memory_space<semaphore_mem>> -> memref<1x!tpu.dma_semaphore, #tpu.memory_space<semaphore_mem>>
          %dma_wait3A_122 = tpu.memref_squeeze %dma_wait3A_121 : memref<1x!tpu.dma_semaphore, #tpu.memory_space<semaphore_mem>> -> memref<!tpu.dma_semaphore, #tpu.memory_space<semaphore_mem>>
          %dma_wait3A_123 = arith.constant 0 : i32
          %dma_wait3A_124 = arith.constant 0 : i32
          %dma_wait3A_125 = tpu.memref_slice %arg5[%rem3A_67, %dma_wait3A_123, %dma_wait3A_124] : memref<3x2x128xi32, #tpu.memory_space<vmem>> -> memref<1x2x128xi32, #tpu.memory_space<vmem>>
          %dma_wait3A_126 = tpu.memref_squeeze %dma_wait3A_125 : memref<1x2x128xi32, #tpu.memory_space<vmem>> -> memref<2x128xi32, #tpu.memory_space<vmem>>
          %dma_wait3A_127 = arith.constant 0 : i32
          %dma_wait3A_128 = arith.constant 0 : i32
          %dma_wait3A_129 = tpu.memref_slice %arg3[%add3A, %add3A_112, %dma_wait3A_127, %dma_wait3A_128] : memref<32x79x2x128xi32, #tpu.memory_space<hbm>> -> memref<1x1x2x128xi32, #tpu.memory_space<hbm>>
          %dma_wait3A_130 = tpu.memref_squeeze %dma_wait3A_129 : memref<1x1x2x128xi32, #tpu.memory_space<hbm>> -> memref<2x128xi32, #tpu.memory_space<hbm>>
          tpu.wait_dma2 semaphore(%dma_wait3A_122 : memref<!tpu.dma_semaphore, #tpu.memory_space<semaphore_mem>>) src(%dma_wait3A_130 : memref<2x128xi32, #tpu.memory_space<hbm>>) dst(%dma_wait3A_126 : memref<2x128xi32, #tpu.memory_space<vmem>>)
        } else {
        }
        %mul3A_98 = arith.constant 128 : i32
        %mul3A_99 = arith.muli %rem3A_67, %mul3A_98 : i32
        %dma_start3A_100 = arith.constant 0 : i32
        %dma_start3A_101 = arith.constant 0 : i32
        %dma_start3A_102 = tpu.memref_slice %arg6[%mul3A_99, %dma_start3A_101] : memref<384x128xf32, #tpu.memory_space<vmem>> -> memref<128x128xf32, #tpu.memory_space<vmem>>
        %dma_start3A_103 = arith.constant 0 : i32
        %dma_start3A_104 = tpu.memref_slice %arg5[%rem3A_67, %dma_start3A_100, %dma_start3A_103] : memref<3x2x128xi32, #tpu.memory_space<vmem>> -> memref<1x1x128xi32, #tpu.memory_space<vmem>>
        %dma_start3A_105 = tpu.memref_squeeze %dma_start3A_104 : memref<1x1x128xi32, #tpu.memory_space<vmem>> -> memref<128xi32, #tpu.memory_space<vmem>>
        %dma_start3A_106 = arith.constant 0 : i32
        %dma_start3A_107 = arith.constant 0 : i32
        %dma_start3A_108 = tpu.memref_slice %arg2[%dma_start3A_106, %dma_start3A_107] : memref<10000x128xf32, #tpu.memory_space<hbm>> -> memref<10000x128xf32, #tpu.memory_space<hbm>>
        %dma_start3A_109 = tpu.memref_slice %arg8[%rem3A_67] : memref<3x!tpu.dma_semaphore, #tpu.memory_space<semaphore_mem>> -> memref<1x!tpu.dma_semaphore, #tpu.memory_space<semaphore_mem>>
        %dma_start3A_110 = tpu.memref_squeeze %dma_start3A_109 : memref<1x!tpu.dma_semaphore, #tpu.memory_space<semaphore_mem>> -> memref<!tpu.dma_semaphore, #tpu.memory_space<semaphore_mem>>
        tpu.enqueue_indirect_dma source(%dma_start3A_108 : memref<10000x128xf32, #tpu.memory_space<hbm>>) target(%dma_start3A_102 : memref<128x128xf32, #tpu.memory_space<vmem>>) offsets(%dma_start3A_105 : memref<128xi32, #tpu.memory_space<vmem>>) semaphore(%dma_start3A_110 : memref<!tpu.dma_semaphore, #tpu.memory_space<semaphore_mem>>)
      } else {
      }
      %mul3A_84 = arith.constant 128 : i32
      %mul3A_85 = arith.muli %rem3A_63, %mul3A_84 : i32
      %run_scoped3A_86 = arith.constant 1 : i32
      "tpu.region"() ({
        %run_scoped3A_94 = tpu.sem_alloc : memref<!tpu.dma_semaphore, #tpu.memory_space<semaphore_mem>>
        %dma_start3A_95 = arith.constant 0 : i32
        %dma_start3A_96 = tpu.memref_slice %arg6[%mul3A_85, %dma_start3A_95] : memref<384x128xf32, #tpu.memory_space<vmem>> -> memref<128x128xf32, #tpu.memory_space<vmem>>
        %dma_start3A_97 = arith.constant 0 : i32
        %dma_start3A_98 = tpu.memref_slice %arg5[%rem3A_63, %run_scoped3A_86, %dma_start3A_97] : memref<3x2x128xi32, #tpu.memory_space<vmem>> -> memref<1x1x128xi32, #tpu.memory_space<vmem>>
        %dma_start3A_99 = tpu.memref_squeeze %dma_start3A_98 : memref<1x1x128xi32, #tpu.memory_space<vmem>> -> memref<128xi32, #tpu.memory_space<vmem>>
        %dma_start3A_100 = arith.constant 0 : i32
        %dma_start3A_101 = arith.constant 0 : i32
        %dma_start3A_102 = tpu.memref_slice %arg7[%dma_start3A_100, %dma_start3A_101] : memref<10112x128xf32, #tpu.memory_space<vmem_shared>> -> memref<10112x128xf32, #tpu.memory_space<vmem_shared>>
        tpu.enqueue_indirect_dma source(%dma_start3A_96 : memref<128x128xf32, #tpu.memory_space<vmem>>) target(%dma_start3A_102 : memref<10112x128xf32, #tpu.memory_space<vmem_shared>>) offsets(%dma_start3A_99 : memref<128xi32, #tpu.memory_space<vmem>>) semaphore(%run_scoped3A_94 : memref<!tpu.dma_semaphore, #tpu.memory_space<semaphore_mem>>) {add = true}
        %dma_wait3A_103 = arith.constant 0 : i32
        %dma_wait3A_104 = tpu.memref_slice %arg6[%mul3A_85, %dma_wait3A_103] : memref<384x128xf32, #tpu.memory_space<vmem>> -> memref<128x128xf32, #tpu.memory_space<vmem>>
        %dma_wait3A_105 = arith.constant 0 : i32
        %dma_wait3A_106 = tpu.memref_slice %arg5[%rem3A_63, %run_scoped3A_86, %dma_wait3A_105] : memref<3x2x128xi32, #tpu.memory_space<vmem>> -> memref<1x1x128xi32, #tpu.memory_space<vmem>>
        %dma_wait3A_107 = tpu.memref_squeeze %dma_wait3A_106 : memref<1x1x128xi32, #tpu.memory_space<vmem>> -> memref<128xi32, #tpu.memory_space<vmem>>
        %dma_wait3A_108 = arith.constant 0 : i32
        %dma_wait3A_109 = arith.constant 0 : i32
        %dma_wait3A_110 = tpu.memref_slice %arg7[%dma_wait3A_108, %dma_wait3A_109] : memref<10112x128xf32, #tpu.memory_space<vmem_shared>> -> memref<10112x128xf32, #tpu.memory_space<vmem_shared>>
        tpu.wait_indirect_dma semaphore(%run_scoped3A_94 : memref<!tpu.dma_semaphore, #tpu.memory_space<semaphore_mem>>) src(%dma_wait3A_104 : memref<128x128xf32, #tpu.memory_space<vmem>>) dst(%dma_wait3A_110 : memref<10112x128xf32, #tpu.memory_space<vmem_shared>>)
        tpu.yield
      }) : () -> ()
      %add3A_87 = arith.constant 3 : i32
      %add3A_88 = arith.addi %add3A_62, %add3A_87 : i32
      %lt3A_89 = arith.constant 79 : i32
      %lt3A_90 = arith.cmpi slt, %add3A_88, %lt3A_89 : i32
      %convert_element_type3A_91 = arith.extui %lt3A_90 : i1 to i32
      %cond3A_92 = arith.constant 0 : i32
      %cond3A_93 = arith.cmpi ne, %convert_element_type3A_91, %cond3A_92 : i32
      scf.if %cond3A_93 {
        %add3A_94 = arith.constant 3 : i32
        %add3A_95 = arith.addi %add3A_62, %add3A_94 : i32
        %dma_start3A_96 = arith.constant 0 : i32
        %dma_start3A_97 = arith.constant 0 : i32
        %dma_start3A_98 = tpu.memref_slice %arg5[%rem3A_63, %dma_start3A_96, %dma_start3A_97] : memref<3x2x128xi32, #tpu.memory_space<vmem>> -> memref<1x2x128xi32, #tpu.memory_space<vmem>>
        %dma_start3A_99 = tpu.memref_squeeze %dma_start3A_98 : memref<1x2x128xi32, #tpu.memory_space<vmem>> -> memref<2x128xi32, #tpu.memory_space<vmem>>
        %dma_start3A_100 = arith.constant 0 : i32
        %dma_start3A_101 = arith.constant 0 : i32
        %dma_start3A_102 = tpu.memref_slice %arg3[%add3A, %add3A_95, %dma_start3A_100, %dma_start3A_101] : memref<32x79x2x128xi32, #tpu.memory_space<hbm>> -> memref<1x1x2x128xi32, #tpu.memory_space<hbm>>
        %dma_start3A_103 = tpu.memref_squeeze %dma_start3A_102 : memref<1x1x2x128xi32, #tpu.memory_space<hbm>> -> memref<2x128xi32, #tpu.memory_space<hbm>>
        %dma_start3A_104 = tpu.memref_slice %arg9[%rem3A_63] : memref<3x!tpu.dma_semaphore, #tpu.memory_space<semaphore_mem>> -> memref<1x!tpu.dma_semaphore, #tpu.memory_space<semaphore_mem>>
        %dma_start3A_105 = tpu.memref_squeeze %dma_start3A_104 : memref<1x!tpu.dma_semaphore, #tpu.memory_space<semaphore_mem>> -> memref<!tpu.dma_semaphore, #tpu.memory_space<semaphore_mem>>
        %dma_start3A_106 = arith.constant 0 : i32
        %dma_start3A_107 = arith.constant 0 : i32
        %dma_start3A_108 = tpu.memref_slice %arg5[%rem3A_63, %dma_start3A_106, %dma_start3A_107] : memref<3x2x128xi32, #tpu.memory_space<vmem>> -> memref<1x2x128xi32, #tpu.memory_space<vmem>>
        %dma_start3A_109 = tpu.memref_squeeze %dma_start3A_108 : memref<1x2x128xi32, #tpu.memory_space<vmem>> -> memref<2x128xi32, #tpu.memory_space<vmem>>
        %dma_start3A_110 = arith.constant 0 : i32
        %dma_start3A_111 = arith.constant 0 : i32
        %dma_start3A_112 = tpu.memref_slice %arg3[%add3A, %add3A_95, %dma_start3A_110, %dma_start3A_111] : memref<32x79x2x128xi32, #tpu.memory_space<hbm>> -> memref<1x1x2x128xi32, #tpu.memory_space<hbm>>
        %dma_start3A_113 = tpu.memref_squeeze %dma_start3A_112 : memref<1x1x2x128xi32, #tpu.memory_space<hbm>> -> memref<2x128xi32, #tpu.memory_space<hbm>>
        tpu.enqueue_dma source(%dma_start3A_113 : memref<2x128xi32, #tpu.memory_space<hbm>>) target(%dma_start3A_109 : memref<2x128xi32, #tpu.memory_space<vmem>>) target_semaphore(%dma_start3A_105 : memref<!tpu.dma_semaphore, #tpu.memory_space<semaphore_mem>>)
      } else {
      }
    }
    %scan3A_54 = arith.constant 79 : i32
    %barrier3A_55 = arith.constant 0 : index
    tpu.barrier barrier_id(%barrier3A_55)
    %mul3A_56 = arith.constant 632 : i32
    %mul3A_57 = arith.muli %arg1, %mul3A_56 : i32
    "tpu.region"() ({
      %run_scoped3A_58 = tpu.sem_alloc : memref<!tpu.dma_semaphore, #tpu.memory_space<semaphore_mem>>
      %dma_start3A_59 = arith.constant 0 : i32
      %dma_start3A_60 = tpu.memref_slice %arg4[%arg0, %mul3A_57, %dma_start3A_59] : memref<2x10112x128xf32, #tpu.memory_space<hbm>> -> memref<1x632x128xf32, #tpu.memory_space<hbm>>
      %dma_start3A_61 = tpu.memref_squeeze %dma_start3A_60 : memref<1x632x128xf32, #tpu.memory_space<hbm>> -> memref<632x128xf32, #tpu.memory_space<hbm>>
      %dma_start3A_62 = arith.constant 0 : i32
      %dma_start3A_63 = tpu.memref_slice %arg7[%mul3A_57, %dma_start3A_62] : memref<10112x128xf32, #tpu.memory_space<vmem_shared>> -> memref<632x128xf32, #tpu.memory_space<vmem_shared>>
      tpu.enqueue_dma source(%dma_start3A_63 : memref<632x128xf32, #tpu.memory_space<vmem_shared>>) target(%dma_start3A_61 : memref<632x128xf32, #tpu.memory_space<hbm>>) target_semaphore(%run_scoped3A_58 : memref<!tpu.dma_semaphore, #tpu.memory_space<semaphore_mem>>)
      %dma_wait3A = arith.constant 0 : i32
      %dma_wait3A_64 = tpu.memref_slice %arg4[%arg0, %mul3A_57, %dma_wait3A] : memref<2x10112x128xf32, #tpu.memory_space<hbm>> -> memref<1x632x128xf32, #tpu.memory_space<hbm>>
      %dma_wait3A_65 = tpu.memref_squeeze %dma_wait3A_64 : memref<1x632x128xf32, #tpu.memory_space<hbm>> -> memref<632x128xf32, #tpu.memory_space<hbm>>
      %dma_wait3A_66 = arith.constant 0 : i32
      %dma_wait3A_67 = tpu.memref_slice %arg7[%mul3A_57, %dma_wait3A_66] : memref<10112x128xf32, #tpu.memory_space<vmem_shared>> -> memref<632x128xf32, #tpu.memory_space<vmem_shared>>
      tpu.wait_dma2 semaphore(%run_scoped3A_58 : memref<!tpu.dma_semaphore, #tpu.memory_space<semaphore_mem>>) src(%dma_wait3A_67 : memref<632x128xf32, #tpu.memory_space<vmem_shared>>) dst(%dma_wait3A_65 : memref<632x128xf32, #tpu.memory_space<hbm>>)
      tpu.yield
    }) : () -> ()
    return
  }
}

module attributes {stable_mosaic.version = 14 : i64} {
  func.func @_k1_body(%arg0: i32, %arg1: memref<1000x128xf32, #tpu.memory_space<vmem>>, %arg2: memref<128x128xf32, #tpu.memory_space<vmem>>, %arg3: memref<1000x1xf32, #tpu.memory_space<vmem>>, %arg4: memref<1000x1xf32, #tpu.memory_space<vmem>>, %arg5: memref<1000x128xf32, #tpu.memory_space<vmem>>, %arg6: memref<1000x1xf32, #tpu.memory_space<vmem>>, %arg7: memref<1x128xf32, #tpu.memory_space<vmem>>) attributes {dimension_semantics = [#tpu.dimension_semantics<arbitrary>], iteration_bounds = array<i64: 10>, scalar_prefetch = 0 : i64, scratch_operands = 0 : i64, tpu.core_type = #tpu.core_type<tc>, window_params = [{transform_indices = @transform_0, window_bounds = array<i64: 1000, 128>}, {pipeline_mode = #tpu.pipeline_mode<synchronous>, transform_indices = @transform_1, window_bounds = array<i64: 128, 128>}, {transform_indices = @transform_2, window_bounds = array<i64: 1000, 1>}, {transform_indices = @transform_3, window_bounds = array<i64: 1000, 1>}, {transform_indices = @transform_4, window_bounds = array<i64: 1000, 128>}, {transform_indices = @transform_5, window_bounds = array<i64: 1000, 1>}, {pipeline_mode = #tpu.pipeline_mode<synchronous>, transform_indices = @transform_6, window_bounds = array<i64: 1, 128>}]} {
    %get3A = arith.constant 0 : index
    %get3A_0 = arith.constant 0 : index
    %get3A_1 = vector.load %arg1[%get3A, %get3A_0] : memref<1000x128xf32, #tpu.memory_space<vmem>>, vector<1000x128xf32>
    %eq3A = arith.constant 0 : i32
    %eq3A_2 = arith.cmpi eq, %arg0, %eq3A : i32
    %convert_element_type3A = arith.extui %eq3A_2 : i1 to i32
    %cond3A = arith.constant 0 : i32
    %cond3A_3 = arith.cmpi ne, %convert_element_type3A, %cond3A : i32
    scf.if %cond3A_3 {
      %broadcast_in_dim3A_31 = arith.constant 0.000000e+00 : f32
      %broadcast_in_dim3A_32 = vector.broadcast %broadcast_in_dim3A_31 : f32 to vector<1x128xf32>
      %swap3A_33 = arith.constant 0 : index
      %swap3A_34 = arith.constant 0 : index
      %swap3A_35 = vector.load %arg7[%swap3A_33, %swap3A_34] : memref<1x128xf32, #tpu.memory_space<vmem>>, vector<1x128xf32>
      tpu.vector_store %arg7[%swap3A_33, %swap3A_34], %broadcast_in_dim3A_32 {strides = array<i32>} : memref<1x128xf32, #tpu.memory_space<vmem>>, vector<1x128xf32>,
    } else {
    }
    %get3A_4 = arith.constant 0 : index
    %get3A_5 = arith.constant 0 : index
    %get3A_6 = vector.load %arg7[%get3A_4, %get3A_5] : memref<1x128xf32, #tpu.memory_space<vmem>>, vector<1x128xf32>
    %reduce_sum3A = arith.constant dense<0.000000e+00> : vector<128xf32>
    %reduce_sum3A_7 = vector.multi_reduction <add>, %get3A_1, %reduce_sum3A [0] : vector<1000x128xf32> to vector<128xf32>
    %broadcast_in_dim3A = vector.shape_cast %reduce_sum3A_7 : vector<128xf32> to vector<1x128xf32>
    %add3A = arith.addf %get3A_6, %broadcast_in_dim3A : vector<1x128xf32>
    %swap3A = arith.constant 0 : index
    %swap3A_8 = arith.constant 0 : index
    %swap3A_9 = vector.load %arg7[%swap3A, %swap3A_8] : memref<1x128xf32, #tpu.memory_space<vmem>>, vector<1x128xf32>
    tpu.vector_store %arg7[%swap3A, %swap3A_8], %add3A {strides = array<i32>} : memref<1x128xf32, #tpu.memory_space<vmem>>, vector<1x128xf32>,
    %get3A_10 = arith.constant 0 : index
    %get3A_11 = arith.constant 0 : index
    %get3A_12 = vector.load %arg3[%get3A_10, %get3A_11] : memref<1000x1xf32, #tpu.memory_space<vmem>>, vector<1000x1xf32>
    %get3A_13 = arith.constant 0 : index
    %get3A_14 = arith.constant 0 : index
    %get3A_15 = vector.load %arg4[%get3A_13, %get3A_14] : memref<1000x1xf32, #tpu.memory_space<vmem>>, vector<1000x1xf32>
    %add3A_16 = arith.addf %get3A_12, %get3A_15 : vector<1000x1xf32>
    %add3A_17 = arith.constant 1.000000e+00 : f32
    %add3A_18 = vector.broadcast %add3A_17 : f32 to vector<1000x1xf32>
    %add3A_19 = arith.addf %add3A_16, %add3A_18 : vector<1000x1xf32>
    %rsqrt3A = math.rsqrt %add3A_19 : vector<1000x1xf32>
    %swap3A_20 = arith.constant 0 : index
    %swap3A_21 = arith.constant 0 : index
    %swap3A_22 = vector.load %arg6[%swap3A_20, %swap3A_21] : memref<1000x1xf32, #tpu.memory_space<vmem>>, vector<1000x1xf32>
    tpu.vector_store %arg6[%swap3A_20, %swap3A_21], %rsqrt3A {strides = array<i32>} : memref<1000x1xf32, #tpu.memory_space<vmem>>, vector<1000x1xf32>,
    %get3A_23 = arith.constant 0 : index
    %get3A_24 = arith.constant 0 : index
    %get3A_25 = vector.load %arg2[%get3A_23, %get3A_24] : memref<128x128xf32, #tpu.memory_space<vmem>>, vector<128x128xf32>
    %dot_general3A = arith.constant dense<0.000000e+00> : vector<1000x128xf32>
    %dot_general3A_26 = tpu.matmul %get3A_1, %get3A_25, %dot_general3A {dimension_numbers = #tpu.dot_dimension_numbers<[1], [0], [0], [1], [0, 0, 1, 1], [], []>, transpose_lhs_hint = false} : vector<1000x128xf32>, vector<128x128xf32>, vector<1000x128xf32> -> vector<1000x128xf32>
    %mul3A = vector.broadcast %rsqrt3A : vector<1000x1xf32> to vector<1000x128xf32>
    %mul3A_27 = arith.mulf %mul3A, %dot_general3A_26 : vector<1000x128xf32>
    %swap3A_28 = arith.constant 0 : index
    %swap3A_29 = arith.constant 0 : index
    %swap3A_30 = vector.load %arg5[%swap3A_28, %swap3A_29] : memref<1000x128xf32, #tpu.memory_space<vmem>>, vector<1000x128xf32>
    tpu.vector_store %arg5[%swap3A_28, %swap3A_29], %mul3A_27 {strides = array<i32>} : memref<1000x128xf32, #tpu.memory_space<vmem>>, vector<1000x128xf32>,
    return
  }
  func.func @transform_0(%arg0: i32) -> (i32, i32) {
    %c0_i32 = arith.constant 0 : i32
    %c0_i32_0 = arith.constant 0 : i32
    return %arg0, %c0_i32 : i32, i32
  }
  func.func @transform_1(%arg0: i32) -> (i32, i32) {
    %c0_i32 = arith.constant 0 : i32
    %c0_i32_0 = arith.constant 0 : i32
    %c0_i32_1 = arith.constant 0 : i32
    return %c0_i32, %c0_i32_0 : i32, i32
  }
  func.func @transform_2(%arg0: i32) -> (i32, i32) {
    %c0_i32 = arith.constant 0 : i32
    %c0_i32_0 = arith.constant 0 : i32
    return %arg0, %c0_i32 : i32, i32
  }
  func.func @transform_3(%arg0: i32) -> (i32, i32) {
    %c0_i32 = arith.constant 0 : i32
    %c0_i32_0 = arith.constant 0 : i32
    return %arg0, %c0_i32 : i32, i32
  }
  func.func @transform_4(%arg0: i32) -> (i32, i32) {
    %c0_i32 = arith.constant 0 : i32
    %c0_i32_0 = arith.constant 0 : i32
    return %arg0, %c0_i32 : i32, i32
  }
  func.func @transform_5(%arg0: i32) -> (i32, i32) {
    %c0_i32 = arith.constant 0 : i32
    %c0_i32_0 = arith.constant 0 : i32
    return %arg0, %c0_i32 : i32, i32
  }
  func.func @transform_6(%arg0: i32) -> (i32, i32) {
    %c0_i32 = arith.constant 0 : i32
    %c0_i32_0 = arith.constant 0 : i32
    %c0_i32_1 = arith.constant 0 : i32
    return %c0_i32, %c0_i32_0 : i32, i32
  }
}

module attributes {stable_mosaic.version = 14 : i64} {
  func.func @_kmid_body(%arg0: i32, %arg1: memref<1000x128xf32, #tpu.memory_space<vmem>>, %arg2: memref<1000x128xf32, #tpu.memory_space<vmem>>, %arg3: memref<1000x128xf32, #tpu.memory_space<vmem>>, %arg4: memref<1000x1xf32, #tpu.memory_space<vmem>>, %arg5: memref<1x128xf32, #tpu.memory_space<vmem>>, %arg6: memref<128x128xf32, #tpu.memory_space<vmem>>, %arg7: memref<1000x128xf32, #tpu.memory_space<vmem>>) attributes {dimension_semantics = [#tpu.dimension_semantics<arbitrary>], iteration_bounds = array<i64: 10>, scalar_prefetch = 0 : i64, scratch_operands = 0 : i64, tpu.core_type = #tpu.core_type<tc>, window_params = [{transform_indices = @transform_0, window_bounds = array<i64: 1000, 128>}, {transform_indices = @transform_1, window_bounds = array<i64: 1000, 128>}, {transform_indices = @transform_2, window_bounds = array<i64: 1000, 128>}, {transform_indices = @transform_3, window_bounds = array<i64: 1000, 1>}, {pipeline_mode = #tpu.pipeline_mode<synchronous>, transform_indices = @transform_4, window_bounds = array<i64: 1, 128>}, {pipeline_mode = #tpu.pipeline_mode<synchronous>, transform_indices = @transform_5, window_bounds = array<i64: 128, 128>}, {transform_indices = @transform_6, window_bounds = array<i64: 1000, 128>}]} {
    %get3A = arith.constant 0 : index
    %get3A_0 = arith.constant 0 : index
    %get3A_1 = vector.load %arg4[%get3A, %get3A_0] : memref<1000x1xf32, #tpu.memory_space<vmem>>, vector<1000x1xf32>
    %get3A_2 = arith.constant 0 : index
    %get3A_3 = arith.constant 0 : index
    %get3A_4 = vector.load %arg1[%get3A_2, %get3A_3] : memref<1000x128xf32, #tpu.memory_space<vmem>>, vector<1000x128xf32>
    %get3A_5 = arith.constant 0 : index
    %get3A_6 = arith.constant 0 : index
    %get3A_7 = vector.load %arg2[%get3A_5, %get3A_6] : memref<1000x128xf32, #tpu.memory_space<vmem>>, vector<1000x128xf32>
    %add3A = arith.addf %get3A_4, %get3A_7 : vector<1000x128xf32>
    %get3A_8 = arith.constant 0 : index
    %get3A_9 = arith.constant 0 : index
    %get3A_10 = vector.load %arg3[%get3A_8, %get3A_9] : memref<1000x128xf32, #tpu.memory_space<vmem>>, vector<1000x128xf32>
    %add3A_11 = arith.addf %add3A, %get3A_10 : vector<1000x128xf32>
    %mul3A = vector.broadcast %get3A_1 : vector<1000x1xf32> to vector<1000x128xf32>
    %mul3A_12 = arith.mulf %mul3A, %add3A_11 : vector<1000x128xf32>
    %get3A_13 = arith.constant 0 : index
    %get3A_14 = arith.constant 0 : index
    %get3A_15 = vector.load %arg5[%get3A_13, %get3A_14] : memref<1x128xf32, #tpu.memory_space<vmem>>, vector<1x128xf32>
    %add3A_16 = vector.broadcast %get3A_15 : vector<1x128xf32> to vector<1000x128xf32>
    %add3A_17 = arith.addf %mul3A_12, %add3A_16 : vector<1000x128xf32>
    %max3A = arith.constant 0.000000e+00 : f32
    %max3A_18 = vector.broadcast %max3A : f32 to vector<1000x128xf32>
    %max3A_19 = arith.maximumf %add3A_17, %max3A_18 : vector<1000x128xf32>
    %get3A_20 = arith.constant 0 : index
    %get3A_21 = arith.constant 0 : index
    %get3A_22 = vector.load %arg6[%get3A_20, %get3A_21] : memref<128x128xf32, #tpu.memory_space<vmem>>, vector<128x128xf32>
    %dot_general3A = arith.constant dense<0.000000e+00> : vector<1000x128xf32>
    %dot_general3A_23 = tpu.matmul %max3A_19, %get3A_22, %dot_general3A {dimension_numbers = #tpu.dot_dimension_numbers<[1], [0], [0], [1], [0, 0, 1, 1], [], []>, transpose_lhs_hint = false} : vector<1000x128xf32>, vector<128x128xf32>, vector<1000x128xf32> -> vector<1000x128xf32>
    %mul3A_24 = vector.broadcast %get3A_1 : vector<1000x1xf32> to vector<1000x128xf32>
    %mul3A_25 = arith.mulf %mul3A_24, %dot_general3A_23 : vector<1000x128xf32>
    %swap3A = arith.constant 0 : index
    %swap3A_26 = arith.constant 0 : index
    %swap3A_27 = vector.load %arg7[%swap3A, %swap3A_26] : memref<1000x128xf32, #tpu.memory_space<vmem>>, vector<1000x128xf32>
    tpu.vector_store %arg7[%swap3A, %swap3A_26], %mul3A_25 {strides = array<i32>} : memref<1000x128xf32, #tpu.memory_space<vmem>>, vector<1000x128xf32>,
    return
  }
  func.func @transform_0(%arg0: i32) -> (i32, i32) {
    %c0_i32 = arith.constant 0 : i32
    %c0_i32_0 = arith.constant 0 : i32
    return %arg0, %c0_i32 : i32, i32
  }
  func.func @transform_1(%arg0: i32) -> (i32, i32) {
    %c0_i32 = arith.constant 0 : i32
    %c0_i32_0 = arith.constant 0 : i32
    return %arg0, %c0_i32 : i32, i32
  }
  func.func @transform_2(%arg0: i32) -> (i32, i32) {
    %c0_i32 = arith.constant 0 : i32
    %c0_i32_0 = arith.constant 0 : i32
    return %arg0, %c0_i32 : i32, i32
  }
  func.func @transform_3(%arg0: i32) -> (i32, i32) {
    %c0_i32 = arith.constant 0 : i32
    %c0_i32_0 = arith.constant 0 : i32
    return %arg0, %c0_i32 : i32, i32
  }
  func.func @transform_4(%arg0: i32) -> (i32, i32) {
    %c0_i32 = arith.constant 0 : i32
    %c0_i32_0 = arith.constant 0 : i32
    %c0_i32_1 = arith.constant 0 : i32
    return %c0_i32, %c0_i32_0 : i32, i32
  }
  func.func @transform_5(%arg0: i32) -> (i32, i32) {
    %c0_i32 = arith.constant 0 : i32
    %c0_i32_0 = arith.constant 0 : i32
    %c0_i32_1 = arith.constant 0 : i32
    return %c0_i32, %c0_i32_0 : i32, i32
  }
  func.func @transform_6(%arg0: i32) -> (i32, i32) {
    %c0_i32 = arith.constant 0 : i32
    %c0_i32_0 = arith.constant 0 : i32
    return %arg0, %c0_i32 : i32, i32
  }
}

module attributes {stable_mosaic.version = 14 : i64} {
  func.func @_k4_body(%arg0: i32, %arg1: memref<1000x128xf32, #tpu.memory_space<vmem>>, %arg2: memref<1000x128xf32, #tpu.memory_space<vmem>>, %arg3: memref<1000x128xf32, #tpu.memory_space<vmem>>, %arg4: memref<1000x1xf32, #tpu.memory_space<vmem>>, %arg5: memref<1x128xf32, #tpu.memory_space<vmem>>, %arg6: memref<1000x1xi32, #tpu.memory_space<vmem>>, %arg7: memref<1x128xf32, #tpu.memory_space<vmem>>, %arg8: memref<64x128xf32, #tpu.memory_space<vmem>>, %arg9: memref<1x128xf32, #tpu.memory_space<vmem>>, %arg10: memref<64x1xf32, #tpu.memory_space<vmem>>) attributes {dimension_semantics = [#tpu.dimension_semantics<arbitrary>], iteration_bounds = array<i64: 10>, scalar_prefetch = 0 : i64, scratch_operands = 1 : i64, tpu.core_type = #tpu.core_type<tc>, window_params = [{transform_indices = @transform_0, window_bounds = array<i64: 1000, 128>}, {transform_indices = @transform_1, window_bounds = array<i64: 1000, 128>}, {transform_indices = @transform_2, window_bounds = array<i64: 1000, 128>}, {transform_indices = @transform_3, window_bounds = array<i64: 1000, 1>}, {pipeline_mode = #tpu.pipeline_mode<synchronous>, transform_indices = @transform_4, window_bounds = array<i64: 1, 128>}, {transform_indices = @transform_5, window_bounds = array<i64: 1000, 1>}, {pipeline_mode = #tpu.pipeline_mode<synchronous>, transform_indices = @transform_6, window_bounds = array<i64: 1, 128>}, {pipeline_mode = #tpu.pipeline_mode<synchronous>, transform_indices = @transform_7, window_bounds = array<i64: 64, 128>}, {pipeline_mode = #tpu.pipeline_mode<synchronous>, transform_indices = @transform_8, window_bounds = array<i64: 1, 128>}]} {
    %get3A = arith.constant 0 : index
    %get3A_0 = arith.constant 0 : index
    %get3A_1 = vector.load %arg4[%get3A, %get3A_0] : memref<1000x1xf32, #tpu.memory_space<vmem>>, vector<1000x1xf32>
    %get3A_2 = arith.constant 0 : index
    %get3A_3 = arith.constant 0 : index
    %get3A_4 = vector.load %arg1[%get3A_2, %get3A_3] : memref<1000x128xf32, #tpu.memory_space<vmem>>, vector<1000x128xf32>
    %get3A_5 = arith.constant 0 : index
    %get3A_6 = arith.constant 0 : index
    %get3A_7 = vector.load %arg2[%get3A_5, %get3A_6] : memref<1000x128xf32, #tpu.memory_space<vmem>>, vector<1000x128xf32>
    %add3A = arith.addf %get3A_4, %get3A_7 : vector<1000x128xf32>
    %get3A_8 = arith.constant 0 : index
    %get3A_9 = arith.constant 0 : index
    %get3A_10 = vector.load %arg3[%get3A_8, %get3A_9] : memref<1000x128xf32, #tpu.memory_space<vmem>>, vector<1000x128xf32>
    %add3A_11 = arith.addf %add3A, %get3A_10 : vector<1000x128xf32>
    %mul3A = vector.broadcast %get3A_1 : vector<1000x1xf32> to vector<1000x128xf32>
    %mul3A_12 = arith.mulf %mul3A, %add3A_11 : vector<1000x128xf32>
    %get3A_13 = arith.constant 0 : index
    %get3A_14 = arith.constant 0 : index
    %get3A_15 = vector.load %arg5[%get3A_13, %get3A_14] : memref<1x128xf32, #tpu.memory_space<vmem>>, vector<1x128xf32>
    %add3A_16 = vector.broadcast %get3A_15 : vector<1x128xf32> to vector<1000x128xf32>
    %add3A_17 = arith.addf %mul3A_12, %add3A_16 : vector<1000x128xf32>
    %max3A = arith.constant 0.000000e+00 : f32
    %max3A_18 = vector.broadcast %max3A : f32 to vector<1000x128xf32>
    %max3A_19 = arith.maximumf %add3A_17, %max3A_18 : vector<1000x128xf32>
    %get3A_20 = arith.constant 0 : index
    %get3A_21 = arith.constant 0 : index
    %get3A_22 = vector.load %arg6[%get3A_20, %get3A_21] : memref<1000x1xi32, #tpu.memory_space<vmem>>, vector<1000x1xi32>
    %iota3A = tpu.iota {dimensions = array<i32: 1>} : vector<1000x64xi32>
    %eq3A = vector.broadcast %get3A_22 : vector<1000x1xi32> to vector<1000x64xi32>
    %eq3A_23 = arith.cmpi eq, %eq3A, %iota3A : vector<1000x64xi32>
    %convert_element_type3A = arith.extui %eq3A_23 : vector<1000x64xi1> to vector<1000x64xi32>
    %convert_element_type3A_24 = arith.sitofp %convert_element_type3A : vector<1000x64xi32> to vector<1000x64xf32>
    %dot_general3A = arith.constant dense<0.000000e+00> : vector<64x128xf32>
    %dot_general3A_25 = tpu.matmul %convert_element_type3A_24, %max3A_19, %dot_general3A {dimension_numbers = #tpu.dot_dimension_numbers<[0], [0], [1], [1], [0, 1, 1, 1], [], []>, transpose_lhs_hint = false} : vector<1000x64xf32>, vector<1000x128xf32>, vector<64x128xf32> -> vector<64x128xf32>
    %broadcast_in_dim3A = arith.constant 1.000000e+00 : f32
    %broadcast_in_dim3A_26 = vector.broadcast %broadcast_in_dim3A : f32 to vector<1000x1xf32>
    %dot_general3A_27 = arith.constant dense<0.000000e+00> : vector<64x1xf32>
    %dot_general3A_28 = tpu.matmul %convert_element_type3A_24, %broadcast_in_dim3A_26, %dot_general3A_27 {dimension_numbers = #tpu.dot_dimension_numbers<[0], [0], [1], [1], [0, 1, 1, 1], [], []>, transpose_lhs_hint = false} : vector<1000x64xf32>, vector<1000x1xf32>, vector<64x1xf32> -> vector<64x1xf32>
    %eq3A_29 = arith.constant 0 : i32
    %eq3A_30 = arith.cmpi eq, %arg0, %eq3A_29 : i32
    %convert_element_type3A_31 = arith.extui %eq3A_30 : i1 to i32
    %cond3A = arith.constant 0 : i32
    %cond3A_32 = arith.cmpi ne, %convert_element_type3A_31, %cond3A : i32
    scf.if %cond3A_32 {
      %broadcast_in_dim3A_51 = arith.constant 0.000000e+00 : f32
      %broadcast_in_dim3A_52 = vector.broadcast %broadcast_in_dim3A_51 : f32 to vector<64x128xf32>
      %swap3A_53 = arith.constant 0 : index
      %swap3A_54 = arith.constant 0 : index
      %swap3A_55 = vector.load %arg8[%swap3A_53, %swap3A_54] : memref<64x128xf32, #tpu.memory_space<vmem>>, vector<64x128xf32>
      tpu.vector_store %arg8[%swap3A_53, %swap3A_54], %broadcast_in_dim3A_52 {strides = array<i32>} : memref<64x128xf32, #tpu.memory_space<vmem>>, vector<64x128xf32>,
      %broadcast_in_dim3A_56 = arith.constant 0.000000e+00 : f32
      %broadcast_in_dim3A_57 = vector.broadcast %broadcast_in_dim3A_56 : f32 to vector<64x1xf32>
      %swap3A_58 = arith.constant 0 : index
      %swap3A_59 = arith.constant 0 : index
      %swap3A_60 = vector.load %arg10[%swap3A_58, %swap3A_59] : memref<64x1xf32, #tpu.memory_space<vmem>>, vector<64x1xf32>
      tpu.vector_store %arg10[%swap3A_58, %swap3A_59], %broadcast_in_dim3A_57 {strides = array<i32>} : memref<64x1xf32, #tpu.memory_space<vmem>>, vector<64x1xf32>,
    } else {
    }
    %get3A_33 = arith.constant 0 : index
    %get3A_34 = arith.constant 0 : index
    %get3A_35 = vector.load %arg8[%get3A_33, %get3A_34] : memref<64x128xf32, #tpu.memory_space<vmem>>, vector<64x128xf32>
    %add3A_36 = arith.addf %get3A_35, %dot_general3A_25 : vector<64x128xf32>
    %swap3A = arith.constant 0 : index
    %swap3A_37 = arith.constant 0 : index
    %swap3A_38 = vector.load %arg8[%swap3A, %swap3A_37] : memref<64x128xf32, #tpu.memory_space<vmem>>, vector<64x128xf32>
    tpu.vector_store %arg8[%swap3A, %swap3A_37], %add3A_36 {strides = array<i32>} : memref<64x128xf32, #tpu.memory_space<vmem>>, vector<64x128xf32>,
    %get3A_39 = arith.constant 0 : index
    %get3A_40 = arith.constant 0 : index
    %get3A_41 = vector.load %arg10[%get3A_39, %get3A_40] : memref<64x1xf32, #tpu.memory_space<vmem>>, vector<64x1xf32>
    %add3A_42 = arith.addf %get3A_41, %dot_general3A_28 : vector<64x1xf32>
    %swap3A_43 = arith.constant 0 : index
    %swap3A_44 = arith.constant 0 : index
    %swap3A_45 = vector.load %arg10[%swap3A_43, %swap3A_44] : memref<64x1xf32, #tpu.memory_space<vmem>>, vector<64x1xf32>
    tpu.vector_store %arg10[%swap3A_43, %swap3A_44], %add3A_42 {strides = array<i32>} : memref<64x1xf32, #tpu.memory_space<vmem>>, vector<64x1xf32>,
    %eq3A_46 = arith.constant 9 : i32
    %eq3A_47 = arith.cmpi eq, %arg0, %eq3A_46 : i32
    %convert_element_type3A_48 = arith.extui %eq3A_47 : i1 to i32
    %cond3A_49 = arith.constant 0 : i32
    %cond3A_50 = arith.cmpi ne, %convert_element_type3A_48, %cond3A_49 : i32
    scf.if %cond3A_50 {
      %get3A_51 = arith.constant 0 : index
      %get3A_52 = arith.constant 0 : index
      %get3A_53 = vector.load %arg8[%get3A_51, %get3A_52] : memref<64x128xf32, #tpu.memory_space<vmem>>, vector<64x128xf32>
      %get3A_54 = arith.constant 0 : index
      %get3A_55 = arith.constant 0 : index
      %get3A_56 = vector.load %arg10[%get3A_54, %get3A_55] : memref<64x1xf32, #tpu.memory_space<vmem>>, vector<64x1xf32>
      %max3A_57 = arith.constant 1.000000e+00 : f32
      %max3A_58 = vector.broadcast %max3A_57 : f32 to vector<64x1xf32>
      %max3A_59 = arith.maximumf %get3A_56, %max3A_58 : vector<64x1xf32>
      %div3A = vector.broadcast %max3A_59 : vector<64x1xf32> to vector<64x128xf32>
      %div3A_60 = arith.divf %get3A_53, %div3A : vector<64x128xf32>
      %swap3A_61 = arith.constant 0 : index
      %swap3A_62 = arith.constant 0 : index
      %swap3A_63 = vector.load %arg8[%swap3A_61, %swap3A_62] : memref<64x128xf32, #tpu.memory_space<vmem>>, vector<64x128xf32>
      tpu.vector_store %arg8[%swap3A_61, %swap3A_62], %div3A_60 {strides = array<i32>} : memref<64x128xf32, #tpu.memory_space<vmem>>, vector<64x128xf32>,
      %get3A_64 = arith.constant 0 : index
      %get3A_65 = arith.constant 0 : index
      %get3A_66 = vector.load %arg7[%get3A_64, %get3A_65] : memref<1x128xf32, #tpu.memory_space<vmem>>, vector<1x128xf32>
      %reduce_sum3A = vector.shape_cast %get3A_66 : vector<1x128xf32> to vector<1x1x128xf32>
      %reduce_sum3A_67 = arith.constant dense<0.000000e+00> : vector<1xf32>
      %reduce_sum3A_68 = vector.multi_reduction <add>, %reduce_sum3A, %reduce_sum3A_67 [1, 2] : vector<1x1x128xf32> to vector<1xf32>
      %reduce_sum3A_69 = vector.shape_cast %reduce_sum3A_68 : vector<1xf32> to vector<1x1x1xf32>
      %reduce_sum3A_70 = vector.extract %reduce_sum3A_69[0, 0, 0] : f32 from vector<1x1x1xf32>
      %div3A_71 = vector.broadcast %reduce_sum3A_70 : f32 to vector<1x128xf32>
      %div3A_72 = arith.divf %get3A_66, %div3A_71 : vector<1x128xf32>
      %swap3A_73 = arith.constant 0 : index
      %swap3A_74 = arith.constant 0 : index
      %swap3A_75 = vector.load %arg9[%swap3A_73, %swap3A_74] : memref<1x128xf32, #tpu.memory_space<vmem>>, vector<1x128xf32>
      tpu.vector_store %arg9[%swap3A_73, %swap3A_74], %div3A_72 {strides = array<i32>} : memref<1x128xf32, #tpu.memory_space<vmem>>, vector<1x128xf32>,
    } else {
    }
    return
  }
  func.func @transform_0(%arg0: i32) -> (i32, i32) {
    %c0_i32 = arith.constant 0 : i32
    %c0_i32_0 = arith.constant 0 : i32
    return %arg0, %c0_i32 : i32, i32
  }
  func.func @transform_1(%arg0: i32) -> (i32, i32) {
    %c0_i32 = arith.constant 0 : i32
    %c0_i32_0 = arith.constant 0 : i32
    return %arg0, %c0_i32 : i32, i32
  }
  func.func @transform_2(%arg0: i32) -> (i32, i32) {
    %c0_i32 = arith.constant 0 : i32
    %c0_i32_0 = arith.constant 0 : i32
    return %arg0, %c0_i32 : i32, i32
  }
  func.func @transform_3(%arg0: i32) -> (i32, i32) {
    %c0_i32 = arith.constant 0 : i32
    %c0_i32_0 = arith.constant 0 : i32
    return %arg0, %c0_i32 : i32, i32
  }
  func.func @transform_4(%arg0: i32) -> (i32, i32) {
    %c0_i32 = arith.constant 0 : i32
    %c0_i32_0 = arith.constant 0 : i32
    %c0_i32_1 = arith.constant 0 : i32
    return %c0_i32, %c0_i32_0 : i32, i32
  }
  func.func @transform_5(%arg0: i32) -> (i32, i32) {
    %c0_i32 = arith.constant 0 : i32
    %c0_i32_0 = arith.constant 0 : i32
    return %arg0, %c0_i32 : i32, i32
  }
  func.func @transform_6(%arg0: i32) -> (i32, i32) {
    %c0_i32 = arith.constant 0 : i32
    %c0_i32_0 = arith.constant 0 : i32
    %c0_i32_1 = arith.constant 0 : i32
    return %c0_i32, %c0_i32_0 : i32, i32
  }
  func.func @transform_7(%arg0: i32) -> (i32, i32) {
    %c0_i32 = arith.constant 0 : i32
    %c0_i32_0 = arith.constant 0 : i32
    %c0_i32_1 = arith.constant 0 : i32
    return %c0_i32, %c0_i32_0 : i32, i32
  }
  func.func @transform_8(%arg0: i32) -> (i32, i32) {
    %c0_i32 = arith.constant 0 : i32
    %c0_i32_0 = arith.constant 0 : i32
    %c0_i32_1 = arith.constant 0 : i32
    return %c0_i32, %c0_i32_0 : i32, i32
  }
}

</mosaic_0001>

<sc_bundles>
// kernel: kernel.10.cloned.1.call-start
scs
__scs_entry_jumppad:
0x0: {  	(pc) =	sbr.rel $0x88, $3  }
0x1: {  	(tag) =	ssettag $0x0;
	lr =	simm.s32 $0x1  }
0x2: {  	[smem:$0x3F98] =	sst lr;
	_ =	strace $0xD0000000  }
0x3: {  	_ = 	snop  }
0x4: {  	_ = 	snop  }
0x5: {  	_ = 	snop  }
0x6: {  	_ = 	snop  }
0x7: {  	_ = 	snop  }
__scs_overlays_trampoline_lowered:
0x8: {  	[smem:$0x3FA7] =	sst s0  }
0x9: {  	[smem:$0x3FA8] =	sst s1  }
0xa: {  	[smem:$0x3FA9] =	sst s2  }
0xb: {  	[smem:$0x3FAA] =	sst s3  }
0xc: {  	[smem:$0x3FAB] =	sst s4  }
0xd: {  	[smem:$0x3FAC] =	sst s5  }
0xe: {  	[smem:$0x3FAD] =	sst s6  }
0xf: {  	[smem:$0x3FAE] =	sst s7  }
0x10: {  	[smem:$0x3FAF] =	sst s8  }
0x11: {  	[smem:$0x3FB0] =	sst s9;
	s0 =	simm.s32 @!p0 $0x0  }
0x12: {  	s1 =	sld [smem:$0x3F96];
	s0 =	simm.s32 @p0 $0x1  }
0x13: {  	[smem:$0x3FB1] =	sst s0;
	s0 =	simm.s32 @!p1 $0x0  }
0x14: {  	s2 =	sld [smem:$0x3F95];
	s0 =	simm.s32 @p1 $0x1  }
0x15: {  	[smem:$0x3FB2] =	sst s0;
	s0 =	simm.s32 @!p2 $0x0  }
0x16: {  	s3 =	sld [smem:$0x3FDB];
	s0 =	simm.s32 @p2 $0x1  }
0x17: {  	s4 =	simm.s32 $0x1BF5;
	[smem:$0x3FB4] =	sst s0  }
0x18: {  	s0 =	sld [smem:$0x3F97];
	_ =	swait.ge [sflag:s4], $0x0  }
0x19: {  	s7 =	sld [smem:$0x3F98]  }
0x1a: {  	s8 =	sadd.s32 $0xFFFFE003, lr  }
0x1b: {  	s9 =	sadd.s32 $0xFFFFFEF7, lr;
	s5 =	simm.s32 $0xFFFFFFFF;
	p2 =	slt.u32 s8, $0xFFFFF086  }
0x1c: {  	p1 =	slt.u32 s9, $0xF7A;
	s5 =	simm.s32 @!p2 $0x0  }
0x1d: {  	s5 =	simm.s32 @p1 $0x1;
	p0 =	seq.s32 s7, s2  }
0x1e: {  	s7 =	smul.u32 @!p0 $0xF7A, s2;
	p2 =	seq.s32 @!p0 s5, $0x0  }
0x1f: {  	s9 =	smul.u32 $0xF7A, s1;
	s8 =	simm.s32 @!p0 $0x1BF5;
	p2 =	por !p2, p0  }
0x20: {  	[sflag:s8] =	ssyncset.s32 @!p0 $0xFFFFF086;
	s6 =	sadd.s32 @!p0 s3, s7;
	s7 =	simm.s32 @!p0 $0x108  }
0x21: {  	s3 =	sadd.s32 s3, s9;
	s6 =	sadd.s32 @!p0 $0x88, s6;
	s7 =	simm.s32 @p2 $0x1082  }
0x22: {  	[simem:s7], [sflag:s8] =	dma.local @!p0 [hbm:s6], $0xF7A  }
0x23: {  	s9 =	sor.u32 $0xD0000000, s2;
	s6 =	simm.s32 $0x108;
	_ =	swait.ge @!p0 [sflag:s8], $0x0  }
0x24: {  	s3 =	sadd.s32 $0x88, s3;
	s6 =	simm.s32 @!p1 $0x1082;
	[sflag:s4] =	ssyncset.s32 $0xFFFFF086  }
0x25: {  	[simem:s6], [sflag:s4] =	dma.local [hbm:s3], $0xF7A  }
0x26: {  	[smem:$0x3F98] =	sst s1;
	(tag) =	ssettag s2;
	_ =	strace s9  }
0x27: {  	s1 =	sld [smem:$0x3FA8]  }
0x28: {  	s2 =	sld [smem:$0x3FA9]  }
0x29: {  	s4 =	sld [smem:$0x3FAB]  }
0x2a: {  	p0 =	seq.s32 s5, $0x0;
	s5 =	sld [smem:$0x3FAC]  }
0x2b: {  	s6 =	sld [smem:$0x3FAD]  }
0x2c: {  	s7 =	sld [smem:$0x3FAE]  }
0x2d: {  	s3 =	simm.s32 $0x108;
	s8 =	sld [smem:$0x3FAF]  }
0x2e: {  	s3 =	simm.s32 @!p0 $0x1082;
	s9 =	sld [smem:$0x3FB0]  }
0x2f: {  	lr =	sadd.s32 s0, s3;
	s0 =	sld [smem:$0x3FA7]  }
0x30: {  	s3 =	sld [smem:$0x3FAA]  }
0x31: {  	[smem:$0x3FB3] =	sst s10  }
0x32: {  	s10 =	sld [smem:$0x3FB1];
	_ =	sdelay $0x3  }
0x33: {  	p0 =	seq.s32 s10, $0x1;
	s10 =	sld [smem:$0x3FB3];
	_ =	sdelay $0x3  }
0x34: {  	[smem:$0x3FB3] =	sst s10  }
0x35: {  	s10 =	sld [smem:$0x3FB2];
	_ =	sdelay $0x3  }
0x36: {  	p1 =	seq.s32 s10, $0x1;
	s10 =	sld [smem:$0x3FB3];
	_ =	sdelay $0x3  }
0x37: {  	[smem:$0x3FB3] =	sst s10  }
0x38: {  	s10 =	sld [smem:$0x3FB4]  }
0x39: {  	_ = 	snop;
	(pc) =	sbr.ind lr, $3  }
0x3a: {  	_ = 	snop  }
0x3b: {  	_ = 	snop  }
0x3c: {  	p2 =	seq.s32 s10, $0x1;
	s10 =	sld [smem:$0x3FB3]  }
0x3d: {  	_ =	shalt  }
0x3e: {  	_ =	shalt  }
0x3f: {  	_ =	shalt  }
0x40: {  	_ =	shalt  }
0x41: {  	_ =	shalt  }
0x42: {  	_ =	shalt  }
0x43: {  	_ =	shalt  }
0x44: {  	_ =	shalt  }
0x45: {  	_ =	shalt  }
0x46: {  	_ =	shalt  }
0x47: {  	_ =	shalt  }
0x48: {  	_ =	shalt  }
0x49: {  	_ =	shalt  }
0x4a: {  	_ =	shalt  }
0x4b: {  	_ =	shalt  }
0x4c: {  	_ =	shalt  }
0x4d: {  	_ =	shalt  }
0x4e: {  	_ =	shalt  }
0x4f: {  	_ =	shalt  }
0x50: {  	_ =	shalt  }
0x51: {  	_ =	shalt  }
0x52: {  	_ =	shalt  }
0x53: {  	_ =	shalt  }
0x54: {  	_ =	shalt  }
0x55: {  	_ =	shalt  }
0x56: {  	_ =	shalt  }
0x57: {  	_ =	shalt  }
0x58: {  	_ =	shalt  }
0x59: {  	_ =	shalt  }
0x5a: {  	_ =	shalt  }
0x5b: {  	_ =	shalt  }
0x5c: {  	_ =	shalt  }
0x5d: {  	_ =	shalt  }
0x5e: {  	_ =	shalt  }
0x5f: {  	_ =	shalt  }
0x60: {  	_ =	shalt  }
0x61: {  	_ =	shalt  }
0x62: {  	_ =	shalt  }
0x63: {  	_ =	shalt  }
0x64: {  	_ =	shalt  }
0x65: {  	_ =	shalt  }
0x66: {  	_ =	shalt  }
0x67: {  	_ =	shalt  }
0x68: {  	_ =	shalt  }
0x69: {  	_ =	shalt  }
0x6a: {  	_ =	shalt  }
0x6b: {  	_ =	shalt  }
0x6c: {  	_ =	shalt  }
0x6d: {  	_ =	shalt  }
0x6e: {  	_ =	shalt  }
0x6f: {  	_ =	shalt  }
0x70: {  	_ =	shalt  }
0x71: {  	_ =	shalt  }
0x72: {  	_ =	shalt  }
0x73: {  	_ =	shalt  }
0x74: {  	_ =	shalt  }
0x75: {  	_ =	shalt  }
0x76: {  	_ =	shalt  }
0x77: {  	_ =	shalt  }
0x78: {  	_ =	shalt  }
0x79: {  	_ =	shalt  }
0x7a: {  	_ =	shalt  }
0x7b: {  	_ =	shalt  }
0x7c: {  	_ =	shalt  }
0x7d: {  	_ =	shalt  }
0x7e: {  	_ =	shalt  }
0x7f: {  	_ =	shalt  }
0x80: {  	_ =	shalt  }
0x81: {  	_ =	shalt  }
0x82: {  	_ =	shalt  }
0x83: {  	_ =	shalt  }
0x84: {  	_ =	shalt  }
0x85: {  	_ =	shalt  }
0x86: {  	_ =	shalt  }
0x87: {  	_ =	shalt  }
.Lfunc_end0:
.L_simem_size_0:
called_computation_lowered:
.L_overlay_start_0:
0x88: {  	s2 =	sld [smem:$0x3FD9]  }
0x89: {  	s3 =	sld [smem:$0x3FFE];
	_ =	sdelay $0x1  }
0x8a: {  	s1 =	srdreg.scid  }
0x8b: {  	s0 =	sand.u32 $0x1, s1  }
0x8c: {  	s16 =	sshll.u32 s0, $0xA;
	s2 =	sadd.s32 s3, s2  }
0x8d: {  	s2 =	sadd.s32 s2, s16  }
0x8e: {  	[smem:$0x3FBF] =	sst s2  }
0x8f: {  	_ = 	snop  }
0x90: {  	(tm) =	ssettm $0x1  }
0x91: {  	s17 =	sld [smem:$0x3FFB];
	_ =	sdelay $0x3  }
0x92: {  	_ =	strace s17  }
0x93: {  	s2 =	sld [smem:$0x3FFC];
	_ =	sdelay $0x3  }
0x94: {  	_ =	strace s2  }
0x95: {  	s2 =	sld [smem:$0x3FFD];
	_ =	sdelay $0x3  }
0x96: {  	_ =	strace s2  }
0x97: {  	_ =	strace $0x8FFFFFFF  }
0x98: {  	s18 =	sld [smem:$0x3FDB];
	_ =	sdelay $0x1  }
0x99: {  	s19 =	simm.s32 $_scs_section_size  }
0x9a: {  	s4 =	simm.s32 $_size__tile_overlayer_lowered;
	s5 =	simm.s32 $_tile_overlayer_lowered  }
0x9b: {  	s22 =	simm.s32 $0x1BFF;
	s21 =	sshll.u32 s5, $0x1;
	s2 =	sadd.s32 s19, s18  }
0x9c: {  	s6 =	simm.s32 $0x0;
	s20 =	sshll.u32 s4, $0x1;
	s4 =	sadd.s32 s21, s2  }
0x9d: {  	[timem:s6], [sflag:s22] =	dma.local [hbm:s4], s20  }
0x9e: {  	_ =	swait.ge [sflag:s22], s20  }
0x9f: {  	s3 =	ssub.s32 $0x0, s20;
	[sflag:s22] =	ssyncset.done $0x0  }
0xa0: {  	[sflag:s22] =	ssyncadd.s32 s3;
	_ =	sdelay $0x1  }
0xa1: {  	s23 =	simm.s32 $0x1B8B  }
0xa2: {  	_ =	swait.ge [sflag:s23], $0x1  }
0xa3: {  	[sflag:s23] =	ssyncset.done $0x0  }
0xa4: {  	s25 =	simm.s32 $0x1B8E;
	s24 =	sld [smem:$0x3FFE];
	[sflag:s23] =	ssyncadd.s32 $0xFFFFFFFF  }
0xa5: {  	s26 =	simm.s32 $execute0_lowered;
	[smem:$0x3FD2] =	sst s25  }
0xa6: {  	s4 =	sshll.u32 s26, $0x1;
	_ =	strace $0x80000046;
	[dreg:$0x1] =	wrdreg $0xFFFFFFFF  }
0xa7: {  	s28 =	simm.s32 $_size_execute0_lowered;
	s2 =	sadd.s32 s2, s4;
	[dreg:$0x0] =	wrdreg $0x0  }
0xa8: {  	s4 =	sshll.u32 s28, $0x1;
	[dreg:$0x2] =	wrdreg s2  }
0xa9: {  	[dreg:$0x3] =	wrdreg s4  }
0xaa: {  	[dreg:$0x4] =	wrdreg $0xC0  }
0xab: {  	_ =	task [dreg:s6], $0x5FFFF  }
0xac: {  	[dreg:$0x1] =	wrdreg $0xFFFFFFFF  }
0xad: {  	[dreg:$0x0] =	wrdreg $0x60  }
0xae: {  	[dreg:$0x2] =	wrdreg s24  }
0xaf: {  	[dreg:$0x3] =	wrdreg $0x68000  }
0xb0: {  	[dreg:$0x4] =	wrdreg $0x9  }
0xb1: {  	_ =	task.clear_ibuf [dreg:s6], $0x5FFFF;
	_ =	strace $0x90000046  }
0xb2: {  	s29 =	simm.s32 $0x9;
	_ =	strace $0x80000048  }
0xb3: {  	_ =	swait.ge [sflag:s29], $0x1  }
0xb4: {  	[sflag:s29] =	ssyncadd.s32 $0xFFFFFFFF  }
0xb5: {  	_ =	strace $0x90000048  }
0xb6: {  	_ =	sfence  }
0xb7: {  	s30 =	sld [smem:$0x0];
	_ =	sdelay $0x2  }
0xb8: {  	s31 =	sshll.u32 s1, $0xD;
	s1 =	sshrl.u32 s1, $0x2  }
0xb9: {  	s3 =	sand.u32 $0x4000, s31;
	s1 =	sadd.s32 s1, s30  }
0xba: {  	s0 =	sor.u32 s3, s0;
	s1 =	sshll.u32 s1, $0x11  }
0xbb: {  	s0 =	sor.u32 s1, s0  }
0xbc: {  	s0 =	sadd.s32 $0x8F2B, s0  }
0xbd: {  	[sflag:s0] =	ssyncadd.remote.s32 $0x1  }
0xbe: {  	_ =	sfence.sel $0xFFFF  }
0xbf: {  	[dreg:$0x0] =	wrdreg $0xFFFFFFFF;
	(pc) =	sbr.abs _section_cstart, $3  }
0xc0: {  	[dreg:$0x1] =	wrdreg $0xFFFFFFFF  }
0xc1: {  	_ =	task.clear_ibuf [dreg:s6], $0x2FFFF;
	_ =	strace $0x9FFFFFFF  }
0xc2: {  	(tm) =	ssettm $0x7FFFFFFF  }
0xc3: {  	_ =	shalt  }
tec
execute0_lowered:
.L_overlay_start_1:
0x0: {  	(tag) =	ssettag $0x1  }
0x1: {  	s1 =	srdreg.scid;
	s5 =	rddreg [dreg:$0x0]  }
0x2: {  	s0 =	stileid.u32;
	s2 =	rddreg [dreg:$0x1];
	s3 =	simm.s32 $0x0  }
0x3: {  	s12 =	simm.s32 $0x1;
	s13 =	simm.s32 $0x2800;
	s14 =	simm.s32 $0x80  }
0x4: {  	s17 =	simm.s32 $0x0;
	s4 =	sand.u32 $0x1, s1;
	s8 =	smul.u32 $0x13C00, s0  }
0x5: {  	s28 =	sshll.u32 s0, $0x1;
	[smem:$0x7FF] =	sst s3;
	s9 =	smul.u32 $0x4F000, s0  }
0x6: {  	s15 =	sshll.u32 s0, $0x6;
	s1 =	sor.u32 s4, s28;
	s7 =	smul.u32 $0x13C000, s4  }
0x7: {  	s29 =	ssub.s32 $0x2, s4;
	s15 =	sor.u32 $0x1C01, s15;
	s6 =	smul.u32 $0x500, s1  }
0x8: {  	s1 =	rddreg [dreg:$0x2];
	_ =	strace $0x80000047;
	s30 =	sshrl.u32 s9, $0x2  }
0x9: {  	s31 =	sshrl.u32 s29, $0x1;
	s7 =	sadd.s32 s8, s7;
	s4 =	sadd.s32 s30, s2  }
0xa: {  	s11 =	ssub.s32 s29, s31;
	s6 =	sadd.s32 s6, s5;
	s7 =	sshrl.u32 s7, $0x3  }
0xb: {  	s8 =	sadd.s32 $0xC000, s4;
	s9 =	sadd.s32 $0x10000, s4;
	s11 =	smax.u32 s11, $0x1  }
0xc: {  	s16 =	sshrl.u32 s4, $0x3;
	s10 =	sadd.s32 s7, s5;
	s5 =	sadd.s32 $0x5200, s6  }
0xd: {  	v0 =	vimm.f32 $0.0e+00;
	v1 =	vimm.f32 $1.000000000e+00;
	s6 =	sadd.s32 $0x4000, s4;
	s7 =	sadd.s32 $0x8000, s4;
	s10 =	sadd.s32 $0xF200, s10  }
.LBB2_1:
0xe: {  	[tilespmem:s3], [sflag:$0x1] =	stream.linear.gather [hbm4b:s5+s3], $0x2780, $0x38;
	[tilespmem:$0x1A400] =	vst v63  }
0xf: {  	_ =	swait.ge [sflag:s12], $0x2780  }
0x10: {  	[sflag:s12] =	ssyncset.done $0x0  }
0x11: {  	s18 =	simm.s32 $0x0;
	s19 =	simm.s32 $0x200;
	[sflag:s12] =	ssyncadd.s32 $0xFFFFD880  }
.LBB2_2:
0x12: {  	p0 =	sne.s32 s19, $0xFE00;
	[tilespmem:s18+$0x2870] =	vst v0  }
0x13: {  	[tilespmem:s18+$0x2800] =	vst v0  }
0x14: {  	[tilespmem:s18+$0x2810] =	vst v0  }
.Ltmp0:
0x15: {  	[tilespmem:s18+$0x2820] =	vst v0;
	(pc) =	sbr.rel @p0 .LBB2_2-.Ltmp0, $4  }
0x16: {  	[tilespmem:s18+$0x2830] =	vst v0  }
0x17: {  	[tilespmem:s18+$0x2840] =	vst v0  }
0x18: {  	[tilespmem:s18+$0x2850] =	vst v0  }
0x19: {  	[tilespmem:s18+$0x2860] =	vst v0;
	s18 =	sshra.s32 s19, $0x2;
	s19 =	sadd.s32 $0x200, s19  }
0x1a: {  	[tilespmem:s18+$0x2870] =	vst v0  }
0x1b: {  	[tilespmem:s18+$0x2800] =	vst v0  }
0x1c: {  	[tilespmem:s18+$0x2810] =	vst v0  }
0x1d: {  	[tilespmem:s18+$0x2820] =	vst v0  }
0x1e: {  	[tilespmem:s18+$0x2830] =	vst v0  }
0x1f: {  	[tilespmem:s18+$0x2840] =	vst v0  }
0x20: {  	[tilespmem:s18+$0x2850] =	vst v0  }
0x21: {  	[tilespmem:s18+$0x2860] =	vst v0  }
0x22: {  	[spmem:s4] =	stream.linear.scatter [tilespmem:s13], [sflag:$0x1], $0x4000, $0x38;
	[tilespmem:$0x1A400] =	vst v63  }
0x23: {  	_ =	swait.ge [sflag:s12], $0x4000  }
0x24: {  	[sflag:s12] =	ssyncset.done $0x0  }
0x25: {  	[sflag:s12] =	ssyncadd.s32 $0xFFFFC000  }
0x26: {  	[spmem:s6] =	stream.linear.scatter [tilespmem:s13], [sflag:$0x1], $0x4000, $0x38;
	[tilespmem:$0x1A400] =	vst v63  }
0x27: {  	_ =	swait.ge [sflag:s12], $0x4000  }
0x28: {  	[sflag:s12] =	ssyncset.done $0x0  }
0x29: {  	[sflag:s12] =	ssyncadd.s32 $0xFFFFC000  }
0x2a: {  	[spmem:s7] =	stream.linear.scatter [tilespmem:s13], [sflag:$0x1], $0x4000, $0x38;
	[tilespmem:$0x1A400] =	vst v63  }
0x2b: {  	_ =	swait.ge [sflag:s12], $0x4000  }
0x2c: {  	[sflag:s12] =	ssyncset.done $0x0  }
0x2d: {  	[sflag:s12] =	ssyncadd.s32 $0xFFFFC000  }
0x2e: {  	[spmem:s8] =	stream.linear.scatter [tilespmem:s13], [sflag:$0x1], $0x4000, $0x38;
	[tilespmem:$0x1A400] =	vst v63  }
0x2f: {  	_ =	swait.ge [sflag:s12], $0x4000  }
0x30: {  	[sflag:s12] =	ssyncset.done $0x0  }
0x31: {  	[sflag:s12] =	ssyncadd.s32 $0xFFFFC000  }
0x32: {  	[spmem:s9] =	stream.linear.scatter [tilespmem:s13], [sflag:$0x1], $0x3C00, $0x38;
	[tilespmem:$0x1A400] =	vst v63  }
0x33: {  	_ =	swait.ge [sflag:s12], $0x3C00  }
0x34: {  	[sflag:s12] =	ssyncset.done $0x0  }
0x35: {  	[sflag:s12] =	ssyncadd.s32 $0xFFFFC400  }
0x36: {  	s18 =	simm.s32 $0x0;
	s19 =	simm.s32 $0x200;
	[bflag:$0x0] =	sbarrier.arrive $0xFFFF  }
.LBB2_4:
0x37: {  	p0 =	sne.s32 s19, $0xFE00;
	[tilespmem:s18+$0x2870] =	vst v1  }
0x38: {  	[tilespmem:s18+$0x2800] =	vst v1  }
0x39: {  	[tilespmem:s18+$0x2810] =	vst v1  }
.Ltmp1:
0x3a: {  	[tilespmem:s18+$0x2820] =	vst v1;
	(pc) =	sbr.rel @p0 .LBB2_4-.Ltmp1, $4  }
0x3b: {  	[tilespmem:s18+$0x2830] =	vst v1  }
0x3c: {  	[tilespmem:s18+$0x2840] =	vst v1  }
0x3d: {  	[tilespmem:s18+$0x2850] =	vst v1  }
0x3e: {  	[tilespmem:s18+$0x2860] =	vst v1;
	s18 =	sshra.s32 s19, $0x2;
	s19 =	sadd.s32 $0x200, s19  }
0x3f: {  	[tilespmem:s18+$0x2870] =	vst v1  }
0x40: {  	[tilespmem:s18+$0x2800] =	vst v1  }
0x41: {  	[tilespmem:s18+$0x2810] =	vst v1  }
0x42: {  	[tilespmem:s18+$0x2820] =	vst v1  }
0x43: {  	[tilespmem:s18+$0x2830] =	vst v1  }
0x44: {  	[tilespmem:s18+$0x2840] =	vst v1  }
0x45: {  	[tilespmem:s18+$0x2850] =	vst v1  }
0x46: {  	[tilespmem:s18+$0x2860] =	vst v1;
	s31 =	simm.s32 $0x0  }
0x47: {  	[spmem:s2] =	stream.indirect.scatter.add.f32 [tilespmem:s13], [sflag:$0x1], $0x80, s31, s14, $0xb8;
	[tilespmem:$0x1A400] =	vst v63  }
0x48: {  	_ =	swait.ge [sflag:s12], $0x4000  }
0x49: {  	s18 =	simm.s32 $0x200;
	[sflag:s12] =	ssyncset.done $0x0  }
.LBB2_6:
0x4a: {  	s19 =	sshra.s32 s18, $0x2;
	[sflag:s12] =	ssyncadd.s32 $0xFFFFC000;
	p0 =	sne.s32 s18, $0x9C00  }
0x4b: {  	[spmem:s2] =	stream.indirect.scatter.add.f32 [tilespmem:s13], [sflag:$0x1], $0x80, s19, s14, $0xb8;
	[tilespmem:$0x1A400] =	vst v63  }
.Ltmp2:
0x4c: {  	_ = 	snop;
	(pc) =	sbr.rel @p0 .LBB2_6-.Ltmp2, $4  }
0x4d: {  	_ = 	snop  }
0x4e: {  	s18 =	sadd.s32 $0x200, s18  }
0x4f: {  	_ =	swait.ge [sflag:s12], $0x4000  }
0x50: {  	[sflag:s12] =	ssyncset.done $0x0  }
0x51: {  	s17 =	sadd.s32 $0x1, s17  }
0x52: {  	[sflag:s12] =	ssyncadd.s32 $0xFFFFC000;
	p0 =	sne.s32 s17, s11  }
.Ltmp3:
0x53: {  	[bflag:$0x0] =	sbarrier.arrive $0xFFFF;
	(pc) =	sbr.rel @p0 .LBB2_1-.Ltmp3, $4  }
0x54: {  	[hbm:s10], [sflag:s15] =	dma.local [spmem:s16], $0x2780  }
0x55: {  	_ =	swait.ge [sflag:s12], $0x2780  }
0x56: {  	[sflag:s12] =	ssyncset.done $0x0  }
0x57: {  	[sflag:s12] =	ssyncadd.s32 $0xFFFFD880  }
0x58: {  	_ =	sfence.sel $0x180000  }
0x59: {  	[bflag:$0x0] =	sbarrier.arrive $0xFFFF  }
0x5a: {  	p0 =	sne.s32 s0, $0x0;
	_ =	strace $0x90000047  }
0x5b: {  	s0 =	sadd.s32 @!p0 $0x100000, s1;
	[bflag:$0x2] =	sbarrier.arrive $0xFFFF  }
0x5c: {  	[sflag:s0] =	ssyncadd.tile.s32 @!p0 $0x1;
	_ =	shalt  }
.Lfunc_end2:
_tile_overlayer_lowered:
.L_overlay_start_2:
0x5d: {  	(tag) =	ssettag $0x2  }
0x5e: {  	s0 =	rddreg [dreg:$0x0];
	s2 =	stileid.u32  }
0x5f: {  	s1 =	rddreg [dreg:$0x1];
	p0 =	sne.s32 s2, $0x0  }
0x60: {  	s3 =	rddreg [dreg:$0x2];
	[bflag:$0x3] =	sbarrier.arrive $0xFFFF;
	s2 =	simm.s32 @!p0 $0x1C01  }
0x61: {  	[timem:s3], [sflag:s2] =	dma.local @!p0 [hbm:s0], s1  }
0x62: {  	s0 =	simm.s32 @!p0 $0x1  }
0x63: {  	_ =	swait.ge @!p0 [sflag:s0], s1  }
0x64: {  	s1 =	ssub.s32 @!p0 $0x0, s1;
	[sflag:s0] =	ssyncset.done @!p0 $0x0  }
0x65: {  	[sflag:s0] =	ssyncadd.s32 @!p0 s1  }
0x66: {  	[bflag:$0x3] =	sbarrier.arrive $0xFFFF  }
0x67: {  	_ =	shalt  }

// kernel: kernel.13.cloned.1.call-start
scs
__scs_entry_jumppad:
0x0: {  	(pc) =	sbr.rel $0x88, $3  }
0x1: {  	(tag) =	ssettag $0x0;
	lr =	simm.s32 $0x1  }
0x2: {  	[smem:$0x3F98] =	sst lr;
	_ =	strace $0xD0000000  }
0x3: {  	_ = 	snop  }
0x4: {  	_ = 	snop  }
0x5: {  	_ = 	snop  }
0x6: {  	_ = 	snop  }
0x7: {  	_ = 	snop  }
__scs_overlays_trampoline_lowered:
0x8: {  	[smem:$0x3FA7] =	sst s0  }
0x9: {  	[smem:$0x3FA8] =	sst s1  }
0xa: {  	[smem:$0x3FA9] =	sst s2  }
0xb: {  	[smem:$0x3FAA] =	sst s3  }
0xc: {  	[smem:$0x3FAB] =	sst s4  }
0xd: {  	[smem:$0x3FAC] =	sst s5  }
0xe: {  	[smem:$0x3FAD] =	sst s6  }
0xf: {  	[smem:$0x3FAE] =	sst s7  }
0x10: {  	[smem:$0x3FAF] =	sst s8  }
0x11: {  	[smem:$0x3FB0] =	sst s9;
	s0 =	simm.s32 @!p0 $0x0  }
0x12: {  	s1 =	sld [smem:$0x3F96];
	s0 =	simm.s32 @p0 $0x1  }
0x13: {  	[smem:$0x3FB1] =	sst s0;
	s0 =	simm.s32 @!p1 $0x0  }
0x14: {  	s2 =	sld [smem:$0x3F95];
	s0 =	simm.s32 @p1 $0x1  }
0x15: {  	[smem:$0x3FB2] =	sst s0;
	s0 =	simm.s32 @!p2 $0x0  }
0x16: {  	s3 =	sld [smem:$0x3FDB];
	s0 =	simm.s32 @p2 $0x1  }
0x17: {  	s4 =	simm.s32 $0x1BF5;
	[smem:$0x3FB4] =	sst s0  }
0x18: {  	s0 =	sld [smem:$0x3F97];
	_ =	swait.ge [sflag:s4], $0x0  }
0x19: {  	s7 =	sld [smem:$0x3F98]  }
0x1a: {  	s8 =	sadd.s32 $0xFFFFE003, lr  }
0x1b: {  	s9 =	sadd.s32 $0xFFFFFEF7, lr;
	s5 =	simm.s32 $0xFFFFFFFF;
	p2 =	slt.u32 s8, $0xFFFFF086  }
0x1c: {  	p1 =	slt.u32 s9, $0xF7A;
	s5 =	simm.s32 @!p2 $0x0  }
0x1d: {  	s5 =	simm.s32 @p1 $0x1;
	p0 =	seq.s32 s7, s2  }
0x1e: {  	s7 =	smul.u32 @!p0 $0xF7A, s2;
	p2 =	seq.s32 @!p0 s5, $0x0  }
0x1f: {  	s9 =	smul.u32 $0xF7A, s1;
	s8 =	simm.s32 @!p0 $0x1BF5;
	p2 =	por !p2, p0  }
0x20: {  	[sflag:s8] =	ssyncset.s32 @!p0 $0xFFFFF086;
	s6 =	sadd.s32 @!p0 s3, s7;
	s7 =	simm.s32 @!p0 $0x108  }
0x21: {  	s3 =	sadd.s32 s3, s9;
	s6 =	sadd.s32 @!p0 $0x88, s6;
	s7 =	simm.s32 @p2 $0x1082  }
0x22: {  	[simem:s7], [sflag:s8] =	dma.local @!p0 [hbm:s6], $0xF7A  }
0x23: {  	s9 =	sor.u32 $0xD0000000, s2;
	s6 =	simm.s32 $0x108;
	_ =	swait.ge @!p0 [sflag:s8], $0x0  }
0x24: {  	s3 =	sadd.s32 $0x88, s3;
	s6 =	simm.s32 @!p1 $0x1082;
	[sflag:s4] =	ssyncset.s32 $0xFFFFF086  }
0x25: {  	[simem:s6], [sflag:s4] =	dma.local [hbm:s3], $0xF7A  }
0x26: {  	[smem:$0x3F98] =	sst s1;
	(tag) =	ssettag s2;
	_ =	strace s9  }
0x27: {  	s1 =	sld [smem:$0x3FA8]  }
0x28: {  	s2 =	sld [smem:$0x3FA9]  }
0x29: {  	s4 =	sld [smem:$0x3FAB]  }
0x2a: {  	p0 =	seq.s32 s5, $0x0;
	s5 =	sld [smem:$0x3FAC]  }
0x2b: {  	s6 =	sld [smem:$0x3FAD]  }
0x2c: {  	s7 =	sld [smem:$0x3FAE]  }
0x2d: {  	s3 =	simm.s32 $0x108;
	s8 =	sld [smem:$0x3FAF]  }
0x2e: {  	s3 =	simm.s32 @!p0 $0x1082;
	s9 =	sld [smem:$0x3FB0]  }
0x2f: {  	lr =	sadd.s32 s0, s3;
	s0 =	sld [smem:$0x3FA7]  }
0x30: {  	s3 =	sld [smem:$0x3FAA]  }
0x31: {  	[smem:$0x3FB3] =	sst s10  }
0x32: {  	s10 =	sld [smem:$0x3FB1];
	_ =	sdelay $0x3  }
0x33: {  	p0 =	seq.s32 s10, $0x1;
	s10 =	sld [smem:$0x3FB3];
	_ =	sdelay $0x3  }
0x34: {  	[smem:$0x3FB3] =	sst s10  }
0x35: {  	s10 =	sld [smem:$0x3FB2];
	_ =	sdelay $0x3  }
0x36: {  	p1 =	seq.s32 s10, $0x1;
	s10 =	sld [smem:$0x3FB3];
	_ =	sdelay $0x3  }
0x37: {  	[smem:$0x3FB3] =	sst s10  }
0x38: {  	s10 =	sld [smem:$0x3FB4]  }
0x39: {  	_ = 	snop;
	(pc) =	sbr.ind lr, $3  }
0x3a: {  	_ = 	snop  }
0x3b: {  	_ = 	snop  }
0x3c: {  	p2 =	seq.s32 s10, $0x1;
	s10 =	sld [smem:$0x3FB3]  }
0x3d: {  	_ =	shalt  }
0x3e: {  	_ =	shalt  }
0x3f: {  	_ =	shalt  }
0x40: {  	_ =	shalt  }
0x41: {  	_ =	shalt  }
0x42: {  	_ =	shalt  }
0x43: {  	_ =	shalt  }
0x44: {  	_ =	shalt  }
0x45: {  	_ =	shalt  }
0x46: {  	_ =	shalt  }
0x47: {  	_ =	shalt  }
0x48: {  	_ =	shalt  }
0x49: {  	_ =	shalt  }
0x4a: {  	_ =	shalt  }
0x4b: {  	_ =	shalt  }
0x4c: {  	_ =	shalt  }
0x4d: {  	_ =	shalt  }
0x4e: {  	_ =	shalt  }
0x4f: {  	_ =	shalt  }
0x50: {  	_ =	shalt  }
0x51: {  	_ =	shalt  }
0x52: {  	_ =	shalt  }
0x53: {  	_ =	shalt  }
0x54: {  	_ =	shalt  }
0x55: {  	_ =	shalt  }
0x56: {  	_ =	shalt  }
0x57: {  	_ =	shalt  }
0x58: {  	_ =	shalt  }
0x59: {  	_ =	shalt  }
0x5a: {  	_ =	shalt  }
0x5b: {  	_ =	shalt  }
0x5c: {  	_ =	shalt  }
0x5d: {  	_ =	shalt  }
0x5e: {  	_ =	shalt  }
0x5f: {  	_ =	shalt  }
0x60: {  	_ =	shalt  }
0x61: {  	_ =	shalt  }
0x62: {  	_ =	shalt  }
0x63: {  	_ =	shalt  }
0x64: {  	_ =	shalt  }
0x65: {  	_ =	shalt  }
0x66: {  	_ =	shalt  }
0x67: {  	_ =	shalt  }
0x68: {  	_ =	shalt  }
0x69: {  	_ =	shalt  }
0x6a: {  	_ =	shalt  }
0x6b: {  	_ =	shalt  }
0x6c: {  	_ =	shalt  }
0x6d: {  	_ =	shalt  }
0x6e: {  	_ =	shalt  }
0x6f: {  	_ =	shalt  }
0x70: {  	_ =	shalt  }
0x71: {  	_ =	shalt  }
0x72: {  	_ =	shalt  }
0x73: {  	_ =	shalt  }
0x74: {  	_ =	shalt  }
0x75: {  	_ =	shalt  }
0x76: {  	_ =	shalt  }
0x77: {  	_ =	shalt  }
0x78: {  	_ =	shalt  }
0x79: {  	_ =	shalt  }
0x7a: {  	_ =	shalt  }
0x7b: {  	_ =	shalt  }
0x7c: {  	_ =	shalt  }
0x7d: {  	_ =	shalt  }
0x7e: {  	_ =	shalt  }
0x7f: {  	_ =	shalt  }
0x80: {  	_ =	shalt  }
0x81: {  	_ =	shalt  }
0x82: {  	_ =	shalt  }
0x83: {  	_ =	shalt  }
0x84: {  	_ =	shalt  }
0x85: {  	_ =	shalt  }
0x86: {  	_ =	shalt  }
0x87: {  	_ =	shalt  }
.Lfunc_end0:
.L_simem_size_0:
called_computation.1_lowered:
.L_overlay_start_0:
0x88: {  	s2 =	sld [smem:$0x3FD9]  }
0x89: {  	s3 =	sld [smem:$0x3FFE];
	_ =	sdelay $0x1  }
0x8a: {  	s1 =	srdreg.scid  }
0x8b: {  	s0 =	sand.u32 $0x1, s1  }
0x8c: {  	s16 =	sshll.u32 s0, $0xA;
	s2 =	sadd.s32 s3, s2  }
0x8d: {  	s2 =	sadd.s32 s2, s16  }
0x8e: {  	[smem:$0x3FBF] =	sst s2  }
0x8f: {  	_ = 	snop  }
0x90: {  	(tm) =	ssettm $0x1  }
0x91: {  	s17 =	sld [smem:$0x3FFB];
	_ =	sdelay $0x3  }
0x92: {  	_ =	strace s17  }
0x93: {  	s2 =	sld [smem:$0x3FFC];
	_ =	sdelay $0x3  }
0x94: {  	_ =	strace s2  }
0x95: {  	s2 =	sld [smem:$0x3FFD];
	_ =	sdelay $0x3  }
0x96: {  	_ =	strace s2  }
0x97: {  	_ =	strace $0x8FFFFFFF  }
0x98: {  	s18 =	sld [smem:$0x3FDB];
	_ =	sdelay $0x1  }
0x99: {  	s19 =	simm.s32 $_scs_section_size  }
0x9a: {  	s4 =	simm.s32 $_size__tile_overlayer_lowered;
	s5 =	simm.s32 $_tile_overlayer_lowered  }
0x9b: {  	s22 =	simm.s32 $0x1BFF;
	s21 =	sshll.u32 s5, $0x1;
	s2 =	sadd.s32 s19, s18  }
0x9c: {  	s6 =	simm.s32 $0x0;
	s20 =	sshll.u32 s4, $0x1;
	s4 =	sadd.s32 s21, s2  }
0x9d: {  	[timem:s6], [sflag:s22] =	dma.local [hbm:s4], s20  }
0x9e: {  	_ =	swait.ge [sflag:s22], s20  }
0x9f: {  	s3 =	ssub.s32 $0x0, s20;
	[sflag:s22] =	ssyncset.done $0x0  }
0xa0: {  	[sflag:s22] =	ssyncadd.s32 s3;
	_ =	sdelay $0x1  }
0xa1: {  	s23 =	simm.s32 $0x1B8B  }
0xa2: {  	_ =	swait.ge [sflag:s23], $0x1  }
0xa3: {  	[sflag:s23] =	ssyncset.done $0x0  }
0xa4: {  	s25 =	simm.s32 $0x1B8E;
	s24 =	sld [smem:$0x3FFE];
	[sflag:s23] =	ssyncadd.s32 $0xFFFFFFFF  }
0xa5: {  	s26 =	simm.s32 $execute0_lowered;
	[smem:$0x3FD2] =	sst s25  }
0xa6: {  	s4 =	sshll.u32 s26, $0x1;
	_ =	strace $0x80000049;
	[dreg:$0x1] =	wrdreg $0xFFFFFFFF  }
0xa7: {  	s28 =	simm.s32 $_size_execute0_lowered;
	s2 =	sadd.s32 s2, s4;
	[dreg:$0x0] =	wrdreg $0x0  }
0xa8: {  	s4 =	sshll.u32 s28, $0x1;
	[dreg:$0x2] =	wrdreg s2  }
0xa9: {  	[dreg:$0x3] =	wrdreg s4  }
0xaa: {  	[dreg:$0x4] =	wrdreg $0xC0  }
0xab: {  	_ =	task [dreg:s6], $0x5FFFF  }
0xac: {  	[dreg:$0x1] =	wrdreg $0xFFFFFFFF  }
0xad: {  	[dreg:$0x0] =	wrdreg $0x60  }
0xae: {  	[dreg:$0x2] =	wrdreg s24  }
0xaf: {  	[dreg:$0x3] =	wrdreg $0xC3000  }
0xb0: {  	[dreg:$0x4] =	wrdreg $0x9  }
0xb1: {  	_ =	task.clear_ibuf [dreg:s6], $0x5FFFF;
	_ =	strace $0x90000049  }
0xb2: {  	s29 =	simm.s32 $0x9;
	_ =	strace $0x8000004B  }
0xb3: {  	_ =	swait.ge [sflag:s29], $0x1  }
0xb4: {  	[sflag:s29] =	ssyncadd.s32 $0xFFFFFFFF  }
0xb5: {  	_ =	strace $0x9000004B  }
0xb6: {  	_ =	sfence  }
0xb7: {  	s30 =	sld [smem:$0x0];
	_ =	sdelay $0x2  }
0xb8: {  	s31 =	sshll.u32 s1, $0xD;
	s1 =	sshrl.u32 s1, $0x2  }
0xb9: {  	s3 =	sand.u32 $0x4000, s31;
	s1 =	sadd.s32 s1, s30  }
0xba: {  	s0 =	sor.u32 s3, s0;
	s1 =	sshll.u32 s1, $0x11  }
0xbb: {  	s0 =	sor.u32 s1, s0  }
0xbc: {  	s0 =	sadd.s32 $0x8F2B, s0  }
0xbd: {  	[sflag:s0] =	ssyncadd.remote.s32 $0x1  }
0xbe: {  	_ =	sfence.sel $0xFFFF  }
0xbf: {  	[dreg:$0x0] =	wrdreg $0xFFFFFFFF;
	(pc) =	sbr.abs _section_cstart, $3  }
0xc0: {  	[dreg:$0x1] =	wrdreg $0xFFFFFFFF  }
0xc1: {  	_ =	task.clear_ibuf [dreg:s6], $0x2FFFF;
	_ =	strace $0x9FFFFFFF  }
0xc2: {  	(tm) =	ssettm $0x7FFFFFFF  }
0xc3: {  	_ =	shalt  }
tec
execute0_lowered:
.L_overlay_start_1:
0x0: {  	(tag) =	ssettag $0x1  }
0x1: {  	s5 =	rddreg [dreg:$0x0]  }
0x2: {  	s1 =	rddreg [dreg:$0x1];
	s2 =	srdreg.scid  }
0x3: {  	s3 =	simm.s32 $0x0;
	s0 =	stileid.u32;
	s17 =	simm.s32 $0x7  }
0x4: {  	s18 =	simm.s32 $0x100;
	s20 =	simm.s32 $0x80;
	s8 =	smul.u32 $0x13C00, s0  }
0x5: {  	s6 =	sand.u32 $0x1, s2;
	[smem:$0x7FF] =	sst s3;
	s9 =	smul.u32 $0x4F000, s0  }
0x6: {  	s4 =	sadd.s32 $0x5200, s5;
	s25 =	sshll.u32 s0, $0x1;
	s29 =	smul.u32 $0x9E00, s0  }
0x7: {  	s15 =	sadd.s32 $0x5E200, s5;
	s7 =	smul.u32 $0x13C000, s6;
	_ =	strace $0x8000004A  }
0x8: {  	s26 =	ssub.s32 $0x2, s6;
	s11 =	smul.u32 $0x4F00, s6;
	s28 =	sshrl.u32 s9, $0x2  }
0x9: {  	s30 =	sshrl.u32 s26, $0x1;
	s7 =	sadd.s32 s8, s7;
	s8 =	sor.u32 s6, s25  }
0xa: {  	s14 =	ssub.s32 s26, s30;
	s11 =	sadd.s32 s11, s29;
	s7 =	sshrl.u32 s7, $0x3  }
0xb: {  	s10 =	smul.u32 $0x4F00, s8;
	s16 =	sadd.s32 $0x300, s11;
	s14 =	smax.u32 s14, $0x1  }
0xc: {  	s13 =	sadd.s32 s7, s5;
	s5 =	sadd.s32 s28, s1;
	s16 =	sshrl.u32 s16, $0x3  }
0xd: {  	s31 =	sadd.s32 $0x4000, s5;
	s7 =	sadd.s32 $0x8000, s5;
	s8 =	sadd.s32 $0xC000, s5  }
0xe: {  	s10 =	sshrl.u32 s10, $0x3;
	s9 =	sadd.s32 $0x10000, s5;
	s13 =	sadd.s32 $0x71E00, s13  }
0xf: {  	[dreg:$0x3] =	wrdreg s31;
	s10 =	sadd.s32 s15, s10;
	s15 =	sadd.s32 s16, s15  }
0x10: {  	v0 =	vimm.f32 $0.0e+00;
	s16 =	simm.s32 $0x300;
	s11 =	sadd.s32 $0x20, s10;
	s12 =	sadd.s32 $0x40, s10  }
.LBB2_1:
0x11: {  	s22 =	simm.s32 $0x0;
	s23 =	simm.s32 $0x200  }
.LBB2_2:
0x12: {  	p0 =	sne.s32 s23, $0xFE00;
	[tilespmem:s22+$0x370] =	vst v0  }
0x13: {  	[tilespmem:s22+$0x300] =	vst v0  }
0x14: {  	[tilespmem:s22+$0x310] =	vst v0  }
.Ltmp0:
0x15: {  	[tilespmem:s22+$0x320] =	vst v0;
	(pc) =	sbr.rel @p0 .LBB2_2-.Ltmp0, $4  }
0x16: {  	[tilespmem:s22+$0x330] =	vst v0  }
0x17: {  	[tilespmem:s22+$0x340] =	vst v0  }
0x18: {  	[tilespmem:s22+$0x350] =	vst v0  }
0x19: {  	[tilespmem:s22+$0x360] =	vst v0;
	s22 =	sshra.s32 s23, $0x2;
	s23 =	sadd.s32 $0x200, s23  }
0x1a: {  	[tilespmem:s22+$0x370] =	vst v0  }
0x1b: {  	[tilespmem:s22+$0x300] =	vst v0  }
0x1c: {  	[tilespmem:s22+$0x310] =	vst v0  }
0x1d: {  	[tilespmem:s22+$0x320] =	vst v0  }
0x1e: {  	[tilespmem:s22+$0x330] =	vst v0  }
0x1f: {  	[tilespmem:s22+$0x340] =	vst v0  }
0x20: {  	[tilespmem:s22+$0x350] =	vst v0  }
0x21: {  	[tilespmem:s22+$0x360] =	vst v0  }
0x22: {  	[spmem:s5] =	stream.linear.scatter [tilespmem:s16], [sflag:$0x7], $0x4000, $0x38;
	[tilespmem:$0x1FF00] =	vst v63  }
0x23: {  	_ =	swait.ge [sflag:s17], $0x4000  }
0x24: {  	[sflag:s17] =	ssyncset.done $0x0  }
0x25: {  	s0 =	rddreg [dreg:$0x3];
	[sflag:s17] =	ssyncadd.s32 $0xFFFFC000  }
0x26: {  	[spmem:s0] =	stream.linear.scatter [tilespmem:s16], [sflag:$0x7], $0x4000, $0x38;
	[tilespmem:$0x1FF00] =	vst v63  }
0x27: {  	_ =	swait.ge [sflag:s17], $0x4000  }
0x28: {  	[sflag:s17] =	ssyncset.done $0x0  }
0x29: {  	[sflag:s17] =	ssyncadd.s32 $0xFFFFC000  }
0x2a: {  	[spmem:s7] =	stream.linear.scatter [tilespmem:s16], [sflag:$0x7], $0x4000, $0x38;
	[tilespmem:$0x1FF00] =	vst v63  }
0x2b: {  	_ =	swait.ge [sflag:s17], $0x4000  }
0x2c: {  	[sflag:s17] =	ssyncset.done $0x0  }
0x2d: {  	[sflag:s17] =	ssyncadd.s32 $0xFFFFC000  }
0x2e: {  	[spmem:s8] =	stream.linear.scatter [tilespmem:s16], [sflag:$0x7], $0x4000, $0x38;
	[tilespmem:$0x1FF00] =	vst v63  }
0x2f: {  	_ =	swait.ge [sflag:s17], $0x4000  }
0x30: {  	[sflag:s17] =	ssyncset.done $0x0  }
0x31: {  	[sflag:s17] =	ssyncadd.s32 $0xFFFFC000  }
0x32: {  	[spmem:s9] =	stream.linear.scatter [tilespmem:s16], [sflag:$0x7], $0x3C00, $0x38;
	[tilespmem:$0x1FF00] =	vst v63  }
0x33: {  	_ =	swait.ge [sflag:s17], $0x3C00  }
0x34: {  	[sflag:s17] =	ssyncset.done $0x0  }
0x35: {  	[sflag:s17] =	ssyncadd.s32 $0xFFFFC400  }
0x36: {  	s23 =	simm.s32 $0x0;
	[bflag:$0x0] =	sbarrier.arrive $0xFFFF  }
0x37: {  	[tilespmem:s23], [sflag:$0x7] =	stream.linear.gather [hbm4b:s10+s23], $0x100, $0x38;
	[tilespmem:$0x1FF00] =	vst v63  }
0x38: {  	_ =	swait.ge [sflag:s17], $0x100  }
0x39: {  	[sflag:s17] =	ssyncset.done $0x0  }
0x3a: {  	[sflag:s17] =	ssyncadd.s32 $0xFFFFFF00  }
0x3b: {  	[tilespmem:s18], [sflag:$0x7] =	stream.linear.gather [hbm4b:s11+s23], $0x100, $0x38;
	[tilespmem:$0x1FF00] =	vst v63  }
0x3c: {  	_ =	swait.ge [sflag:s17], $0x100  }
0x3d: {  	s19 =	simm.s32 $0x200;
	[sflag:s17] =	ssyncset.done $0x0  }
0x3e: {  	s24 =	simm.s32 $0x2;
	s21 =	smul.u32 $0xAB, s23;
	[sflag:s17] =	ssyncadd.s32 $0xFFFFFF00  }
0x3f: {  	[tilespmem:s19], [sflag:$0x7] =	stream.linear.gather [hbm4b:s12+s23], $0x100, $0x38;
	[tilespmem:$0x1FF00] =	vst v63  }
0x40: {  	s24 =	sand.u32 $0xFF, s24;
	s22 =	sshrl.u32 s21, $0x9;
	_ =	swait.ge [sflag:s17], $0x100  }
0x41: {  	s24 =	smul.u32 $0xAB, s24;
	s22 =	sand.u32 $0x7F, s22;
	[sflag:s17] =	ssyncset.done $0x0  }
0x42: {  	s22 =	smul.u32 $0x3, s22;
	[sflag:s17] =	ssyncadd.s32 $0xFFFFFF00  }
0x43: {  	[tilespmem:s16], [sflag:$0x1] =	stream.indirect.gather [hbm4b:s4+s20], $0x80, s23, s20, $0xb8;
	[tilespmem:$0x1FF00] =	vst v63  }
0x44: {  	s25 =	simm.s32 $0x4300;
	s24 =	sshrl.u32 s24, $0x9;
	s22 =	ssub.s32 $0x0, s22  }
0x45: {  	[tilespmem:s25], [sflag:$0x2] =	stream.indirect.gather [hbm4b:s4+s20], $0x80, s18, s20, $0xb8;
	[tilespmem:$0x1FF00] =	vst v63  }
0x46: {  	s25 =	smul.u32 $0x3, s24;
	s24 =	sand.u32 $0xFF, s22  }
0x47: {  	p0 =	por $0x0, $0x0;
	s22 =	sadd.s32 $0x1, s24  }
0x48: {  	p1 =	por @!p0 $0x1, $0x1;
	s25 =	ssub.s32 $0x2, s25;
	_ =	swait.ge [sflag:s22], $0x4000  }
0x49: {  	p1 =	por p1, p0;
	s25 =	sand.u32 $0xFF, s25;
	[sflag:s22] =	ssyncset.done $0x0  }
0x4a: {  	s26 =	simm.s32 @!p0 $0x80;
	[sflag:s22] =	ssyncadd.s32 $0xFFFFC000;
	s22 =	sadd.s32 @!p1 $0x4, s25  }
0x4b: {  	s31 =	sshll.u32 s24, $0xE;
	s28 =	sshll.u32 @!p0 s25, $0xE;
	_ =	swait.ge @!p1 [sflag:s22], $0x100  }
0x4c: {  	s29 =	sadd.s32 @!p0 $0x1, s25;
	s25 =	sshll.u32 @!p0 s25, $0x8;
	[sflag:s22] =	ssyncset.done @!p1 $0x0  }
0x4d: {  	s30 =	sor.u32 @!p0 $0x300, s28;
	s28 =	sshll.u32 s24, $0x8;
	[sflag:s22] =	ssyncadd.s32 @!p1 $0xFFFFFF00  }
0x4e: {  	[tilespmem:s30], [sflag:s29] =	stream.indirect.gather @!p0 [hbm4b:s4+s26], $0x80, s25, s26, $0xb8;
	[tilespmem:$0x1FF00] =	vst v63  }
0x4f: {  	s26 =	sor.u32 $0x300, s31;
	s30 =	sor.u32 $0x80, s28  }
0x50: {  	[spmem:s1] =	stream.indirect.scatter.add.f32 [tilespmem:s26], [sflag:$0x7], $0x80, s30, s20, $0xb8;
	[tilespmem:$0x1FF00] =	vst v63  }
0x51: {  	s26 =	simm.s32 $0x1  }
0x52: {  	s31 =	smul.u32 $0xAB, s26  }
0x53: {  	s22 =	sadd.s32 $0x20, s15;
	s29 =	simm.s32 $0x2;
	s25 =	smov.u32 s15  }
.LBB2_4:
0x54: {  	s31 =	sshrl.u32 s31, $0x9;
	s0 =	sadd.s32 $0x2, s26;
	s30 =	smov.u32 s29  }
0x55: {  	s29 =	sadd.s32 $0x1, s29;
	s2 =	smov.u32 s25;
	s25 =	smov.u32 s22  }
0x56: {  	p0 =	sne.s32 s29, $0x4F;
	s31 =	sand.u32 $0x7F, s31;
	s19 =	sand.u32 $0xFF, s0  }
0x57: {  	s19 =	smul.u32 $0xAB, s19  }
0x58: {  	s31 =	smul.u32 $0x3, s31  }
0x59: {  	p2 =	sgt.u32 s23, $0x4B;
	s19 =	sshrl.u32 s19, $0x9;
	_ =	swait.ge [sflag:s17], $0x4000  }
0x5a: {  	s23 =	ssub.s32 s26, s31;
	s31 =	simm.s32 @!p2 $0x0;
	s19 =	smul.u32 $0x3, s19  }
0x5b: {  	s21 =	sadd.s32 @!p2 $0x4, s24;
	s24 =	sand.u32 $0xFF, s23;
	[sflag:s17] =	ssyncset.done $0x0  }
0x5c: {  	s0 =	ssub.s32 s0, s19;
	s19 =	sadd.s32 $0x1, s24;
	[sflag:s17] =	ssyncadd.s32 $0xFFFFC000  }
0x5d: {  	p1 =	sgt.u32 s26, $0x4C;
	s23 =	smov.u32 s26;
	s0 =	sand.u32 $0xFF, s0  }
0x5e: {  	[tilespmem:s28], [sflag:s21] =	stream.linear.gather @!p2 [hbm4b:s2+s31], $0x100, $0x38;
	[tilespmem:$0x1FF00] =	vst v63  }
0x5f: {  	p2 =	seq.s32 @!p1 s23, $0x0  }
0x60: {  	s2 =	simm.s32 @!p1 $0x80;
	s21 =	sshll.u32 @!p1 s0, $0xE;
	_ =	swait.ge [sflag:s19], $0x4000  }
0x61: {  	s26 =	sadd.s32 @!p1 $0x1, s0;
	p2 =	por p2, p1;
	[sflag:s19] =	ssyncset.done $0x0  }
0x62: {  	s31 =	sshll.u32 s24, $0xE;
	[sflag:s19] =	ssyncadd.s32 $0xFFFFC000;
	s19 =	sadd.s32 @!p2 $0x4, s0  }
0x63: {  	s21 =	sor.u32 @!p1 $0x300, s21;
	s0 =	sshll.u32 @!p1 s0, $0x8;
	_ =	swait.ge @!p2 [sflag:s19], $0x100  }
.Ltmp1:
0x64: {  	s28 =	sshll.u32 s24, $0x8;
	[sflag:s19] =	ssyncset.done @!p2 $0x0;
	(pc) =	sbr.rel @p0 .LBB2_4-.Ltmp1, $4  }
0x65: {  	s6 =	sor.u32 $0x300, s31;
	[sflag:s19] =	ssyncadd.s32 @!p2 $0xFFFFFF00;
	s19 =	sor.u32 $0x80, s28  }
0x66: {  	[tilespmem:s21], [sflag:s26] =	stream.indirect.gather @!p1 [hbm4b:s4+s2], $0x80, s0, s2, $0xb8;
	[tilespmem:$0x1FF00] =	vst v63  }
0x67: {  	s22 =	sadd.s32 $0x20, s22;
	s31 =	smul.u32 $0xAB, s30;
	s26 =	smov.u32 s30  }
0x68: {  	[spmem:s1] =	stream.indirect.scatter.add.f32 [tilespmem:s6], [sflag:$0x7], $0x80, s19, s20, $0xb8;
	[tilespmem:$0x1FF00] =	vst v63  }
0x69: {  	s0 =	sadd.s32 $0x2, s26;
	s2 =	sshrl.u32 s31, $0x9;
	_ =	swait.ge [sflag:s17], $0x4000  }
0x6a: {  	p1 =	sgt.u32 s23, $0x4B;
	s6 =	sand.u32 $0xFF, s0;
	s2 =	sand.u32 $0x7F, s2  }
0x6b: {  	s19 =	simm.s32 @!p1 $0x0;
	[sflag:s17] =	ssyncset.done $0x0;
	s6 =	smul.u32 $0xAB, s6  }
0x6c: {  	s21 =	sadd.s32 @!p1 $0x4, s24;
	s2 =	smul.u32 $0x3, s2;
	[sflag:s17] =	ssyncadd.s32 $0xFFFFC000  }
0x6d: {  	[tilespmem:s28], [sflag:s21] =	stream.linear.gather @!p1 [hbm4b:s25+s19], $0x100, $0x38;
	[tilespmem:$0x1FF00] =	vst v63  }
0x6e: {  	s6 =	sshrl.u32 s6, $0x9;
	s2 =	ssub.s32 s26, s2  }
0x6f: {  	s6 =	smul.u32 $0x3, s6;
	s2 =	sand.u32 $0xFF, s2  }
0x70: {  	p0 =	sgt.u32 s26, $0x4C;
	s30 =	sadd.s32 $0x1, s2  }
0x71: {  	p1 =	seq.s32 @!p0 s26, $0x0;
	s0 =	ssub.s32 s0, s6;
	_ =	swait.ge [sflag:s30], $0x4000  }
0x72: {  	p1 =	por p1, p0;
	s0 =	sand.u32 $0xFF, s0;
	[sflag:s30] =	ssyncset.done $0x0  }
0x73: {  	s31 =	sshll.u32 s2, $0xE;
	[sflag:s30] =	ssyncadd.s32 $0xFFFFC000;
	s19 =	sadd.s32 @!p1 $0x4, s0  }
0x74: {  	s25 =	sshll.u32 s2, $0x8;
	s6 =	simm.s32 @!p0 $0x80;
	_ =	swait.ge @!p1 [sflag:s19], $0x100  }
0x75: {  	s21 =	sshll.u32 @!p0 s0, $0xE;
	s23 =	sadd.s32 @!p0 $0x1, s0;
	[sflag:s19] =	ssyncset.done @!p1 $0x0  }
0x76: {  	s0 =	sshll.u32 @!p0 s0, $0x8;
	s21 =	sor.u32 @!p0 $0x300, s21;
	[sflag:s19] =	ssyncadd.s32 @!p1 $0xFFFFFF00  }
0x77: {  	[tilespmem:s21], [sflag:s23] =	stream.indirect.gather @!p0 [hbm4b:s4+s6], $0x80, s0, s6, $0xb8;
	[tilespmem:$0x1FF00] =	vst v63  }
0x78: {  	s28 =	sor.u32 $0x300, s31;
	s29 =	sor.u32 $0x80, s25  }
0x79: {  	[spmem:s1] =	stream.indirect.scatter.add.f32 [tilespmem:s28], [sflag:$0x7], $0x80, s29, s20, $0xb8;
	[tilespmem:$0x1FF00] =	vst v63  }
0x7a: {  	s3 =	sadd.s32 $0x1, s3;
	_ =	swait.ge [sflag:s17], $0x4000  }
0x7b: {  	s30 =	stileid.u32;
	p0 =	sgt.u32 s26, $0x4B;
	[sflag:s17] =	ssyncset.done $0x0  }
0x7c: {  	s0 =	simm.s32 @!p0 $0x0;
	s2 =	sadd.s32 @!p0 $0x4, s2;
	[sflag:s17] =	ssyncadd.s32 $0xFFFFC000  }
0x7d: {  	[tilespmem:s25], [sflag:s2] =	stream.linear.gather @!p0 [hbm4b:s22+s0], $0x100, $0x38;
	[tilespmem:$0x1FF00] =	vst v63  }
0x7e: {  	s31 =	sshrl.u32 s5, $0x3;
	s0 =	sshll.u32 s30, $0x6;
	p0 =	sne.s32 s3, s14  }
.Ltmp2:
0x7f: {  	[bflag:$0x0] =	sbarrier.arrive $0xFFFF;
	s0 =	sor.u32 $0x1C07, s0;
	(pc) =	sbr.rel @p0 .LBB2_1-.Ltmp2, $4  }
0x80: {  	[hbm:s13], [sflag:s0] =	dma.local [spmem:s31], $0x2780  }
0x81: {  	_ =	swait.ge [sflag:s17], $0x2780  }
0x82: {  	[sflag:s17] =	ssyncset.done $0x0  }
0x83: {  	[sflag:s17] =	ssyncadd.s32 $0xFFFFD880  }
0x84: {  	_ =	sfence.sel $0x180000  }
0x85: {  	[bflag:$0x0] =	sbarrier.arrive $0xFFFF  }
0x86: {  	_ =	strace $0x9000004A  }
0x87: {  	s0 =	stileid.u32;
	[bflag:$0x2] =	sbarrier.arrive $0xFFFF  }
0x88: {  	p0 =	sne.s32 s0, $0x0;
	s0 =	rddreg [dreg:$0x2]  }
0x89: {  	s0 =	sadd.s32 @!p0 $0x100000, s0  }
0x8a: {  	[sflag:s0] =	ssyncadd.tile.s32 @!p0 $0x1;
	_ =	shalt  }
.Lfunc_end2:
_tile_overlayer_lowered:
.L_overlay_start_2:
0x8b: {  	(tag) =	ssettag $0x2  }
0x8c: {  	s0 =	rddreg [dreg:$0x0];
	s2 =	stileid.u32  }
0x8d: {  	s1 =	rddreg [dreg:$0x1];
	p0 =	sne.s32 s2, $0x0  }
0x8e: {  	s3 =	rddreg [dreg:$0x2];
	[bflag:$0x3] =	sbarrier.arrive $0xFFFF;
	s2 =	simm.s32 @!p0 $0x1C07  }
0x8f: {  	[timem:s3], [sflag:s2] =	dma.local @!p0 [hbm:s0], s1  }
0x90: {  	s0 =	simm.s32 @!p0 $0x7  }
0x91: {  	_ =	swait.ge @!p0 [sflag:s0], s1  }
0x92: {  	s1 =	ssub.s32 @!p0 $0x0, s1;
	[sflag:s0] =	ssyncset.done @!p0 $0x0  }
0x93: {  	[sflag:s0] =	ssyncadd.s32 @!p0 s1  }
0x94: {  	[bflag:$0x3] =	sbarrier.arrive $0xFFFF  }
0x95: {  	_ =	shalt  }

// kernel: kernel.16.cloned.1.call-start
scs
__scs_entry_jumppad:
0x0: {  	(pc) =	sbr.rel $0x88, $3  }
0x1: {  	(tag) =	ssettag $0x0;
	lr =	simm.s32 $0x1  }
0x2: {  	[smem:$0x3F98] =	sst lr;
	_ =	strace $0xD0000000  }
0x3: {  	_ = 	snop  }
0x4: {  	_ = 	snop  }
0x5: {  	_ = 	snop  }
0x6: {  	_ = 	snop  }
0x7: {  	_ = 	snop  }
__scs_overlays_trampoline_lowered:
0x8: {  	[smem:$0x3FA7] =	sst s0  }
0x9: {  	[smem:$0x3FA8] =	sst s1  }
0xa: {  	[smem:$0x3FA9] =	sst s2  }
0xb: {  	[smem:$0x3FAA] =	sst s3  }
0xc: {  	[smem:$0x3FAB] =	sst s4  }
0xd: {  	[smem:$0x3FAC] =	sst s5  }
0xe: {  	[smem:$0x3FAD] =	sst s6  }
0xf: {  	[smem:$0x3FAE] =	sst s7  }
0x10: {  	[smem:$0x3FAF] =	sst s8  }
0x11: {  	[smem:$0x3FB0] =	sst s9;
	s0 =	simm.s32 @!p0 $0x0  }
0x12: {  	s1 =	sld [smem:$0x3F96];
	s0 =	simm.s32 @p0 $0x1  }
0x13: {  	[smem:$0x3FB1] =	sst s0;
	s0 =	simm.s32 @!p1 $0x0  }
0x14: {  	s2 =	sld [smem:$0x3F95];
	s0 =	simm.s32 @p1 $0x1  }
0x15: {  	[smem:$0x3FB2] =	sst s0;
	s0 =	simm.s32 @!p2 $0x0  }
0x16: {  	s3 =	sld [smem:$0x3FDB];
	s0 =	simm.s32 @p2 $0x1  }
0x17: {  	s4 =	simm.s32 $0x1BF5;
	[smem:$0x3FB4] =	sst s0  }
0x18: {  	s0 =	sld [smem:$0x3F97];
	_ =	swait.ge [sflag:s4], $0x0  }
0x19: {  	s7 =	sld [smem:$0x3F98]  }
0x1a: {  	s8 =	sadd.s32 $0xFFFFE003, lr  }
0x1b: {  	s9 =	sadd.s32 $0xFFFFFEF7, lr;
	s5 =	simm.s32 $0xFFFFFFFF;
	p2 =	slt.u32 s8, $0xFFFFF086  }
0x1c: {  	p1 =	slt.u32 s9, $0xF7A;
	s5 =	simm.s32 @!p2 $0x0  }
0x1d: {  	s5 =	simm.s32 @p1 $0x1;
	p0 =	seq.s32 s7, s2  }
0x1e: {  	s7 =	smul.u32 @!p0 $0xF7A, s2;
	p2 =	seq.s32 @!p0 s5, $0x0  }
0x1f: {  	s9 =	smul.u32 $0xF7A, s1;
	s8 =	simm.s32 @!p0 $0x1BF5;
	p2 =	por !p2, p0  }
0x20: {  	[sflag:s8] =	ssyncset.s32 @!p0 $0xFFFFF086;
	s6 =	sadd.s32 @!p0 s3, s7;
	s7 =	simm.s32 @!p0 $0x108  }
0x21: {  	s3 =	sadd.s32 s3, s9;
	s6 =	sadd.s32 @!p0 $0x88, s6;
	s7 =	simm.s32 @p2 $0x1082  }
0x22: {  	[simem:s7], [sflag:s8] =	dma.local @!p0 [hbm:s6], $0xF7A  }
0x23: {  	s9 =	sor.u32 $0xD0000000, s2;
	s6 =	simm.s32 $0x108;
	_ =	swait.ge @!p0 [sflag:s8], $0x0  }
0x24: {  	s3 =	sadd.s32 $0x88, s3;
	s6 =	simm.s32 @!p1 $0x1082;
	[sflag:s4] =	ssyncset.s32 $0xFFFFF086  }
0x25: {  	[simem:s6], [sflag:s4] =	dma.local [hbm:s3], $0xF7A  }
0x26: {  	[smem:$0x3F98] =	sst s1;
	(tag) =	ssettag s2;
	_ =	strace s9  }
0x27: {  	s1 =	sld [smem:$0x3FA8]  }
0x28: {  	s2 =	sld [smem:$0x3FA9]  }
0x29: {  	s4 =	sld [smem:$0x3FAB]  }
0x2a: {  	p0 =	seq.s32 s5, $0x0;
	s5 =	sld [smem:$0x3FAC]  }
0x2b: {  	s6 =	sld [smem:$0x3FAD]  }
0x2c: {  	s7 =	sld [smem:$0x3FAE]  }
0x2d: {  	s3 =	simm.s32 $0x108;
	s8 =	sld [smem:$0x3FAF]  }
0x2e: {  	s3 =	simm.s32 @!p0 $0x1082;
	s9 =	sld [smem:$0x3FB0]  }
0x2f: {  	lr =	sadd.s32 s0, s3;
	s0 =	sld [smem:$0x3FA7]  }
0x30: {  	s3 =	sld [smem:$0x3FAA]  }
0x31: {  	[smem:$0x3FB3] =	sst s10  }
0x32: {  	s10 =	sld [smem:$0x3FB1];
	_ =	sdelay $0x3  }
0x33: {  	p0 =	seq.s32 s10, $0x1;
	s10 =	sld [smem:$0x3FB3];
	_ =	sdelay $0x3  }
0x34: {  	[smem:$0x3FB3] =	sst s10  }
0x35: {  	s10 =	sld [smem:$0x3FB2];
	_ =	sdelay $0x3  }
0x36: {  	p1 =	seq.s32 s10, $0x1;
	s10 =	sld [smem:$0x3FB3];
	_ =	sdelay $0x3  }
0x37: {  	[smem:$0x3FB3] =	sst s10  }
0x38: {  	s10 =	sld [smem:$0x3FB4]  }
0x39: {  	_ = 	snop;
	(pc) =	sbr.ind lr, $3  }
0x3a: {  	_ = 	snop  }
0x3b: {  	_ = 	snop  }
0x3c: {  	p2 =	seq.s32 s10, $0x1;
	s10 =	sld [smem:$0x3FB3]  }
0x3d: {  	_ =	shalt  }
0x3e: {  	_ =	shalt  }
0x3f: {  	_ =	shalt  }
0x40: {  	_ =	shalt  }
0x41: {  	_ =	shalt  }
0x42: {  	_ =	shalt  }
0x43: {  	_ =	shalt  }
0x44: {  	_ =	shalt  }
0x45: {  	_ =	shalt  }
0x46: {  	_ =	shalt  }
0x47: {  	_ =	shalt  }
0x48: {  	_ =	shalt  }
0x49: {  	_ =	shalt  }
0x4a: {  	_ =	shalt  }
0x4b: {  	_ =	shalt  }
0x4c: {  	_ =	shalt  }
0x4d: {  	_ =	shalt  }
0x4e: {  	_ =	shalt  }
0x4f: {  	_ =	shalt  }
0x50: {  	_ =	shalt  }
0x51: {  	_ =	shalt  }
0x52: {  	_ =	shalt  }
0x53: {  	_ =	shalt  }
0x54: {  	_ =	shalt  }
0x55: {  	_ =	shalt  }
0x56: {  	_ =	shalt  }
0x57: {  	_ =	shalt  }
0x58: {  	_ =	shalt  }
0x59: {  	_ =	shalt  }
0x5a: {  	_ =	shalt  }
0x5b: {  	_ =	shalt  }
0x5c: {  	_ =	shalt  }
0x5d: {  	_ =	shalt  }
0x5e: {  	_ =	shalt  }
0x5f: {  	_ =	shalt  }
0x60: {  	_ =	shalt  }
0x61: {  	_ =	shalt  }
0x62: {  	_ =	shalt  }
0x63: {  	_ =	shalt  }
0x64: {  	_ =	shalt  }
0x65: {  	_ =	shalt  }
0x66: {  	_ =	shalt  }
0x67: {  	_ =	shalt  }
0x68: {  	_ =	shalt  }
0x69: {  	_ =	shalt  }
0x6a: {  	_ =	shalt  }
0x6b: {  	_ =	shalt  }
0x6c: {  	_ =	shalt  }
0x6d: {  	_ =	shalt  }
0x6e: {  	_ =	shalt  }
0x6f: {  	_ =	shalt  }
0x70: {  	_ =	shalt  }
0x71: {  	_ =	shalt  }
0x72: {  	_ =	shalt  }
0x73: {  	_ =	shalt  }
0x74: {  	_ =	shalt  }
0x75: {  	_ =	shalt  }
0x76: {  	_ =	shalt  }
0x77: {  	_ =	shalt  }
0x78: {  	_ =	shalt  }
0x79: {  	_ =	shalt  }
0x7a: {  	_ =	shalt  }
0x7b: {  	_ =	shalt  }
0x7c: {  	_ =	shalt  }
0x7d: {  	_ =	shalt  }
0x7e: {  	_ =	shalt  }
0x7f: {  	_ =	shalt  }
0x80: {  	_ =	shalt  }
0x81: {  	_ =	shalt  }
0x82: {  	_ =	shalt  }
0x83: {  	_ =	shalt  }
0x84: {  	_ =	shalt  }
0x85: {  	_ =	shalt  }
0x86: {  	_ =	shalt  }
0x87: {  	_ =	shalt  }
.Lfunc_end0:
.L_simem_size_0:
called_computation.2_lowered:
.L_overlay_start_0:
0x88: {  	s2 =	sld [smem:$0x3FD9]  }
0x89: {  	s3 =	sld [smem:$0x3FFE];
	_ =	sdelay $0x1  }
0x8a: {  	s1 =	srdreg.scid  }
0x8b: {  	s0 =	sand.u32 $0x1, s1  }
0x8c: {  	s16 =	sshll.u32 s0, $0xA;
	s2 =	sadd.s32 s3, s2  }
0x8d: {  	s2 =	sadd.s32 s2, s16  }
0x8e: {  	[smem:$0x3FBF] =	sst s2  }
0x8f: {  	_ = 	snop  }
0x90: {  	(tm) =	ssettm $0x1  }
0x91: {  	s17 =	sld [smem:$0x3FFB];
	_ =	sdelay $0x3  }
0x92: {  	_ =	strace s17  }
0x93: {  	s2 =	sld [smem:$0x3FFC];
	_ =	sdelay $0x3  }
0x94: {  	_ =	strace s2  }
0x95: {  	s2 =	sld [smem:$0x3FFD];
	_ =	sdelay $0x3  }
0x96: {  	_ =	strace s2  }
0x97: {  	_ =	strace $0x8FFFFFFF  }
0x98: {  	s18 =	sld [smem:$0x3FDB];
	_ =	sdelay $0x1  }
0x99: {  	s19 =	simm.s32 $_scs_section_size  }
0x9a: {  	s4 =	simm.s32 $_size__tile_overlayer_lowered;
	s5 =	simm.s32 $_tile_overlayer_lowered  }
0x9b: {  	s22 =	simm.s32 $0x1BFF;
	s21 =	sshll.u32 s5, $0x1;
	s2 =	sadd.s32 s19, s18  }
0x9c: {  	s6 =	simm.s32 $0x0;
	s20 =	sshll.u32 s4, $0x1;
	s4 =	sadd.s32 s21, s2  }
0x9d: {  	[timem:s6], [sflag:s22] =	dma.local [hbm:s4], s20  }
0x9e: {  	_ =	swait.ge [sflag:s22], s20  }
0x9f: {  	s3 =	ssub.s32 $0x0, s20;
	[sflag:s22] =	ssyncset.done $0x0  }
0xa0: {  	[sflag:s22] =	ssyncadd.s32 s3;
	_ =	sdelay $0x1  }
0xa1: {  	s23 =	simm.s32 $0x1B8B  }
0xa2: {  	_ =	swait.ge [sflag:s23], $0x1  }
0xa3: {  	[sflag:s23] =	ssyncset.done $0x0  }
0xa4: {  	s25 =	simm.s32 $0x1B8E;
	s24 =	sld [smem:$0x3FFE];
	[sflag:s23] =	ssyncadd.s32 $0xFFFFFFFF  }
0xa5: {  	s26 =	simm.s32 $execute0_lowered;
	[smem:$0x3FD2] =	sst s25  }
0xa6: {  	s4 =	sshll.u32 s26, $0x1;
	_ =	strace $0x8000004C;
	[dreg:$0x1] =	wrdreg $0xFFFFFFFF  }
0xa7: {  	s28 =	simm.s32 $_size_execute0_lowered;
	s2 =	sadd.s32 s2, s4;
	[dreg:$0x0] =	wrdreg $0x0  }
0xa8: {  	s4 =	sshll.u32 s28, $0x1;
	[dreg:$0x2] =	wrdreg s2  }
0xa9: {  	[dreg:$0x3] =	wrdreg s4  }
0xaa: {  	[dreg:$0x4] =	wrdreg $0xC0  }
0xab: {  	_ =	task [dreg:s6], $0x5FFFF  }
0xac: {  	[dreg:$0x1] =	wrdreg $0xFFFFFFFF  }
0xad: {  	[dreg:$0x0] =	wrdreg $0x60  }
0xae: {  	[dreg:$0x2] =	wrdreg s24  }
0xaf: {  	[dreg:$0x3] =	wrdreg $0xC3000  }
0xb0: {  	[dreg:$0x4] =	wrdreg $0x9  }
0xb1: {  	_ =	task.clear_ibuf [dreg:s6], $0x5FFFF;
	_ =	strace $0x9000004C  }
0xb2: {  	s29 =	simm.s32 $0x9;
	_ =	strace $0x8000004E  }
0xb3: {  	_ =	swait.ge [sflag:s29], $0x1  }
0xb4: {  	[sflag:s29] =	ssyncadd.s32 $0xFFFFFFFF  }
0xb5: {  	_ =	strace $0x9000004E  }
0xb6: {  	_ =	sfence  }
0xb7: {  	s30 =	sld [smem:$0x0];
	_ =	sdelay $0x2  }
0xb8: {  	s31 =	sshll.u32 s1, $0xD;
	s1 =	sshrl.u32 s1, $0x2  }
0xb9: {  	s3 =	sand.u32 $0x4000, s31;
	s1 =	sadd.s32 s1, s30  }
0xba: {  	s0 =	sor.u32 s3, s0;
	s1 =	sshll.u32 s1, $0x11  }
0xbb: {  	s0 =	sor.u32 s1, s0  }
0xbc: {  	s0 =	sadd.s32 $0x8F2B, s0  }
0xbd: {  	[sflag:s0] =	ssyncadd.remote.s32 $0x1  }
0xbe: {  	_ =	sfence.sel $0xFFFF  }
0xbf: {  	[dreg:$0x0] =	wrdreg $0xFFFFFFFF;
	(pc) =	sbr.abs _section_cstart, $3  }
0xc0: {  	[dreg:$0x1] =	wrdreg $0xFFFFFFFF  }
0xc1: {  	_ =	task.clear_ibuf [dreg:s6], $0x2FFFF;
	_ =	strace $0x9FFFFFFF  }
0xc2: {  	(tm) =	ssettm $0x7FFFFFFF  }
0xc3: {  	_ =	shalt  }
tec
execute0_lowered:
.L_overlay_start_1:
0x0: {  	(tag) =	ssettag $0x1  }
0x1: {  	s5 =	rddreg [dreg:$0x0]  }
0x2: {  	s1 =	rddreg [dreg:$0x1];
	s2 =	srdreg.scid  }
0x3: {  	s3 =	simm.s32 $0x0;
	s0 =	stileid.u32;
	s17 =	simm.s32 $0x7  }
0x4: {  	s18 =	simm.s32 $0x100;
	s20 =	simm.s32 $0x80;
	s8 =	smul.u32 $0x13C00, s0  }
0x5: {  	s6 =	sand.u32 $0x1, s2;
	[smem:$0x7FF] =	sst s3;
	s9 =	smul.u32 $0x4F000, s0  }
0x6: {  	s4 =	sadd.s32 $0x5200, s5;
	s25 =	sshll.u32 s0, $0x1;
	s29 =	smul.u32 $0x9E00, s0  }
0x7: {  	s15 =	sadd.s32 $0x5E200, s5;
	s7 =	smul.u32 $0x13C000, s6;
	_ =	strace $0x8000004D  }
0x8: {  	s26 =	ssub.s32 $0x2, s6;
	s11 =	smul.u32 $0x4F00, s6;
	s28 =	sshrl.u32 s9, $0x2  }
0x9: {  	s30 =	sshrl.u32 s26, $0x1;
	s7 =	sadd.s32 s8, s7;
	s8 =	sor.u32 s6, s25  }
0xa: {  	s14 =	ssub.s32 s26, s30;
	s11 =	sadd.s32 s11, s29;
	s7 =	sshrl.u32 s7, $0x3  }
0xb: {  	s10 =	smul.u32 $0x4F00, s8;
	s16 =	sadd.s32 $0x300, s11;
	s14 =	smax.u32 s14, $0x1  }
0xc: {  	s13 =	sadd.s32 s7, s5;
	s5 =	sadd.s32 s28, s1;
	s16 =	sshrl.u32 s16, $0x3  }
0xd: {  	s31 =	sadd.s32 $0x4000, s5;
	s7 =	sadd.s32 $0x8000, s5;
	s8 =	sadd.s32 $0xC000, s5  }
0xe: {  	s10 =	sshrl.u32 s10, $0x3;
	s9 =	sadd.s32 $0x10000, s5;
	s13 =	sadd.s32 $0x71E00, s13  }
0xf: {  	[dreg:$0x3] =	wrdreg s31;
	s10 =	sadd.s32 s15, s10;
	s15 =	sadd.s32 s16, s15  }
0x10: {  	v0 =	vimm.f32 $0.0e+00;
	s16 =	simm.s32 $0x300;
	s11 =	sadd.s32 $0x20, s10;
	s12 =	sadd.s32 $0x40, s10  }
.LBB2_1:
0x11: {  	s22 =	simm.s32 $0x0;
	s23 =	simm.s32 $0x200  }
.LBB2_2:
0x12: {  	p0 =	sne.s32 s23, $0xFE00;
	[tilespmem:s22+$0x370] =	vst v0  }
0x13: {  	[tilespmem:s22+$0x300] =	vst v0  }
0x14: {  	[tilespmem:s22+$0x310] =	vst v0  }
.Ltmp0:
0x15: {  	[tilespmem:s22+$0x320] =	vst v0;
	(pc) =	sbr.rel @p0 .LBB2_2-.Ltmp0, $4  }
0x16: {  	[tilespmem:s22+$0x330] =	vst v0  }
0x17: {  	[tilespmem:s22+$0x340] =	vst v0  }
0x18: {  	[tilespmem:s22+$0x350] =	vst v0  }
0x19: {  	[tilespmem:s22+$0x360] =	vst v0;
	s22 =	sshra.s32 s23, $0x2;
	s23 =	sadd.s32 $0x200, s23  }
0x1a: {  	[tilespmem:s22+$0x370] =	vst v0  }
0x1b: {  	[tilespmem:s22+$0x300] =	vst v0  }
0x1c: {  	[tilespmem:s22+$0x310] =	vst v0  }
0x1d: {  	[tilespmem:s22+$0x320] =	vst v0  }
0x1e: {  	[tilespmem:s22+$0x330] =	vst v0  }
0x1f: {  	[tilespmem:s22+$0x340] =	vst v0  }
0x20: {  	[tilespmem:s22+$0x350] =	vst v0  }
0x21: {  	[tilespmem:s22+$0x360] =	vst v0  }
0x22: {  	[spmem:s5] =	stream.linear.scatter [tilespmem:s16], [sflag:$0x7], $0x4000, $0x38;
	[tilespmem:$0x1FF00] =	vst v63  }
0x23: {  	_ =	swait.ge [sflag:s17], $0x4000  }
0x24: {  	[sflag:s17] =	ssyncset.done $0x0  }
0x25: {  	s0 =	rddreg [dreg:$0x3];
	[sflag:s17] =	ssyncadd.s32 $0xFFFFC000  }
0x26: {  	[spmem:s0] =	stream.linear.scatter [tilespmem:s16], [sflag:$0x7], $0x4000, $0x38;
	[tilespmem:$0x1FF00] =	vst v63  }
0x27: {  	_ =	swait.ge [sflag:s17], $0x4000  }
0x28: {  	[sflag:s17] =	ssyncset.done $0x0  }
0x29: {  	[sflag:s17] =	ssyncadd.s32 $0xFFFFC000  }
0x2a: {  	[spmem:s7] =	stream.linear.scatter [tilespmem:s16], [sflag:$0x7], $0x4000, $0x38;
	[tilespmem:$0x1FF00] =	vst v63  }
0x2b: {  	_ =	swait.ge [sflag:s17], $0x4000  }
0x2c: {  	[sflag:s17] =	ssyncset.done $0x0  }
0x2d: {  	[sflag:s17] =	ssyncadd.s32 $0xFFFFC000  }
0x2e: {  	[spmem:s8] =	stream.linear.scatter [tilespmem:s16], [sflag:$0x7], $0x4000, $0x38;
	[tilespmem:$0x1FF00] =	vst v63  }
0x2f: {  	_ =	swait.ge [sflag:s17], $0x4000  }
0x30: {  	[sflag:s17] =	ssyncset.done $0x0  }
0x31: {  	[sflag:s17] =	ssyncadd.s32 $0xFFFFC000  }
0x32: {  	[spmem:s9] =	stream.linear.scatter [tilespmem:s16], [sflag:$0x7], $0x3C00, $0x38;
	[tilespmem:$0x1FF00] =	vst v63  }
0x33: {  	_ =	swait.ge [sflag:s17], $0x3C00  }
0x34: {  	[sflag:s17] =	ssyncset.done $0x0  }
0x35: {  	[sflag:s17] =	ssyncadd.s32 $0xFFFFC400  }
0x36: {  	s23 =	simm.s32 $0x0;
	[bflag:$0x0] =	sbarrier.arrive $0xFFFF  }
0x37: {  	[tilespmem:s23], [sflag:$0x7] =	stream.linear.gather [hbm4b:s10+s23], $0x100, $0x38;
	[tilespmem:$0x1FF00] =	vst v63  }
0x38: {  	_ =	swait.ge [sflag:s17], $0x100  }
0x39: {  	[sflag:s17] =	ssyncset.done $0x0  }
0x3a: {  	[sflag:s17] =	ssyncadd.s32 $0xFFFFFF00  }
0x3b: {  	[tilespmem:s18], [sflag:$0x7] =	stream.linear.gather [hbm4b:s11+s23], $0x100, $0x38;
	[tilespmem:$0x1FF00] =	vst v63  }
0x3c: {  	_ =	swait.ge [sflag:s17], $0x100  }
0x3d: {  	s19 =	simm.s32 $0x200;
	[sflag:s17] =	ssyncset.done $0x0  }
0x3e: {  	s24 =	simm.s32 $0x2;
	s21 =	smul.u32 $0xAB, s23;
	[sflag:s17] =	ssyncadd.s32 $0xFFFFFF00  }
0x3f: {  	[tilespmem:s19], [sflag:$0x7] =	stream.linear.gather [hbm4b:s12+s23], $0x100, $0x38;
	[tilespmem:$0x1FF00] =	vst v63  }
0x40: {  	s24 =	sand.u32 $0xFF, s24;
	s22 =	sshrl.u32 s21, $0x9;
	_ =	swait.ge [sflag:s17], $0x100  }
0x41: {  	s24 =	smul.u32 $0xAB, s24;
	s22 =	sand.u32 $0x7F, s22;
	[sflag:s17] =	ssyncset.done $0x0  }
0x42: {  	s22 =	smul.u32 $0x3, s22;
	[sflag:s17] =	ssyncadd.s32 $0xFFFFFF00  }
0x43: {  	[tilespmem:s16], [sflag:$0x1] =	stream.indirect.gather [hbm4b:s4+s20], $0x80, s23, s20, $0xb8;
	[tilespmem:$0x1FF00] =	vst v63  }
0x44: {  	s25 =	simm.s32 $0x4300;
	s24 =	sshrl.u32 s24, $0x9;
	s22 =	ssub.s32 $0x0, s22  }
0x45: {  	[tilespmem:s25], [sflag:$0x2] =	stream.indirect.gather [hbm4b:s4+s20], $0x80, s18, s20, $0xb8;
	[tilespmem:$0x1FF00] =	vst v63  }
0x46: {  	s25 =	smul.u32 $0x3, s24;
	s24 =	sand.u32 $0xFF, s22  }
0x47: {  	p0 =	por $0x0, $0x0;
	s22 =	sadd.s32 $0x1, s24  }
0x48: {  	p1 =	por @!p0 $0x1, $0x1;
	s25 =	ssub.s32 $0x2, s25;
	_ =	swait.ge [sflag:s22], $0x4000  }
0x49: {  	p1 =	por p1, p0;
	s25 =	sand.u32 $0xFF, s25;
	[sflag:s22] =	ssyncset.done $0x0  }
0x4a: {  	s26 =	simm.s32 @!p0 $0x80;
	[sflag:s22] =	ssyncadd.s32 $0xFFFFC000;
	s22 =	sadd.s32 @!p1 $0x4, s25  }
0x4b: {  	s31 =	sshll.u32 s24, $0xE;
	s28 =	sshll.u32 @!p0 s25, $0xE;
	_ =	swait.ge @!p1 [sflag:s22], $0x100  }
0x4c: {  	s29 =	sadd.s32 @!p0 $0x1, s25;
	s25 =	sshll.u32 @!p0 s25, $0x8;
	[sflag:s22] =	ssyncset.done @!p1 $0x0  }
0x4d: {  	s30 =	sor.u32 @!p0 $0x300, s28;
	s28 =	sshll.u32 s24, $0x8;
	[sflag:s22] =	ssyncadd.s32 @!p1 $0xFFFFFF00  }
0x4e: {  	[tilespmem:s30], [sflag:s29] =	stream.indirect.gather @!p0 [hbm4b:s4+s26], $0x80, s25, s26, $0xb8;
	[tilespmem:$0x1FF00] =	vst v63  }
0x4f: {  	s26 =	sor.u32 $0x300, s31;
	s30 =	sor.u32 $0x80, s28  }
0x50: {  	[spmem:s1] =	stream.indirect.scatter.add.f32 [tilespmem:s26], [sflag:$0x7], $0x80, s30, s20, $0xb8;
	[tilespmem:$0x1FF00] =	vst v63  }
0x51: {  	s26 =	simm.s32 $0x1  }
0x52: {  	s31 =	smul.u32 $0xAB, s26  }
0x53: {  	s22 =	sadd.s32 $0x20, s15;
	s29 =	simm.s32 $0x2;
	s25 =	smov.u32 s15  }
.LBB2_4:
0x54: {  	s31 =	sshrl.u32 s31, $0x9;
	s0 =	sadd.s32 $0x2, s26;
	s30 =	smov.u32 s29  }
0x55: {  	s29 =	sadd.s32 $0x1, s29;
	s2 =	smov.u32 s25;
	s25 =	smov.u32 s22  }
0x56: {  	p0 =	sne.s32 s29, $0x4F;
	s31 =	sand.u32 $0x7F, s31;
	s19 =	sand.u32 $0xFF, s0  }
0x57: {  	s19 =	smul.u32 $0xAB, s19  }
0x58: {  	s31 =	smul.u32 $0x3, s31  }
0x59: {  	p2 =	sgt.u32 s23, $0x4B;
	s19 =	sshrl.u32 s19, $0x9;
	_ =	swait.ge [sflag:s17], $0x4000  }
0x5a: {  	s23 =	ssub.s32 s26, s31;
	s31 =	simm.s32 @!p2 $0x0;
	s19 =	smul.u32 $0x3, s19  }
0x5b: {  	s21 =	sadd.s32 @!p2 $0x4, s24;
	s24 =	sand.u32 $0xFF, s23;
	[sflag:s17] =	ssyncset.done $0x0  }
0x5c: {  	s0 =	ssub.s32 s0, s19;
	s19 =	sadd.s32 $0x1, s24;
	[sflag:s17] =	ssyncadd.s32 $0xFFFFC000  }
0x5d: {  	p1 =	sgt.u32 s26, $0x4C;
	s23 =	smov.u32 s26;
	s0 =	sand.u32 $0xFF, s0  }
0x5e: {  	[tilespmem:s28], [sflag:s21] =	stream.linear.gather @!p2 [hbm4b:s2+s31], $0x100, $0x38;
	[tilespmem:$0x1FF00] =	vst v63  }
0x5f: {  	p2 =	seq.s32 @!p1 s23, $0x0  }
0x60: {  	s2 =	simm.s32 @!p1 $0x80;
	s21 =	sshll.u32 @!p1 s0, $0xE;
	_ =	swait.ge [sflag:s19], $0x4000  }
0x61: {  	s26 =	sadd.s32 @!p1 $0x1, s0;
	p2 =	por p2, p1;
	[sflag:s19] =	ssyncset.done $0x0  }
0x62: {  	s31 =	sshll.u32 s24, $0xE;
	[sflag:s19] =	ssyncadd.s32 $0xFFFFC000;
	s19 =	sadd.s32 @!p2 $0x4, s0  }
0x63: {  	s21 =	sor.u32 @!p1 $0x300, s21;
	s0 =	sshll.u32 @!p1 s0, $0x8;
	_ =	swait.ge @!p2 [sflag:s19], $0x100  }
.Ltmp1:
0x64: {  	s28 =	sshll.u32 s24, $0x8;
	[sflag:s19] =	ssyncset.done @!p2 $0x0;
	(pc) =	sbr.rel @p0 .LBB2_4-.Ltmp1, $4  }
0x65: {  	s6 =	sor.u32 $0x300, s31;
	[sflag:s19] =	ssyncadd.s32 @!p2 $0xFFFFFF00;
	s19 =	sor.u32 $0x80, s28  }
0x66: {  	[tilespmem:s21], [sflag:s26] =	stream.indirect.gather @!p1 [hbm4b:s4+s2], $0x80, s0, s2, $0xb8;
	[tilespmem:$0x1FF00] =	vst v63  }
0x67: {  	s22 =	sadd.s32 $0x20, s22;
	s31 =	smul.u32 $0xAB, s30;
	s26 =	smov.u32 s30  }
0x68: {  	[spmem:s1] =	stream.indirect.scatter.add.f32 [tilespmem:s6], [sflag:$0x7], $0x80, s19, s20, $0xb8;
	[tilespmem:$0x1FF00] =	vst v63  }
0x69: {  	s0 =	sadd.s32 $0x2, s26;
	s2 =	sshrl.u32 s31, $0x9;
	_ =	swait.ge [sflag:s17], $0x4000  }
0x6a: {  	p1 =	sgt.u32 s23, $0x4B;
	s6 =	sand.u32 $0xFF, s0;
	s2 =	sand.u32 $0x7F, s2  }
0x6b: {  	s19 =	simm.s32 @!p1 $0x0;
	[sflag:s17] =	ssyncset.done $0x0;
	s6 =	smul.u32 $0xAB, s6  }
0x6c: {  	s21 =	sadd.s32 @!p1 $0x4, s24;
	s2 =	smul.u32 $0x3, s2;
	[sflag:s17] =	ssyncadd.s32 $0xFFFFC000  }
0x6d: {  	[tilespmem:s28], [sflag:s21] =	stream.linear.gather @!p1 [hbm4b:s25+s19], $0x100, $0x38;
	[tilespmem:$0x1FF00] =	vst v63  }
0x6e: {  	s6 =	sshrl.u32 s6, $0x9;
	s2 =	ssub.s32 s26, s2  }
0x6f: {  	s6 =	smul.u32 $0x3, s6;
	s2 =	sand.u32 $0xFF, s2  }
0x70: {  	p0 =	sgt.u32 s26, $0x4C;
	s30 =	sadd.s32 $0x1, s2  }
0x71: {  	p1 =	seq.s32 @!p0 s26, $0x0;
	s0 =	ssub.s32 s0, s6;
	_ =	swait.ge [sflag:s30], $0x4000  }
0x72: {  	p1 =	por p1, p0;
	s0 =	sand.u32 $0xFF, s0;
	[sflag:s30] =	ssyncset.done $0x0  }
0x73: {  	s31 =	sshll.u32 s2, $0xE;
	[sflag:s30] =	ssyncadd.s32 $0xFFFFC000;
	s19 =	sadd.s32 @!p1 $0x4, s0  }
0x74: {  	s25 =	sshll.u32 s2, $0x8;
	s6 =	simm.s32 @!p0 $0x80;
	_ =	swait.ge @!p1 [sflag:s19], $0x100  }
0x75: {  	s21 =	sshll.u32 @!p0 s0, $0xE;
	s23 =	sadd.s32 @!p0 $0x1, s0;
	[sflag:s19] =	ssyncset.done @!p1 $0x0  }
0x76: {  	s0 =	sshll.u32 @!p0 s0, $0x8;
	s21 =	sor.u32 @!p0 $0x300, s21;
	[sflag:s19] =	ssyncadd.s32 @!p1 $0xFFFFFF00  }
0x77: {  	[tilespmem:s21], [sflag:s23] =	stream.indirect.gather @!p0 [hbm4b:s4+s6], $0x80, s0, s6, $0xb8;
	[tilespmem:$0x1FF00] =	vst v63  }
0x78: {  	s28 =	sor.u32 $0x300, s31;
	s29 =	sor.u32 $0x80, s25  }
0x79: {  	[spmem:s1] =	stream.indirect.scatter.add.f32 [tilespmem:s28], [sflag:$0x7], $0x80, s29, s20, $0xb8;
	[tilespmem:$0x1FF00] =	vst v63  }
0x7a: {  	s3 =	sadd.s32 $0x1, s3;
	_ =	swait.ge [sflag:s17], $0x4000  }
0x7b: {  	s30 =	stileid.u32;
	p0 =	sgt.u32 s26, $0x4B;
	[sflag:s17] =	ssyncset.done $0x0  }
0x7c: {  	s0 =	simm.s32 @!p0 $0x0;
	s2 =	sadd.s32 @!p0 $0x4, s2;
	[sflag:s17] =	ssyncadd.s32 $0xFFFFC000  }
0x7d: {  	[tilespmem:s25], [sflag:s2] =	stream.linear.gather @!p0 [hbm4b:s22+s0], $0x100, $0x38;
	[tilespmem:$0x1FF00] =	vst v63  }
0x7e: {  	s31 =	sshrl.u32 s5, $0x3;
	s0 =	sshll.u32 s30, $0x6;
	p0 =	sne.s32 s3, s14  }
.Ltmp2:
0x7f: {  	[bflag:$0x0] =	sbarrier.arrive $0xFFFF;
	s0 =	sor.u32 $0x1C07, s0;
	(pc) =	sbr.rel @p0 .LBB2_1-.Ltmp2, $4  }
0x80: {  	[hbm:s13], [sflag:s0] =	dma.local [spmem:s31], $0x2780  }
0x81: {  	_ =	swait.ge [sflag:s17], $0x2780  }
0x82: {  	[sflag:s17] =	ssyncset.done $0x0  }
0x83: {  	[sflag:s17] =	ssyncadd.s32 $0xFFFFD880  }
0x84: {  	_ =	sfence.sel $0x180000  }
0x85: {  	[bflag:$0x0] =	sbarrier.arrive $0xFFFF  }
0x86: {  	_ =	strace $0x9000004D  }
0x87: {  	s0 =	stileid.u32;
	[bflag:$0x2] =	sbarrier.arrive $0xFFFF  }
0x88: {  	p0 =	sne.s32 s0, $0x0;
	s0 =	rddreg [dreg:$0x2]  }
0x89: {  	s0 =	sadd.s32 @!p0 $0x100000, s0  }
0x8a: {  	[sflag:s0] =	ssyncadd.tile.s32 @!p0 $0x1;
	_ =	shalt  }
.Lfunc_end2:
_tile_overlayer_lowered:
.L_overlay_start_2:
0x8b: {  	(tag) =	ssettag $0x2  }
0x8c: {  	s0 =	rddreg [dreg:$0x0];
	s2 =	stileid.u32  }
0x8d: {  	s1 =	rddreg [dreg:$0x1];
	p0 =	sne.s32 s2, $0x0  }
0x8e: {  	s3 =	rddreg [dreg:$0x2];
	[bflag:$0x3] =	sbarrier.arrive $0xFFFF;
	s2 =	simm.s32 @!p0 $0x1C07  }
0x8f: {  	[timem:s3], [sflag:s2] =	dma.local @!p0 [hbm:s0], s1  }
0x90: {  	s0 =	simm.s32 @!p0 $0x7  }
0x91: {  	_ =	swait.ge @!p0 [sflag:s0], s1  }
0x92: {  	s1 =	ssub.s32 @!p0 $0x0, s1;
	[sflag:s0] =	ssyncset.done @!p0 $0x0  }
0x93: {  	[sflag:s0] =	ssyncadd.s32 @!p0 s1  }
0x94: {  	[bflag:$0x3] =	sbarrier.arrive $0xFFFF  }
0x95: {  	_ =	shalt  }

// kernel: kernel.19.cloned.1.call-start
scs
__scs_entry_jumppad:
0x0: {  	(pc) =	sbr.rel $0x88, $3  }
0x1: {  	(tag) =	ssettag $0x0;
	lr =	simm.s32 $0x1  }
0x2: {  	[smem:$0x3F98] =	sst lr;
	_ =	strace $0xD0000000  }
0x3: {  	_ = 	snop  }
0x4: {  	_ = 	snop  }
0x5: {  	_ = 	snop  }
0x6: {  	_ = 	snop  }
0x7: {  	_ = 	snop  }
__scs_overlays_trampoline_lowered:
0x8: {  	[smem:$0x3FA7] =	sst s0  }
0x9: {  	[smem:$0x3FA8] =	sst s1  }
0xa: {  	[smem:$0x3FA9] =	sst s2  }
0xb: {  	[smem:$0x3FAA] =	sst s3  }
0xc: {  	[smem:$0x3FAB] =	sst s4  }
0xd: {  	[smem:$0x3FAC] =	sst s5  }
0xe: {  	[smem:$0x3FAD] =	sst s6  }
0xf: {  	[smem:$0x3FAE] =	sst s7  }
0x10: {  	[smem:$0x3FAF] =	sst s8  }
0x11: {  	[smem:$0x3FB0] =	sst s9;
	s0 =	simm.s32 @!p0 $0x0  }
0x12: {  	s1 =	sld [smem:$0x3F96];
	s0 =	simm.s32 @p0 $0x1  }
0x13: {  	[smem:$0x3FB1] =	sst s0;
	s0 =	simm.s32 @!p1 $0x0  }
0x14: {  	s2 =	sld [smem:$0x3F95];
	s0 =	simm.s32 @p1 $0x1  }
0x15: {  	[smem:$0x3FB2] =	sst s0;
	s0 =	simm.s32 @!p2 $0x0  }
0x16: {  	s3 =	sld [smem:$0x3FDB];
	s0 =	simm.s32 @p2 $0x1  }
0x17: {  	s4 =	simm.s32 $0x1BF5;
	[smem:$0x3FB4] =	sst s0  }
0x18: {  	s0 =	sld [smem:$0x3F97];
	_ =	swait.ge [sflag:s4], $0x0  }
0x19: {  	s7 =	sld [smem:$0x3F98]  }
0x1a: {  	s8 =	sadd.s32 $0xFFFFE003, lr  }
0x1b: {  	s9 =	sadd.s32 $0xFFFFFEF7, lr;
	s5 =	simm.s32 $0xFFFFFFFF;
	p2 =	slt.u32 s8, $0xFFFFF086  }
0x1c: {  	p1 =	slt.u32 s9, $0xF7A;
	s5 =	simm.s32 @!p2 $0x0  }
0x1d: {  	s5 =	simm.s32 @p1 $0x1;
	p0 =	seq.s32 s7, s2  }
0x1e: {  	s7 =	smul.u32 @!p0 $0xF7A, s2;
	p2 =	seq.s32 @!p0 s5, $0x0  }
0x1f: {  	s9 =	smul.u32 $0xF7A, s1;
	s8 =	simm.s32 @!p0 $0x1BF5;
	p2 =	por !p2, p0  }
0x20: {  	[sflag:s8] =	ssyncset.s32 @!p0 $0xFFFFF086;
	s6 =	sadd.s32 @!p0 s3, s7;
	s7 =	simm.s32 @!p0 $0x108  }
0x21: {  	s3 =	sadd.s32 s3, s9;
	s6 =	sadd.s32 @!p0 $0x88, s6;
	s7 =	simm.s32 @p2 $0x1082  }
0x22: {  	[simem:s7], [sflag:s8] =	dma.local @!p0 [hbm:s6], $0xF7A  }
0x23: {  	s9 =	sor.u32 $0xD0000000, s2;
	s6 =	simm.s32 $0x108;
	_ =	swait.ge @!p0 [sflag:s8], $0x0  }
0x24: {  	s3 =	sadd.s32 $0x88, s3;
	s6 =	simm.s32 @!p1 $0x1082;
	[sflag:s4] =	ssyncset.s32 $0xFFFFF086  }
0x25: {  	[simem:s6], [sflag:s4] =	dma.local [hbm:s3], $0xF7A  }
0x26: {  	[smem:$0x3F98] =	sst s1;
	(tag) =	ssettag s2;
	_ =	strace s9  }
0x27: {  	s1 =	sld [smem:$0x3FA8]  }
0x28: {  	s2 =	sld [smem:$0x3FA9]  }
0x29: {  	s4 =	sld [smem:$0x3FAB]  }
0x2a: {  	p0 =	seq.s32 s5, $0x0;
	s5 =	sld [smem:$0x3FAC]  }
0x2b: {  	s6 =	sld [smem:$0x3FAD]  }
0x2c: {  	s7 =	sld [smem:$0x3FAE]  }
0x2d: {  	s3 =	simm.s32 $0x108;
	s8 =	sld [smem:$0x3FAF]  }
0x2e: {  	s3 =	simm.s32 @!p0 $0x1082;
	s9 =	sld [smem:$0x3FB0]  }
0x2f: {  	lr =	sadd.s32 s0, s3;
	s0 =	sld [smem:$0x3FA7]  }
0x30: {  	s3 =	sld [smem:$0x3FAA]  }
0x31: {  	[smem:$0x3FB3] =	sst s10  }
0x32: {  	s10 =	sld [smem:$0x3FB1];
	_ =	sdelay $0x3  }
0x33: {  	p0 =	seq.s32 s10, $0x1;
	s10 =	sld [smem:$0x3FB3];
	_ =	sdelay $0x3  }
0x34: {  	[smem:$0x3FB3] =	sst s10  }
0x35: {  	s10 =	sld [smem:$0x3FB2];
	_ =	sdelay $0x3  }
0x36: {  	p1 =	seq.s32 s10, $0x1;
	s10 =	sld [smem:$0x3FB3];
	_ =	sdelay $0x3  }
0x37: {  	[smem:$0x3FB3] =	sst s10  }
0x38: {  	s10 =	sld [smem:$0x3FB4]  }
0x39: {  	_ = 	snop;
	(pc) =	sbr.ind lr, $3  }
0x3a: {  	_ = 	snop  }
0x3b: {  	_ = 	snop  }
0x3c: {  	p2 =	seq.s32 s10, $0x1;
	s10 =	sld [smem:$0x3FB3]  }
0x3d: {  	_ =	shalt  }
0x3e: {  	_ =	shalt  }
0x3f: {  	_ =	shalt  }
0x40: {  	_ =	shalt  }
0x41: {  	_ =	shalt  }
0x42: {  	_ =	shalt  }
0x43: {  	_ =	shalt  }
0x44: {  	_ =	shalt  }
0x45: {  	_ =	shalt  }
0x46: {  	_ =	shalt  }
0x47: {  	_ =	shalt  }
0x48: {  	_ =	shalt  }
0x49: {  	_ =	shalt  }
0x4a: {  	_ =	shalt  }
0x4b: {  	_ =	shalt  }
0x4c: {  	_ =	shalt  }
0x4d: {  	_ =	shalt  }
0x4e: {  	_ =	shalt  }
0x4f: {  	_ =	shalt  }
0x50: {  	_ =	shalt  }
0x51: {  	_ =	shalt  }
0x52: {  	_ =	shalt  }
0x53: {  	_ =	shalt  }
0x54: {  	_ =	shalt  }
0x55: {  	_ =	shalt  }
0x56: {  	_ =	shalt  }
0x57: {  	_ =	shalt  }
0x58: {  	_ =	shalt  }
0x59: {  	_ =	shalt  }
0x5a: {  	_ =	shalt  }
0x5b: {  	_ =	shalt  }
0x5c: {  	_ =	shalt  }
0x5d: {  	_ =	shalt  }
0x5e: {  	_ =	shalt  }
0x5f: {  	_ =	shalt  }
0x60: {  	_ =	shalt  }
0x61: {  	_ =	shalt  }
0x62: {  	_ =	shalt  }
0x63: {  	_ =	shalt  }
0x64: {  	_ =	shalt  }
0x65: {  	_ =	shalt  }
0x66: {  	_ =	shalt  }
0x67: {  	_ =	shalt  }
0x68: {  	_ =	shalt  }
0x69: {  	_ =	shalt  }
0x6a: {  	_ =	shalt  }
0x6b: {  	_ =	shalt  }
0x6c: {  	_ =	shalt  }
0x6d: {  	_ =	shalt  }
0x6e: {  	_ =	shalt  }
0x6f: {  	_ =	shalt  }
0x70: {  	_ =	shalt  }
0x71: {  	_ =	shalt  }
0x72: {  	_ =	shalt  }
0x73: {  	_ =	shalt  }
0x74: {  	_ =	shalt  }
0x75: {  	_ =	shalt  }
0x76: {  	_ =	shalt  }
0x77: {  	_ =	shalt  }
0x78: {  	_ =	shalt  }
0x79: {  	_ =	shalt  }
0x7a: {  	_ =	shalt  }
0x7b: {  	_ =	shalt  }
0x7c: {  	_ =	shalt  }
0x7d: {  	_ =	shalt  }
0x7e: {  	_ =	shalt  }
0x7f: {  	_ =	shalt  }
0x80: {  	_ =	shalt  }
0x81: {  	_ =	shalt  }
0x82: {  	_ =	shalt  }
0x83: {  	_ =	shalt  }
0x84: {  	_ =	shalt  }
0x85: {  	_ =	shalt  }
0x86: {  	_ =	shalt  }
0x87: {  	_ =	shalt  }
.Lfunc_end0:
.L_simem_size_0:
called_computation.3_lowered:
.L_overlay_start_0:
0x88: {  	s2 =	sld [smem:$0x3FD9]  }
0x89: {  	s3 =	sld [smem:$0x3FFE];
	_ =	sdelay $0x1  }
0x8a: {  	s1 =	srdreg.scid  }
0x8b: {  	s0 =	sand.u32 $0x1, s1  }
0x8c: {  	s16 =	sshll.u32 s0, $0xA;
	s2 =	sadd.s32 s3, s2  }
0x8d: {  	s2 =	sadd.s32 s2, s16  }
0x8e: {  	[smem:$0x3FBF] =	sst s2  }
0x8f: {  	_ = 	snop  }
0x90: {  	(tm) =	ssettm $0x1  }
0x91: {  	s17 =	sld [smem:$0x3FFB];
	_ =	sdelay $0x3  }
0x92: {  	_ =	strace s17  }
0x93: {  	s2 =	sld [smem:$0x3FFC];
	_ =	sdelay $0x3  }
0x94: {  	_ =	strace s2  }
0x95: {  	s2 =	sld [smem:$0x3FFD];
	_ =	sdelay $0x3  }
0x96: {  	_ =	strace s2  }
0x97: {  	_ =	strace $0x8FFFFFFF  }
0x98: {  	s18 =	sld [smem:$0x3FDB];
	_ =	sdelay $0x1  }
0x99: {  	s19 =	simm.s32 $_scs_section_size  }
0x9a: {  	s4 =	simm.s32 $_size__tile_overlayer_lowered;
	s5 =	simm.s32 $_tile_overlayer_lowered  }
0x9b: {  	s22 =	simm.s32 $0x1BFF;
	s21 =	sshll.u32 s5, $0x1;
	s2 =	sadd.s32 s19, s18  }
0x9c: {  	s6 =	simm.s32 $0x0;
	s20 =	sshll.u32 s4, $0x1;
	s4 =	sadd.s32 s21, s2  }
0x9d: {  	[timem:s6], [sflag:s22] =	dma.local [hbm:s4], s20  }
0x9e: {  	_ =	swait.ge [sflag:s22], s20  }
0x9f: {  	s3 =	ssub.s32 $0x0, s20;
	[sflag:s22] =	ssyncset.done $0x0  }
0xa0: {  	[sflag:s22] =	ssyncadd.s32 s3;
	_ =	sdelay $0x1  }
0xa1: {  	s23 =	simm.s32 $0x1B8B  }
0xa2: {  	_ =	swait.ge [sflag:s23], $0x1  }
0xa3: {  	[sflag:s23] =	ssyncset.done $0x0  }
0xa4: {  	s25 =	simm.s32 $0x1B8E;
	s24 =	sld [smem:$0x3FFE];
	[sflag:s23] =	ssyncadd.s32 $0xFFFFFFFF  }
0xa5: {  	s26 =	simm.s32 $execute0_lowered;
	[smem:$0x3FD2] =	sst s25  }
0xa6: {  	s4 =	sshll.u32 s26, $0x1;
	_ =	strace $0x8000004F;
	[dreg:$0x1] =	wrdreg $0xFFFFFFFF  }
0xa7: {  	s28 =	simm.s32 $_size_execute0_lowered;
	s2 =	sadd.s32 s2, s4;
	[dreg:$0x0] =	wrdreg $0x0  }
0xa8: {  	s4 =	sshll.u32 s28, $0x1;
	[dreg:$0x2] =	wrdreg s2  }
0xa9: {  	[dreg:$0x3] =	wrdreg s4  }
0xaa: {  	[dreg:$0x4] =	wrdreg $0xC0  }
0xab: {  	_ =	task [dreg:s6], $0x5FFFF  }
0xac: {  	[dreg:$0x1] =	wrdreg $0xFFFFFFFF  }
0xad: {  	[dreg:$0x0] =	wrdreg $0x60  }
0xae: {  	[dreg:$0x2] =	wrdreg s24  }
0xaf: {  	[dreg:$0x3] =	wrdreg $0xC3000  }
0xb0: {  	[dreg:$0x4] =	wrdreg $0x9  }
0xb1: {  	_ =	task.clear_ibuf [dreg:s6], $0x5FFFF;
	_ =	strace $0x9000004F  }
0xb2: {  	s29 =	simm.s32 $0x9;
	_ =	strace $0x80000051  }
0xb3: {  	_ =	swait.ge [sflag:s29], $0x1  }
0xb4: {  	[sflag:s29] =	ssyncadd.s32 $0xFFFFFFFF  }
0xb5: {  	_ =	strace $0x90000051  }
0xb6: {  	_ =	sfence  }
0xb7: {  	s30 =	sld [smem:$0x0];
	_ =	sdelay $0x2  }
0xb8: {  	s31 =	sshll.u32 s1, $0xD;
	s1 =	sshrl.u32 s1, $0x2  }
0xb9: {  	s3 =	sand.u32 $0x4000, s31;
	s1 =	sadd.s32 s1, s30  }
0xba: {  	s0 =	sor.u32 s3, s0;
	s1 =	sshll.u32 s1, $0x11  }
0xbb: {  	s0 =	sor.u32 s1, s0  }
0xbc: {  	s0 =	sadd.s32 $0x8F2B, s0  }
0xbd: {  	[sflag:s0] =	ssyncadd.remote.s32 $0x1  }
0xbe: {  	_ =	sfence.sel $0xFFFF  }
0xbf: {  	[dreg:$0x0] =	wrdreg $0xFFFFFFFF;
	(pc) =	sbr.abs _section_cstart, $3  }
0xc0: {  	[dreg:$0x1] =	wrdreg $0xFFFFFFFF  }
0xc1: {  	_ =	task.clear_ibuf [dreg:s6], $0x2FFFF;
	_ =	strace $0x9FFFFFFF  }
0xc2: {  	(tm) =	ssettm $0x7FFFFFFF  }
0xc3: {  	_ =	shalt  }
tec
execute0_lowered:
.L_overlay_start_1:
0x0: {  	(tag) =	ssettag $0x1  }
0x1: {  	s5 =	rddreg [dreg:$0x0]  }
0x2: {  	s1 =	rddreg [dreg:$0x1];
	s2 =	srdreg.scid  }
0x3: {  	s3 =	simm.s32 $0x0;
	s0 =	stileid.u32;
	s17 =	simm.s32 $0x7  }
0x4: {  	s18 =	simm.s32 $0x100;
	s20 =	simm.s32 $0x80;
	s8 =	smul.u32 $0x13C00, s0  }
0x5: {  	s6 =	sand.u32 $0x1, s2;
	[smem:$0x7FF] =	sst s3;
	s9 =	smul.u32 $0x4F000, s0  }
0x6: {  	s4 =	sadd.s32 $0x5200, s5;
	s25 =	sshll.u32 s0, $0x1;
	s29 =	smul.u32 $0x9E00, s0  }
0x7: {  	s15 =	sadd.s32 $0x5E200, s5;
	s7 =	smul.u32 $0x13C000, s6;
	_ =	strace $0x80000050  }
0x8: {  	s26 =	ssub.s32 $0x2, s6;
	s11 =	smul.u32 $0x4F00, s6;
	s28 =	sshrl.u32 s9, $0x2  }
0x9: {  	s30 =	sshrl.u32 s26, $0x1;
	s7 =	sadd.s32 s8, s7;
	s8 =	sor.u32 s6, s25  }
0xa: {  	s14 =	ssub.s32 s26, s30;
	s11 =	sadd.s32 s11, s29;
	s7 =	sshrl.u32 s7, $0x3  }
0xb: {  	s10 =	smul.u32 $0x4F00, s8;
	s16 =	sadd.s32 $0x300, s11;
	s14 =	smax.u32 s14, $0x1  }
0xc: {  	s13 =	sadd.s32 s7, s5;
	s5 =	sadd.s32 s28, s1;
	s16 =	sshrl.u32 s16, $0x3  }
0xd: {  	s31 =	sadd.s32 $0x4000, s5;
	s7 =	sadd.s32 $0x8000, s5;
	s8 =	sadd.s32 $0xC000, s5  }
0xe: {  	s10 =	sshrl.u32 s10, $0x3;
	s9 =	sadd.s32 $0x10000, s5;
	s13 =	sadd.s32 $0x71E00, s13  }
0xf: {  	[dreg:$0x3] =	wrdreg s31;
	s10 =	sadd.s32 s15, s10;
	s15 =	sadd.s32 s16, s15  }
0x10: {  	v0 =	vimm.f32 $0.0e+00;
	s16 =	simm.s32 $0x300;
	s11 =	sadd.s32 $0x20, s10;
	s12 =	sadd.s32 $0x40, s10  }
.LBB2_1:
0x11: {  	s22 =	simm.s32 $0x0;
	s23 =	simm.s32 $0x200  }
.LBB2_2:
0x12: {  	p0 =	sne.s32 s23, $0xFE00;
	[tilespmem:s22+$0x370] =	vst v0  }
0x13: {  	[tilespmem:s22+$0x300] =	vst v0  }
0x14: {  	[tilespmem:s22+$0x310] =	vst v0  }
.Ltmp0:
0x15: {  	[tilespmem:s22+$0x320] =	vst v0;
	(pc) =	sbr.rel @p0 .LBB2_2-.Ltmp0, $4  }
0x16: {  	[tilespmem:s22+$0x330] =	vst v0  }
0x17: {  	[tilespmem:s22+$0x340] =	vst v0  }
0x18: {  	[tilespmem:s22+$0x350] =	vst v0  }
0x19: {  	[tilespmem:s22+$0x360] =	vst v0;
	s22 =	sshra.s32 s23, $0x2;
	s23 =	sadd.s32 $0x200, s23  }
0x1a: {  	[tilespmem:s22+$0x370] =	vst v0  }
0x1b: {  	[tilespmem:s22+$0x300] =	vst v0  }
0x1c: {  	[tilespmem:s22+$0x310] =	vst v0  }
0x1d: {  	[tilespmem:s22+$0x320] =	vst v0  }
0x1e: {  	[tilespmem:s22+$0x330] =	vst v0  }
0x1f: {  	[tilespmem:s22+$0x340] =	vst v0  }
0x20: {  	[tilespmem:s22+$0x350] =	vst v0  }
0x21: {  	[tilespmem:s22+$0x360] =	vst v0  }
0x22: {  	[spmem:s5] =	stream.linear.scatter [tilespmem:s16], [sflag:$0x7], $0x4000, $0x38;
	[tilespmem:$0x1FF00] =	vst v63  }
0x23: {  	_ =	swait.ge [sflag:s17], $0x4000  }
0x24: {  	[sflag:s17] =	ssyncset.done $0x0  }
0x25: {  	s0 =	rddreg [dreg:$0x3];
	[sflag:s17] =	ssyncadd.s32 $0xFFFFC000  }
0x26: {  	[spmem:s0] =	stream.linear.scatter [tilespmem:s16], [sflag:$0x7], $0x4000, $0x38;
	[tilespmem:$0x1FF00] =	vst v63  }
0x27: {  	_ =	swait.ge [sflag:s17], $0x4000  }
0x28: {  	[sflag:s17] =	ssyncset.done $0x0  }
0x29: {  	[sflag:s17] =	ssyncadd.s32 $0xFFFFC000  }
0x2a: {  	[spmem:s7] =	stream.linear.scatter [tilespmem:s16], [sflag:$0x7], $0x4000, $0x38;
	[tilespmem:$0x1FF00] =	vst v63  }
0x2b: {  	_ =	swait.ge [sflag:s17], $0x4000  }
0x2c: {  	[sflag:s17] =	ssyncset.done $0x0  }
0x2d: {  	[sflag:s17] =	ssyncadd.s32 $0xFFFFC000  }
0x2e: {  	[spmem:s8] =	stream.linear.scatter [tilespmem:s16], [sflag:$0x7], $0x4000, $0x38;
	[tilespmem:$0x1FF00] =	vst v63  }
0x2f: {  	_ =	swait.ge [sflag:s17], $0x4000  }
0x30: {  	[sflag:s17] =	ssyncset.done $0x0  }
0x31: {  	[sflag:s17] =	ssyncadd.s32 $0xFFFFC000  }
0x32: {  	[spmem:s9] =	stream.linear.scatter [tilespmem:s16], [sflag:$0x7], $0x3C00, $0x38;
	[tilespmem:$0x1FF00] =	vst v63  }
0x33: {  	_ =	swait.ge [sflag:s17], $0x3C00  }
0x34: {  	[sflag:s17] =	ssyncset.done $0x0  }
0x35: {  	[sflag:s17] =	ssyncadd.s32 $0xFFFFC400  }
0x36: {  	s23 =	simm.s32 $0x0;
	[bflag:$0x0] =	sbarrier.arrive $0xFFFF  }
0x37: {  	[tilespmem:s23], [sflag:$0x7] =	stream.linear.gather [hbm4b:s10+s23], $0x100, $0x38;
	[tilespmem:$0x1FF00] =	vst v63  }
0x38: {  	_ =	swait.ge [sflag:s17], $0x100  }
0x39: {  	[sflag:s17] =	ssyncset.done $0x0  }
0x3a: {  	[sflag:s17] =	ssyncadd.s32 $0xFFFFFF00  }
0x3b: {  	[tilespmem:s18], [sflag:$0x7] =	stream.linear.gather [hbm4b:s11+s23], $0x100, $0x38;
	[tilespmem:$0x1FF00] =	vst v63  }
0x3c: {  	_ =	swait.ge [sflag:s17], $0x100  }
0x3d: {  	s19 =	simm.s32 $0x200;
	[sflag:s17] =	ssyncset.done $0x0  }
0x3e: {  	s24 =	simm.s32 $0x2;
	s21 =	smul.u32 $0xAB, s23;
	[sflag:s17] =	ssyncadd.s32 $0xFFFFFF00  }
0x3f: {  	[tilespmem:s19], [sflag:$0x7] =	stream.linear.gather [hbm4b:s12+s23], $0x100, $0x38;
	[tilespmem:$0x1FF00] =	vst v63  }
0x40: {  	s24 =	sand.u32 $0xFF, s24;
	s22 =	sshrl.u32 s21, $0x9;
	_ =	swait.ge [sflag:s17], $0x100  }
0x41: {  	s24 =	smul.u32 $0xAB, s24;
	s22 =	sand.u32 $0x7F, s22;
	[sflag:s17] =	ssyncset.done $0x0  }
0x42: {  	s22 =	smul.u32 $0x3, s22;
	[sflag:s17] =	ssyncadd.s32 $0xFFFFFF00  }
0x43: {  	[tilespmem:s16], [sflag:$0x1] =	stream.indirect.gather [hbm4b:s4+s20], $0x80, s23, s20, $0xb8;
	[tilespmem:$0x1FF00] =	vst v63  }
0x44: {  	s25 =	simm.s32 $0x4300;
	s24 =	sshrl.u32 s24, $0x9;
	s22 =	ssub.s32 $0x0, s22  }
0x45: {  	[tilespmem:s25], [sflag:$0x2] =	stream.indirect.gather [hbm4b:s4+s20], $0x80, s18, s20, $0xb8;
	[tilespmem:$0x1FF00] =	vst v63  }
0x46: {  	s25 =	smul.u32 $0x3, s24;
	s24 =	sand.u32 $0xFF, s22  }
0x47: {  	p0 =	por $0x0, $0x0;
	s22 =	sadd.s32 $0x1, s24  }
0x48: {  	p1 =	por @!p0 $0x1, $0x1;
	s25 =	ssub.s32 $0x2, s25;
	_ =	swait.ge [sflag:s22], $0x4000  }
0x49: {  	p1 =	por p1, p0;
	s25 =	sand.u32 $0xFF, s25;
	[sflag:s22] =	ssyncset.done $0x0  }
0x4a: {  	s26 =	simm.s32 @!p0 $0x80;
	[sflag:s22] =	ssyncadd.s32 $0xFFFFC000;
	s22 =	sadd.s32 @!p1 $0x4, s25  }
0x4b: {  	s31 =	sshll.u32 s24, $0xE;
	s28 =	sshll.u32 @!p0 s25, $0xE;
	_ =	swait.ge @!p1 [sflag:s22], $0x100  }
0x4c: {  	s29 =	sadd.s32 @!p0 $0x1, s25;
	s25 =	sshll.u32 @!p0 s25, $0x8;
	[sflag:s22] =	ssyncset.done @!p1 $0x0  }
0x4d: {  	s30 =	sor.u32 @!p0 $0x300, s28;
	s28 =	sshll.u32 s24, $0x8;
	[sflag:s22] =	ssyncadd.s32 @!p1 $0xFFFFFF00  }
0x4e: {  	[tilespmem:s30], [sflag:s29] =	stream.indirect.gather @!p0 [hbm4b:s4+s26], $0x80, s25, s26, $0xb8;
	[tilespmem:$0x1FF00] =	vst v63  }
0x4f: {  	s26 =	sor.u32 $0x300, s31;
	s30 =	sor.u32 $0x80, s28  }
0x50: {  	[spmem:s1] =	stream.indirect.scatter.add.f32 [tilespmem:s26], [sflag:$0x7], $0x80, s30, s20, $0xb8;
	[tilespmem:$0x1FF00] =	vst v63  }
0x51: {  	s26 =	simm.s32 $0x1  }
0x52: {  	s31 =	smul.u32 $0xAB, s26  }
0x53: {  	s22 =	sadd.s32 $0x20, s15;
	s29 =	simm.s32 $0x2;
	s25 =	smov.u32 s15  }
.LBB2_4:
0x54: {  	s31 =	sshrl.u32 s31, $0x9;
	s0 =	sadd.s32 $0x2, s26;
	s30 =	smov.u32 s29  }
0x55: {  	s29 =	sadd.s32 $0x1, s29;
	s2 =	smov.u32 s25;
	s25 =	smov.u32 s22  }
0x56: {  	p0 =	sne.s32 s29, $0x4F;
	s31 =	sand.u32 $0x7F, s31;
	s19 =	sand.u32 $0xFF, s0  }
0x57: {  	s19 =	smul.u32 $0xAB, s19  }
0x58: {  	s31 =	smul.u32 $0x3, s31  }
0x59: {  	p2 =	sgt.u32 s23, $0x4B;
	s19 =	sshrl.u32 s19, $0x9;
	_ =	swait.ge [sflag:s17], $0x4000  }
0x5a: {  	s23 =	ssub.s32 s26, s31;
	s31 =	simm.s32 @!p2 $0x0;
	s19 =	smul.u32 $0x3, s19  }
0x5b: {  	s21 =	sadd.s32 @!p2 $0x4, s24;
	s24 =	sand.u32 $0xFF, s23;
	[sflag:s17] =	ssyncset.done $0x0  }
0x5c: {  	s0 =	ssub.s32 s0, s19;
	s19 =	sadd.s32 $0x1, s24;
	[sflag:s17] =	ssyncadd.s32 $0xFFFFC000  }
0x5d: {  	p1 =	sgt.u32 s26, $0x4C;
	s23 =	smov.u32 s26;
	s0 =	sand.u32 $0xFF, s0  }
0x5e: {  	[tilespmem:s28], [sflag:s21] =	stream.linear.gather @!p2 [hbm4b:s2+s31], $0x100, $0x38;
	[tilespmem:$0x1FF00] =	vst v63  }
0x5f: {  	p2 =	seq.s32 @!p1 s23, $0x0  }
0x60: {  	s2 =	simm.s32 @!p1 $0x80;
	s21 =	sshll.u32 @!p1 s0, $0xE;
	_ =	swait.ge [sflag:s19], $0x4000  }
0x61: {  	s26 =	sadd.s32 @!p1 $0x1, s0;
	p2 =	por p2, p1;
	[sflag:s19] =	ssyncset.done $0x0  }
0x62: {  	s31 =	sshll.u32 s24, $0xE;
	[sflag:s19] =	ssyncadd.s32 $0xFFFFC000;
	s19 =	sadd.s32 @!p2 $0x4, s0  }
0x63: {  	s21 =	sor.u32 @!p1 $0x300, s21;
	s0 =	sshll.u32 @!p1 s0, $0x8;
	_ =	swait.ge @!p2 [sflag:s19], $0x100  }
.Ltmp1:
0x64: {  	s28 =	sshll.u32 s24, $0x8;
	[sflag:s19] =	ssyncset.done @!p2 $0x0;
	(pc) =	sbr.rel @p0 .LBB2_4-.Ltmp1, $4  }
0x65: {  	s6 =	sor.u32 $0x300, s31;
	[sflag:s19] =	ssyncadd.s32 @!p2 $0xFFFFFF00;
	s19 =	sor.u32 $0x80, s28  }
0x66: {  	[tilespmem:s21], [sflag:s26] =	stream.indirect.gather @!p1 [hbm4b:s4+s2], $0x80, s0, s2, $0xb8;
	[tilespmem:$0x1FF00] =	vst v63  }
0x67: {  	s22 =	sadd.s32 $0x20, s22;
	s31 =	smul.u32 $0xAB, s30;
	s26 =	smov.u32 s30  }
0x68: {  	[spmem:s1] =	stream.indirect.scatter.add.f32 [tilespmem:s6], [sflag:$0x7], $0x80, s19, s20, $0xb8;
	[tilespmem:$0x1FF00] =	vst v63  }
0x69: {  	s0 =	sadd.s32 $0x2, s26;
	s2 =	sshrl.u32 s31, $0x9;
	_ =	swait.ge [sflag:s17], $0x4000  }
0x6a: {  	p1 =	sgt.u32 s23, $0x4B;
	s6 =	sand.u32 $0xFF, s0;
	s2 =	sand.u32 $0x7F, s2  }
0x6b: {  	s19 =	simm.s32 @!p1 $0x0;
	[sflag:s17] =	ssyncset.done $0x0;
	s6 =	smul.u32 $0xAB, s6  }
0x6c: {  	s21 =	sadd.s32 @!p1 $0x4, s24;
	s2 =	smul.u32 $0x3, s2;
	[sflag:s17] =	ssyncadd.s32 $0xFFFFC000  }
0x6d: {  	[tilespmem:s28], [sflag:s21] =	stream.linear.gather @!p1 [hbm4b:s25+s19], $0x100, $0x38;
	[tilespmem:$0x1FF00] =	vst v63  }
0x6e: {  	s6 =	sshrl.u32 s6, $0x9;
	s2 =	ssub.s32 s26, s2  }
0x6f: {  	s6 =	smul.u32 $0x3, s6;
	s2 =	sand.u32 $0xFF, s2  }
0x70: {  	p0 =	sgt.u32 s26, $0x4C;
	s30 =	sadd.s32 $0x1, s2  }
0x71: {  	p1 =	seq.s32 @!p0 s26, $0x0;
	s0 =	ssub.s32 s0, s6;
	_ =	swait.ge [sflag:s30], $0x4000  }
0x72: {  	p1 =	por p1, p0;
	s0 =	sand.u32 $0xFF, s0;
	[sflag:s30] =	ssyncset.done $0x0  }
0x73: {  	s31 =	sshll.u32 s2, $0xE;
	[sflag:s30] =	ssyncadd.s32 $0xFFFFC000;
	s19 =	sadd.s32 @!p1 $0x4, s0  }
0x74: {  	s25 =	sshll.u32 s2, $0x8;
	s6 =	simm.s32 @!p0 $0x80;
	_ =	swait.ge @!p1 [sflag:s19], $0x100  }
0x75: {  	s21 =	sshll.u32 @!p0 s0, $0xE;
	s23 =	sadd.s32 @!p0 $0x1, s0;
	[sflag:s19] =	ssyncset.done @!p1 $0x0  }
0x76: {  	s0 =	sshll.u32 @!p0 s0, $0x8;
	s21 =	sor.u32 @!p0 $0x300, s21;
	[sflag:s19] =	ssyncadd.s32 @!p1 $0xFFFFFF00  }
0x77: {  	[tilespmem:s21], [sflag:s23] =	stream.indirect.gather @!p0 [hbm4b:s4+s6], $0x80, s0, s6, $0xb8;
	[tilespmem:$0x1FF00] =	vst v63  }
0x78: {  	s28 =	sor.u32 $0x300, s31;
	s29 =	sor.u32 $0x80, s25  }
0x79: {  	[spmem:s1] =	stream.indirect.scatter.add.f32 [tilespmem:s28], [sflag:$0x7], $0x80, s29, s20, $0xb8;
	[tilespmem:$0x1FF00] =	vst v63  }
0x7a: {  	s3 =	sadd.s32 $0x1, s3;
	_ =	swait.ge [sflag:s17], $0x4000  }
0x7b: {  	s30 =	stileid.u32;
	p0 =	sgt.u32 s26, $0x4B;
	[sflag:s17] =	ssyncset.done $0x0  }
0x7c: {  	s0 =	simm.s32 @!p0 $0x0;
	s2 =	sadd.s32 @!p0 $0x4, s2;
	[sflag:s17] =	ssyncadd.s32 $0xFFFFC000  }
0x7d: {  	[tilespmem:s25], [sflag:s2] =	stream.linear.gather @!p0 [hbm4b:s22+s0], $0x100, $0x38;
	[tilespmem:$0x1FF00] =	vst v63  }
0x7e: {  	s31 =	sshrl.u32 s5, $0x3;
	s0 =	sshll.u32 s30, $0x6;
	p0 =	sne.s32 s3, s14  }
.Ltmp2:
0x7f: {  	[bflag:$0x0] =	sbarrier.arrive $0xFFFF;
	s0 =	sor.u32 $0x1C07, s0;
	(pc) =	sbr.rel @p0 .LBB2_1-.Ltmp2, $4  }
0x80: {  	[hbm:s13], [sflag:s0] =	dma.local [spmem:s31], $0x2780  }
0x81: {  	_ =	swait.ge [sflag:s17], $0x2780  }
0x82: {  	[sflag:s17] =	ssyncset.done $0x0  }
0x83: {  	[sflag:s17] =	ssyncadd.s32 $0xFFFFD880  }
0x84: {  	_ =	sfence.sel $0x180000  }
0x85: {  	[bflag:$0x0] =	sbarrier.arrive $0xFFFF  }
0x86: {  	_ =	strace $0x90000050  }
0x87: {  	s0 =	stileid.u32;
	[bflag:$0x2] =	sbarrier.arrive $0xFFFF  }
0x88: {  	p0 =	sne.s32 s0, $0x0;
	s0 =	rddreg [dreg:$0x2]  }
0x89: {  	s0 =	sadd.s32 @!p0 $0x100000, s0  }
0x8a: {  	[sflag:s0] =	ssyncadd.tile.s32 @!p0 $0x1;
	_ =	shalt  }
.Lfunc_end2:
_tile_overlayer_lowered:
.L_overlay_start_2:
0x8b: {  	(tag) =	ssettag $0x2  }
0x8c: {  	s0 =	rddreg [dreg:$0x0];
	s2 =	stileid.u32  }
0x8d: {  	s1 =	rddreg [dreg:$0x1];
	p0 =	sne.s32 s2, $0x0  }
0x8e: {  	s3 =	rddreg [dreg:$0x2];
	[bflag:$0x3] =	sbarrier.arrive $0xFFFF;
	s2 =	simm.s32 @!p0 $0x1C07  }
0x8f: {  	[timem:s3], [sflag:s2] =	dma.local @!p0 [hbm:s0], s1  }
0x90: {  	s0 =	simm.s32 @!p0 $0x7  }
0x91: {  	_ =	swait.ge @!p0 [sflag:s0], s1  }
0x92: {  	s1 =	ssub.s32 @!p0 $0x0, s1;
	[sflag:s0] =	ssyncset.done @!p0 $0x0  }
0x93: {  	[sflag:s0] =	ssyncadd.s32 @!p0 s1  }
0x94: {  	[bflag:$0x3] =	sbarrier.arrive $0xFFFF  }
0x95: {  	_ =	shalt  }

</sc_bundles>
